<compile_context>
chip_gen: v7x
topology: tpu7x:2x2x1
jax: 0.10.2.dev20260603
libtpu: 0.0.44.dev20260713+nightly
codegen_flags: <defaults>
</compile_context>

<pallas_src>
import functools

import jax
import jax.numpy as jnp
from jax import lax
from jax.experimental import pallas as pl
from jax.experimental.pallas import tpu as pltpu
from jax.experimental.pallas import tpu_sc as plsc

E = 320000
T = 1280000
D = 128
DDOWN = 64

BE = 2000
BT = 8000

SC_NC = 2
SC_NS = 16
NW = SC_NC * SC_NS
TW = T // NW
NVEC = TW // 16
DW = 2 * DDOWN
NPART = 125
EB = E // NPART
RPT = EB // SC_NS
CH = 112
TCAP = TW + CH
ZR = 40
JB = 2000
LRB = 14
LRM = (1 << LRB) - 1

_GDN = lax.GatherDimensionNumbers(
    offset_dims=(), collapsed_slice_dims=(0,), start_index_map=(0,))


def _lane_perm(x, idx):
    return lax.gather(x, idx[:, None], _GDN, slice_sizes=(1,),
                      mode=lax.GatherScatterMode.PROMISE_IN_BOUNDS)


def _swish(v):
    return v * jax.nn.sigmoid(v)


def _prologue_body(x_ref, rbf_ref, Wji_ref, bji_ref, Wkj_ref, bkj_ref,
                   Wrbf_ref, Wdown_ref, xji_ref, xkjd_ref):
    x = x_ref[...]
    xji = _swish(jnp.dot(x, Wji_ref[...], preferred_element_type=jnp.float32)
                 + bji_ref[...])
    xkj = _swish(jnp.dot(x, Wkj_ref[...], preferred_element_type=jnp.float32)
                 + bkj_ref[...])
    rbf_e = jnp.dot(rbf_ref[...], Wrbf_ref[...],
                    preferred_element_type=jnp.float32)
    xkj = xkj * rbf_e
    xkjd = _swish(jnp.dot(xkj, Wdown_ref[...],
                          preferred_element_type=jnp.float32))
    xji_ref[...] = xji
    xkjd_ref[...] = jnp.concatenate([xkjd, xkjd], axis=1)


def _prologue(x, rbf, W_ji, b_ji, W_kj, b_kj, W_rbf_c, W_down):
    grid = (E // BE,)
    return pl.pallas_call(
        _prologue_body,
        grid=grid,
        in_specs=[
            pl.BlockSpec((BE, D), lambda i: (i, 0)),
            pl.BlockSpec((BE, rbf.shape[1]), lambda i: (i, 0)),
            pl.BlockSpec((D, D), lambda i: (0, 0)),
            pl.BlockSpec((D,), lambda i: (0,)),
            pl.BlockSpec((D, D), lambda i: (0, 0)),
            pl.BlockSpec((D,), lambda i: (0,)),
            pl.BlockSpec((rbf.shape[1], D), lambda i: (0, 0)),
            pl.BlockSpec((D, DDOWN), lambda i: (0, 0)),
        ],
        out_specs=[
            pl.BlockSpec((BE, D), lambda i: (i, 0)),
            pl.BlockSpec((BE, 2 * DDOWN), lambda i: (i, 0)),
        ],
        out_shape=[
            jax.ShapeDtypeStruct((E, D), jnp.float32),
            jax.ShapeDtypeStruct((E, 2 * DDOWN), jnp.float32),
        ],
    )(x, rbf, W_ji, b_ji, W_kj, b_kj, W_rbf_c, W_down)


def _sbf_body(sbf_ref, Wsbf_ref, out_ref):
    e = jnp.dot(sbf_ref[...], Wsbf_ref[...],
                preferred_element_type=jnp.float32)
    out_ref[...] = jnp.concatenate([e, e], axis=1)


def _sbf_embed(sbf, W_sbf_c):
    grid = (T // BT,)
    return pl.pallas_call(
        _sbf_body,
        grid=grid,
        in_specs=[
            pl.BlockSpec((BT, sbf.shape[1]), lambda i: (i, 0)),
            pl.BlockSpec((sbf.shape[1], DDOWN), lambda i: (0, 0)),
        ],
        out_specs=pl.BlockSpec((BT, 2 * DDOWN), lambda i: (i, 0)),
        out_shape=jax.ShapeDtypeStruct((T, 2 * DDOWN), jnp.float32),
    )(sbf, W_sbf_c)


def _sc_middle_body(xkjd_hbm, sbf_hbm, kj_hbm, ji_hbm, out_hbm,
                    binbuf, jibuf, histf, offf, gtid, kjc, lrow,
                    xbuf, sbuf, zbuf, pstart, seg_sp,
                    semj, semk, semx, sems):
    c = lax.axis_index("c")
    s = lax.axis_index("s")
    wid = s * SC_NC + c
    t0 = wid * TW
    lane = jnp.arange(16, dtype=jnp.int32)
    zf = jnp.zeros((16,), jnp.float32)
    zi = jnp.zeros((16,), jnp.int32)
    ones = jnp.ones((16,), jnp.int32)

    def zrow(i, _):
        for q in range(DDOWN // 16):
            zbuf[i, pl.ds(q * 16, 16)] = zf
        return 0
    lax.fori_loop(0, ZR, zrow, 0)

    for v in range((TCAP - TW) // 16):
        binbuf[pl.ds(TW + v * 16, 16)] = zi

    def zhist(i, _):
        histf[pl.ds(i * 16, 16)] = zi
        return 0
    lax.fori_loop(0, NPART, zhist, 0)

    def hist_blk(blk, _):
        pltpu.async_copy(ji_hbm.at[pl.ds(t0 + blk * JB, JB)], jibuf, semj
                         ).wait()

        def hv(v, _):
            jiv = jibuf[pl.ds(v * 16, 16)]
            p = jiv // EB
            plsc.addupdate_scatter(histf, [p * 16 + lane], ones)
            return 0
        lax.fori_loop(0, JB // 16, hv, 0)
        return 0
    lax.fori_loop(0, TW // JB, hist_blk, 0)

    def off_p(p, carry):
        h = histf[pl.ds(p * 16, 16)]
        incl = h
        for d in (1, 2, 4, 8):
            g = _lane_perm(incl, jnp.maximum(lane - d, 0))
            incl = incl + jnp.where(lane >= d, g, 0)
        offf[pl.ds(p * 16, 16)] = incl - h + carry
        pstart[p] = carry
        return carry + incl[15]
    total = lax.fori_loop(0, NPART, off_p, jnp.int32(0))
    pstart[NPART] = total

    def perm_blk(blk, _):
        pltpu.async_copy(ji_hbm.at[pl.ds(t0 + blk * JB, JB)], jibuf, semj
                         ).wait()

        def pv(v, _):
            jiv = jibuf[pl.ds(v * 16, 16)]
            p = jiv // EB
            idx = p * 16 + lane
            base = plsc.load_gather(offf, [idx])
            plsc.store_scatter(offf, [idx], base + 1)
            tid = blk * JB + v * 16 + lane
            enc = (tid << LRB) | (jiv - p * EB)
            plsc.store_scatter(binbuf, [base], enc)
            return 0
        lax.fori_loop(0, JB // 16, pv, 0)
        return 0
    lax.fori_loop(0, TW // JB, perm_blk, 0)

    def pass_body(p, _):
        for k in range(RPT // ZR):
            pltpu.sync_copy(zbuf, seg_sp.at[pl.ds(s * RPT + k * ZR, ZR)])
        plsc.subcore_barrier()

        start = pstart[p]
        cnt = pstart[p + 1] - start
        nch = (cnt + CH - 1) // CH

        def stage1(ch):
            b4 = jnp.bitwise_and(ch, 3)
            base = start + ch * CH
            for v in range(CH // 16):
                enc = binbuf[pl.ds(base + v * 16, 16)]
                valid = (ch * CH + v * 16 + lane) < cnt
                gtid[b4, pl.ds(v * 16, 16)] = (enc >> LRB) + t0
                lrow[b4, pl.ds(v * 16, 16)] = jnp.where(
                    valid, enc & LRM, EB + s)
            pltpu.async_copy(kj_hbm.at[gtid.at[b4]], kjc.at[b4], semk.at[b4])

        def stage2(ch):
            b4 = jnp.bitwise_and(ch, 3)
            b2 = jnp.bitwise_and(ch, 1)
            pltpu.make_async_copy(kj_hbm.at[gtid.at[b4]], kjc.at[b4],
                                  semk.at[b4]).wait()
            pltpu.async_copy(xkjd_hbm.at[kjc.at[b4]], xbuf.at[b2],
                             semx.at[b2])
            pltpu.async_copy(sbf_hbm.at[gtid.at[b4]], sbuf.at[b2],
                             sems.at[b2])

        @pl.when(nch > 0)
        def _():
            stage1(jnp.int32(0))
            stage2(jnp.int32(0))

        @pl.when(nch > 1)
        def _():
            stage1(jnp.int32(1))

        def chunk(ch, _):
            b4 = jnp.bitwise_and(ch, 3)
            b2 = jnp.bitwise_and(ch, 1)
            pltpu.make_async_copy(xkjd_hbm.at[kjc.at[b4]], xbuf.at[b2],
                                  semx.at[b2]).wait()
            pltpu.make_async_copy(sbf_hbm.at[gtid.at[b4]], sbuf.at[b2],
                                  sems.at[b2]).wait()

            @pl.when(ch + 2 < nch)
            def _():
                stage1(ch + 2)

            def mul(r, _):
                for q in range(DDOWN // 16):
                    xbuf[b2, r, pl.ds(q * 16, 16)] = (
                        xbuf[b2, r, pl.ds(q * 16, 16)]
                        * sbuf[b2, r, pl.ds(q * 16, 16)])
                return 0
            lax.fori_loop(0, CH, mul, 0)

            @pl.when(ch + 1 < nch)
            def _():
                stage2(ch + 1)

            pltpu.sync_copy(xbuf.at[b2], seg_sp.at[lrow.at[b4]], add=True)
            return 0
        lax.fori_loop(0, nch, chunk, 0)
        plsc.subcore_barrier()

        pltpu.sync_copy(seg_sp.at[pl.ds(s * RPT, RPT)],
                        out_hbm.at[c, pl.ds(p * EB + s * RPT, RPT)])
        return 0
    lax.fori_loop(0, NPART, pass_body, 0)


def _sc_middle(xkjd, sbf_e, edge_idx_kj, edge_idx_ji):
    mesh = plsc.VectorSubcoreMesh(core_axis_name="c", subcore_axis_name="s")
    f = pl.kernel(
        _sc_middle_body,
        mesh=mesh,
        compiler_params=pltpu.CompilerParams(needs_layout_passes=False,
                                             use_tc_tiling_on_sc=False),
        out_type=jax.ShapeDtypeStruct((SC_NC, E, DW), jnp.float32),
        scratch_types=[
            pltpu.VMEM((TCAP,), jnp.int32),
            pltpu.VMEM((JB,), jnp.int32),
            pltpu.VMEM((NPART * 16,), jnp.int32),
            pltpu.VMEM((NPART * 16,), jnp.int32),
            pltpu.VMEM((4, CH), jnp.int32),
            pltpu.VMEM((4, CH), jnp.int32),
            pltpu.VMEM((4, CH), jnp.int32),
            pltpu.VMEM((2, CH, DW), jnp.float32),
            pltpu.VMEM((2, CH, DW), jnp.float32),
            pltpu.VMEM((ZR, DW), jnp.float32),
            pltpu.SMEM((NPART + 1,), jnp.int32),
            pltpu.VMEM_SHARED((EB + SC_NS, DW), jnp.float32),
            pltpu.SemaphoreType.DMA,
            pltpu.SemaphoreType.DMA((4,)),
            pltpu.SemaphoreType.DMA((2,)),
            pltpu.SemaphoreType.DMA((2,)),
        ],
    )
    return f(xkjd, sbf_e, edge_idx_kj, edge_idx_ji)


def _epilogue_body(seg0_ref, seg1_ref, xji_ref, x_ref, Wup_ref,
                   Wr1a_ref, br1a_ref, Wr1b_ref, br1b_ref,
                   Wbs_ref, bbs_ref,
                   Wr2a_ref, br2a_ref, Wr2b_ref, br2b_ref,
                   Wr3a_ref, br3a_ref, Wr3b_ref, br3b_ref,
                   out_ref):
    def mm(a, b):
        return jnp.dot(a, b, preferred_element_type=jnp.float32)

    def res(h, Wa, ba, Wb, bb):
        return h + _swish(mm(_swish(mm(h, Wa) + ba), Wb) + bb)

    xkj = _swish(mm(seg0_ref[...] + seg1_ref[...], Wup_ref[...]))
    h = xji_ref[...] + xkj
    h = res(h, Wr1a_ref[...], br1a_ref[...], Wr1b_ref[...], br1b_ref[...])
    h = _swish(mm(h, Wbs_ref[...]) + bbs_ref[...])
    out = h + x_ref[...]
    out = res(out, Wr2a_ref[...], br2a_ref[...], Wr2b_ref[...], br2b_ref[...])
    out = res(out, Wr3a_ref[...], br3a_ref[...], Wr3b_ref[...], br3b_ref[...])
    out_ref[...] = out


def _epilogue(seg0, seg1, xji, x, W_up,
              W_res1a, b_res1a, W_res1b, b_res1b, W_bs, b_bs,
              W_res2a, b_res2a, W_res2b, b_res2b,
              W_res3a, b_res3a, W_res3b, b_res3b):
    grid = (E // BE,)
    full = lambda shape: pl.BlockSpec(shape, lambda i: tuple(0 for _ in shape))
    return pl.pallas_call(
        _epilogue_body,
        grid=grid,
        in_specs=[
            pl.BlockSpec((BE, DW), lambda i: (i, 0)),
            pl.BlockSpec((BE, DW), lambda i: (i, 0)),
            pl.BlockSpec((BE, D), lambda i: (i, 0)),
            pl.BlockSpec((BE, D), lambda i: (i, 0)),
            full((DW, D)),
            full((D, D)), full((D,)), full((D, D)), full((D,)),
            full((D, D)), full((D,)),
            full((D, D)), full((D,)), full((D, D)), full((D,)),
            full((D, D)), full((D,)), full((D, D)), full((D,)),
        ],
        out_specs=pl.BlockSpec((BE, D), lambda i: (i, 0)),
        out_shape=jax.ShapeDtypeStruct((E, D), jnp.float32),
    )(seg0, seg1, xji, x, W_up,
      W_res1a, b_res1a, W_res1b, b_res1b, W_bs, b_bs,
      W_res2a, b_res2a, W_res2b, b_res2b,
      W_res3a, b_res3a, W_res3b, b_res3b)


def kernel(x, rbf, sbf, edge_idx_kj, edge_idx_ji, W_rbf1, W_rbf2, W_sbf1,
           W_sbf2, W_kj, b_kj, W_ji, b_ji, W_down, W_up, W_res1a, b_res1a,
           W_res1b, b_res1b, W_bs, b_bs, W_res2a, b_res2a, W_res2b, b_res2b,
           W_res3a, b_res3a, W_res3b, b_res3b):
    W_rbf_c = W_rbf1 @ W_rbf2
    W_sbf_c = W_sbf1 @ W_sbf2
    W_up_p = jnp.concatenate([W_up, jnp.zeros_like(W_up)], axis=0)

    xji, xkjd = _prologue(x, rbf, W_ji, b_ji, W_kj, b_kj, W_rbf_c, W_down)
    sbf_e = _sbf_embed(sbf, W_sbf_c)

    partials = _sc_middle(xkjd, sbf_e,
                          edge_idx_kj.astype(jnp.int32),
                          edge_idx_ji.astype(jnp.int32))

    return _epilogue(partials[0], partials[1], xji, x, W_up_p,
                     W_res1a, b_res1a, W_res1b, b_res1b, W_bs, b_bs,
                     W_res2a, b_res2a, W_res2b, b_res2b,
                     W_res3a, b_res3a, W_res3b, b_res3b)

# --- scband reference (transcript-rebuilt; emitter-appended) ---
"""Pipeline reference for scband-dim-net-ppinteraction-48490180772449 (READ-ONLY COPY).

The authoritative reference and input builder live on the scoring server;
editing this copy changes nothing except your own understanding.
"""

import jax, jax.numpy as jnp
import numpy as np

E = 320000
T = 1280000
D = 128
NRAD = 6
NSPH = 7
DDOWN = 64
DBASIS = 8


def _swish(v):
    return v * jax.nn.sigmoid(v)


def setup_inputs(seed: int = 0) -> dict:
    key = jax.random.key(seed)
    ks = jax.random.split(key, 32)

    def g(k, shape):
        return jax.random.normal(k, shape, dtype=jnp.float32) * (1.0 / np.sqrt(shape[0]))

    inp = {
        "x": jax.random.normal(ks[0], (E, D), dtype=jnp.float32),
        "rbf": jax.random.uniform(ks[1], (E, NRAD), dtype=jnp.float32),
        "sbf": jax.random.uniform(ks[2], (T, NSPH * NRAD), dtype=jnp.float32),
        "edge_idx_kj": jax.random.randint(ks[3], (T,), 0, E, dtype=jnp.int64) if jax.config.jax_enable_x64 else jax.random.randint(ks[3], (T,), 0, E).astype(jnp.int32),
        "edge_idx_ji": jax.random.randint(ks[4], (T,), 0, E, dtype=jnp.int64) if jax.config.jax_enable_x64 else jax.random.randint(ks[4], (T,), 0, E).astype(jnp.int32),
        "W_rbf1": g(ks[5], (NRAD, DBASIS)),
        "W_rbf2": g(ks[6], (DBASIS, D)),
        "W_sbf1": g(ks[7], (NSPH * NRAD, DBASIS)),
        "W_sbf2": g(ks[8], (DBASIS, DDOWN)),
        "W_kj": g(ks[9], (D, D)), "b_kj": jnp.zeros((D,), dtype=jnp.float32),
        "W_ji": g(ks[10], (D, D)), "b_ji": jnp.zeros((D,), dtype=jnp.float32),
        "W_down": g(ks[11], (D, DDOWN)),
        "W_up": g(ks[12], (DDOWN, D)),
        "W_res1a": g(ks[13], (D, D)), "b_res1a": jnp.zeros((D,), dtype=jnp.float32),
        "W_res1b": g(ks[14], (D, D)), "b_res1b": jnp.zeros((D,), dtype=jnp.float32),
        "W_bs": g(ks[15], (D, D)), "b_bs": jnp.zeros((D,), dtype=jnp.float32),
        "W_res2a": g(ks[16], (D, D)), "b_res2a": jnp.zeros((D,), dtype=jnp.float32),
        "W_res2b": g(ks[17], (D, D)), "b_res2b": jnp.zeros((D,), dtype=jnp.float32),
        "W_res3a": g(ks[18], (D, D)), "b_res3a": jnp.zeros((D,), dtype=jnp.float32),
        "W_res3b": g(ks[19], (D, D)), "b_res3b": jnp.zeros((D,), dtype=jnp.float32),
    }
    return inp


def _res_block(h, Wa, ba, Wb, bb):
    # DimeNet ResidualBlock: h + act(lin2(act(lin1(h))))
    return h + _swish(_swish(h @ Wa + ba) @ Wb + bb)


def reference(x, rbf, sbf, edge_idx_kj, edge_idx_ji,
              W_rbf1, W_rbf2, W_sbf1, W_sbf2,
              W_kj, b_kj, W_ji, b_ji, W_down, W_up,
              W_res1a, b_res1a, W_res1b, b_res1b,
              W_bs, b_bs,
              W_res2a, b_res2a, W_res2b, b_res2b,
              W_res3a, b_res3a, W_res3b, b_res3b):
    x_ji = _swish(x @ W_ji + b_ji)
    x_kj = _swish(x @ W_kj + b_kj)
    rbf_e = (rbf @ W_rbf1) @ W_rbf2
    x_kj = x_kj * rbf_e
    x_kj = _swish(x_kj @ W_down)
    sbf_e = (sbf @ W_sbf1) @ W_sbf2
    x_kj = jnp.take(x_kj, edge_idx_kj, axis=0) * sbf_e
    x_kj = jax.ops.segment_sum(x_kj, edge_idx_ji, num_segments=x.shape[0])
    x_kj = _swish(x_kj @ W_up)
    h = x_ji + x_kj
    h = _res_block(h, W_res1a, b_res1a, W_res1b, b_res1b)
    h = _swish(h @ W_bs + b_bs)
    out = h + x
    out = _res_block(out, W_res2a, b_res2a, W_res2b, b_res2b)
    out = _res_block(out, W_res3a, b_res3a, W_res3b, b_res3b)
    return out

if __name__ == "__main__":
    import jax
    _d = setup_inputs()
    print(jax.jit(kernel)(*tuple(_d.values())))

</pallas_src>

<mosaic_0001>
#map = affine_map<(d0, d1) -> (0, 0)>
#map1 = affine_map<(d0, d1) -> (0)>
#map2 = affine_map<(d0, d1) -> (0, 0, 0)>
module attributes {stable_mosaic.version = 14 : i64} {
  func.func @_sc_middle_body(%arg0: i32, %arg1: i32, %arg2: memref<320000x128xf32, #tpu.memory_space<hbm>>, %arg3: memref<1280000x128xf32, #tpu.memory_space<hbm>>, %arg4: memref<1280000xi32, #tpu.memory_space<hbm>>, %arg5: memref<1280000xi32, #tpu.memory_space<hbm>>, %arg6: memref<2x320000x128xf32, #tpu.memory_space<hbm>>, %arg7: memref<40112xi32, #tpu.memory_space<vmem>>, %arg8: memref<2000xi32, #tpu.memory_space<vmem>>, %arg9: memref<2000xi32, #tpu.memory_space<vmem>>, %arg10: memref<2000xi32, #tpu.memory_space<vmem>>, %arg11: memref<4x112xi32, #tpu.memory_space<vmem>>, %arg12: memref<4x112xi32, #tpu.memory_space<vmem>>, %arg13: memref<4x112xi32, #tpu.memory_space<vmem>>, %arg14: memref<2x112x128xf32, #tpu.memory_space<vmem>>, %arg15: memref<2x112x128xf32, #tpu.memory_space<vmem>>, %arg16: memref<40x128xf32, #tpu.memory_space<vmem>>, %arg17: memref<126xi32, #tpu.memory_space<smem>>, %arg18: memref<2576x128xf32, #tpu.memory_space<vmem_shared>>, %arg19: memref<!tpu.dma_semaphore, #tpu.memory_space<semaphore_mem>>, %arg20: memref<4x!tpu.dma_semaphore, #tpu.memory_space<semaphore_mem>>, %arg21: memref<2x!tpu.dma_semaphore, #tpu.memory_space<semaphore_mem>>, %arg22: memref<2x!tpu.dma_semaphore, #tpu.memory_space<semaphore_mem>>) attributes {dimension_semantics = [#tpu.dimension_semantics<core_parallel>, #tpu.dimension_semantics<subcore_parallel>], iteration_bounds = array<i64: 2, 16>, scalar_prefetch = 0 : i64, scratch_operands = 16 : i64, tpu.core_type = #tpu.core_type<sc_vector_subcore>, window_params = [{transform_indices = #map}, {transform_indices = #map}, {transform_indices = #map1}, {transform_indices = #map1}, {transform_indices = #map2}]} {
    %mul3A = arith.constant 2 : i32
    %mul3A_0 = arith.muli %arg1, %mul3A : i32
    %add3A = arith.addi %mul3A_0, %arg0 : i32
    %mul3A_1 = arith.constant 40000 : i32
    %mul3A_2 = arith.muli %add3A, %mul3A_1 : i32
    %iota3A = tpu.iota {dimensions = array<i32: 0>} : vector<16xi32>
    %broadcast_in_dim3A = arith.constant 0.000000e+00 : f32
    %broadcast_in_dim3A_3 = vector.broadcast %broadcast_in_dim3A : f32 to vector<16xf32>
    %broadcast_in_dim3A_4 = arith.constant 0 : i32
    %broadcast_in_dim3A_5 = vector.broadcast %broadcast_in_dim3A_4 : i32 to vector<16xi32>
    %broadcast_in_dim3A_6 = arith.constant 1 : i32
    %broadcast_in_dim3A_7 = vector.broadcast %broadcast_in_dim3A_6 : i32 to vector<16xi32>
    %scan3A = arith.constant 0 : i32
    %scan3A_8 = arith.constant 0 : i32
    %scan3A_9 = arith.constant 40 : i32
    %scan3A_10 = arith.addi %scan3A_8, %scan3A_9 : i32
    %scan3A_11 = arith.constant 1 : i32
    %scan3A_12 = scf.for %scan3A_65 = %scan3A_8 to %scan3A_10 step %scan3A_11 iter_args(%scan3A_66 = %scan3A) -> (i32)  : i32 {
      %swap3A_67 = arith.index_cast %scan3A_65 : i32 to index
      %swap3A_68 = arith.constant 0 : index
      %swap3A_69 = tpu.vector_load %arg16[%swap3A_67, %swap3A_68] {strides = array<i32>} : memref<40x128xf32, #tpu.memory_space<vmem>>, vector<16xf32>,
      tpu.vector_store %arg16[%swap3A_67, %swap3A_68], %broadcast_in_dim3A_3 {strides = array<i32>} : memref<40x128xf32, #tpu.memory_space<vmem>>, vector<16xf32>,
      %swap3A_70 = arith.index_cast %scan3A_65 : i32 to index
      %swap3A_71 = arith.constant 16 : index
      %swap3A_72 = tpu.vector_load %arg16[%swap3A_70, %swap3A_71] {strides = array<i32>} : memref<40x128xf32, #tpu.memory_space<vmem>>, vector<16xf32>,
      tpu.vector_store %arg16[%swap3A_70, %swap3A_71], %broadcast_in_dim3A_3 {strides = array<i32>} : memref<40x128xf32, #tpu.memory_space<vmem>>, vector<16xf32>,
      %swap3A_73 = arith.index_cast %scan3A_65 : i32 to index
      %swap3A_74 = arith.constant 32 : index
      %swap3A_75 = tpu.vector_load %arg16[%swap3A_73, %swap3A_74] {strides = array<i32>} : memref<40x128xf32, #tpu.memory_space<vmem>>, vector<16xf32>,
      tpu.vector_store %arg16[%swap3A_73, %swap3A_74], %broadcast_in_dim3A_3 {strides = array<i32>} : memref<40x128xf32, #tpu.memory_space<vmem>>, vector<16xf32>,
      %swap3A_76 = arith.index_cast %scan3A_65 : i32 to index
      %swap3A_77 = arith.constant 48 : index
      %swap3A_78 = tpu.vector_load %arg16[%swap3A_76, %swap3A_77] {strides = array<i32>} : memref<40x128xf32, #tpu.memory_space<vmem>>, vector<16xf32>,
      tpu.vector_store %arg16[%swap3A_76, %swap3A_77], %broadcast_in_dim3A_3 {strides = array<i32>} : memref<40x128xf32, #tpu.memory_space<vmem>>, vector<16xf32>,
      %scan3A_79 = arith.constant 0 : i32
      scf.yield %scan3A_79 : i32
    }
    %scan3A_13 = arith.constant 40 : i32
    %swap3A = arith.constant 40000 : index
    %swap3A_14 = tpu.vector_load %arg7[%swap3A] {strides = array<i32>} : memref<40112xi32, #tpu.memory_space<vmem>>, vector<16xi32>,
    tpu.vector_store %arg7[%swap3A], %broadcast_in_dim3A_5 {strides = array<i32>} : memref<40112xi32, #tpu.memory_space<vmem>>, vector<16xi32>,
    %swap3A_15 = arith.constant 40016 : index
    %swap3A_16 = tpu.vector_load %arg7[%swap3A_15] {strides = array<i32>} : memref<40112xi32, #tpu.memory_space<vmem>>, vector<16xi32>,
    tpu.vector_store %arg7[%swap3A_15], %broadcast_in_dim3A_5 {strides = array<i32>} : memref<40112xi32, #tpu.memory_space<vmem>>, vector<16xi32>,
    %swap3A_17 = arith.constant 40032 : index
    %swap3A_18 = tpu.vector_load %arg7[%swap3A_17] {strides = array<i32>} : memref<40112xi32, #tpu.memory_space<vmem>>, vector<16xi32>,
    tpu.vector_store %arg7[%swap3A_17], %broadcast_in_dim3A_5 {strides = array<i32>} : memref<40112xi32, #tpu.memory_space<vmem>>, vector<16xi32>,
    %swap3A_19 = arith.constant 40048 : index
    %swap3A_20 = tpu.vector_load %arg7[%swap3A_19] {strides = array<i32>} : memref<40112xi32, #tpu.memory_space<vmem>>, vector<16xi32>,
    tpu.vector_store %arg7[%swap3A_19], %broadcast_in_dim3A_5 {strides = array<i32>} : memref<40112xi32, #tpu.memory_space<vmem>>, vector<16xi32>,
    %swap3A_21 = arith.constant 40064 : index
    %swap3A_22 = tpu.vector_load %arg7[%swap3A_21] {strides = array<i32>} : memref<40112xi32, #tpu.memory_space<vmem>>, vector<16xi32>,
    tpu.vector_store %arg7[%swap3A_21], %broadcast_in_dim3A_5 {strides = array<i32>} : memref<40112xi32, #tpu.memory_space<vmem>>, vector<16xi32>,
    %swap3A_23 = arith.constant 40080 : index
    %swap3A_24 = tpu.vector_load %arg7[%swap3A_23] {strides = array<i32>} : memref<40112xi32, #tpu.memory_space<vmem>>, vector<16xi32>,
    tpu.vector_store %arg7[%swap3A_23], %broadcast_in_dim3A_5 {strides = array<i32>} : memref<40112xi32, #tpu.memory_space<vmem>>, vector<16xi32>,
    %swap3A_25 = arith.constant 40096 : index
    %swap3A_26 = tpu.vector_load %arg7[%swap3A_25] {strides = array<i32>} : memref<40112xi32, #tpu.memory_space<vmem>>, vector<16xi32>,
    tpu.vector_store %arg7[%swap3A_25], %broadcast_in_dim3A_5 {strides = array<i32>} : memref<40112xi32, #tpu.memory_space<vmem>>, vector<16xi32>,
    %scan3A_27 = arith.constant 0 : i32
    %scan3A_28 = arith.constant 0 : i32
    %scan3A_29 = arith.constant 125 : i32
    %scan3A_30 = arith.addi %scan3A_28, %scan3A_29 : i32
    %scan3A_31 = arith.constant 1 : i32
    %scan3A_32 = scf.for %scan3A_65 = %scan3A_28 to %scan3A_30 step %scan3A_31 iter_args(%scan3A_66 = %scan3A_27) -> (i32)  : i32 {
      %mul3A_67 = arith.constant 16 : i32
      %mul3A_68 = arith.muli %scan3A_65, %mul3A_67 : i32
      %swap3A_69 = arith.index_cast %mul3A_68 : i32 to index
      %swap3A_70 = tpu.vector_load %arg9[%swap3A_69] {strides = array<i32>} : memref<2000xi32, #tpu.memory_space<vmem>>, vector<16xi32>,
      tpu.vector_store %arg9[%swap3A_69], %broadcast_in_dim3A_5 {strides = array<i32>} : memref<2000xi32, #tpu.memory_space<vmem>>, vector<16xi32>,
      %scan3A_71 = arith.constant 0 : i32
      scf.yield %scan3A_71 : i32
    }
    %scan3A_33 = arith.constant 125 : i32
    %scan3A_34 = arith.constant 0 : i32
    %scan3A_35 = arith.constant 0 : i32
    %scan3A_36 = arith.constant 20 : i32
    %scan3A_37 = arith.addi %scan3A_35, %scan3A_36 : i32
    %scan3A_38 = arith.constant 1 : i32
    %scan3A_39 = scf.for %scan3A_65 = %scan3A_35 to %scan3A_37 step %scan3A_38 iter_args(%scan3A_66 = %scan3A_34) -> (i32)  : i32 {
      %mul3A_67 = arith.constant 2000 : i32
      %mul3A_68 = arith.muli %scan3A_65, %mul3A_67 : i32
      %add3A_69 = arith.addi %mul3A_2, %mul3A_68 : i32
      %dma_start3A = tpu.memref_slice %arg5[%add3A_69] : memref<1280000xi32, #tpu.memory_space<hbm>> -> memref<2000xi32, #tpu.memory_space<hbm>>
      %dma_start3A_70 = tpu.memref_slice %arg5[%add3A_69] : memref<1280000xi32, #tpu.memory_space<hbm>> -> memref<2000xi32, #tpu.memory_space<hbm>>
      tpu.enqueue_dma source(%dma_start3A_70 : memref<2000xi32, #tpu.memory_space<hbm>>) target(%arg8 : memref<2000xi32, #tpu.memory_space<vmem>>) target_semaphore(%arg19 : memref<!tpu.dma_semaphore, #tpu.memory_space<semaphore_mem>>)
      %dma_wait3A = tpu.memref_slice %arg5[%add3A_69] : memref<1280000xi32, #tpu.memory_space<hbm>> -> memref<2000xi32, #tpu.memory_space<hbm>>
      %dma_wait3A_71 = tpu.memref_slice %arg5[%add3A_69] : memref<1280000xi32, #tpu.memory_space<hbm>> -> memref<2000xi32, #tpu.memory_space<hbm>>
      tpu.wait_dma2 semaphore(%arg19 : memref<!tpu.dma_semaphore, #tpu.memory_space<semaphore_mem>>) src(%dma_wait3A_71 : memref<2000xi32, #tpu.memory_space<hbm>>) dst(%arg8 : memref<2000xi32, #tpu.memory_space<vmem>>)
      %scan3A_72 = arith.constant 0 : i32
      %scan3A_73 = arith.constant 0 : i32
      %scan3A_74 = arith.constant 125 : i32
      %scan3A_75 = arith.addi %scan3A_73, %scan3A_74 : i32
      %scan3A_76 = arith.constant 1 : i32
      %scan3A_77 = scf.for %scan3A_80 = %scan3A_73 to %scan3A_75 step %scan3A_76 iter_args(%scan3A_81 = %scan3A_72) -> (i32)  : i32 {
        %mul3A_82 = arith.constant 16 : i32
        %mul3A_83 = arith.muli %scan3A_80, %mul3A_82 : i32
        %get3A = arith.index_cast %mul3A_83 : i32 to index
        %get3A_84 = tpu.vector_load %arg8[%get3A] {strides = array<i32>} : memref<2000xi32, #tpu.memory_space<vmem>>, vector<16xi32>,
        %jit3A = arith.constant 2560 : i32
        %div3A = vector.broadcast %jit3A : i32 to vector<16xi32>
        %div3A_85 = arith.divsi %get3A_84, %div3A : vector<16xi32>
        %sign3A = arith.constant 0 : i32
        %sign3A_86 = vector.broadcast %sign3A : i32 to vector<16xi32>
        %sign3A_87 = arith.cmpi sgt, %get3A_84, %sign3A_86 : vector<16xi32>
        %sign3A_88 = arith.extui %sign3A_87 : vector<16xi1> to vector<16xi32>
        %sign3A_89 = arith.constant 0 : i32
        %sign3A_90 = vector.broadcast %sign3A_89 : i32 to vector<16xi32>
        %sign3A_91 = arith.cmpi slt, %get3A_84, %sign3A_90 : vector<16xi32>
        %sign3A_92 = arith.extui %sign3A_91 : vector<16xi1> to vector<16xi32>
        %sign3A_93 = arith.subi %sign3A_88, %sign3A_92 : vector<16xi32>
        %sign3A_94 = arith.constant 0 : i32
        %sign3A_95 = arith.cmpi sgt, %jit3A, %sign3A_94 : i32
        %sign3A_96 = arith.extui %sign3A_95 : i1 to i32
        %sign3A_97 = arith.constant 0 : i32
        %sign3A_98 = arith.cmpi slt, %jit3A, %sign3A_97 : i32
        %sign3A_99 = arith.extui %sign3A_98 : i1 to i32
        %sign3A_100 = arith.subi %sign3A_96, %sign3A_99 : i32
        %ne3A = vector.broadcast %sign3A_100 : i32 to vector<16xi32>
        %ne3A_101 = arith.cmpi ne, %sign3A_93, %ne3A : vector<16xi32>
        %rem3A = vector.broadcast %jit3A : i32 to vector<16xi32>
        %rem3A_102 = arith.remsi %get3A_84, %rem3A : vector<16xi32>
        %ne3A_103 = arith.constant 0 : i32
        %ne3A_104 = vector.broadcast %ne3A_103 : i32 to vector<16xi32>
        %ne3A_105 = arith.cmpi ne, %rem3A_102, %ne3A_104 : vector<16xi32>
        %and3A = arith.andi %ne3A_101, %ne3A_105 : vector<16xi1>
        %sub3A = arith.constant 1 : i32
        %sub3A_106 = vector.broadcast %sub3A : i32 to vector<16xi32>
        %sub3A_107 = arith.subi %div3A_85, %sub3A_106 : vector<16xi32>
        %select_n3A = arith.select %and3A, %sub3A_107, %div3A_85 : vector<16xi1>, vector<16xi32>
        %mul3A_108 = arith.constant 16 : i32
        %mul3A_109 = vector.broadcast %mul3A_108 : i32 to vector<16xi32>
        %mul3A_110 = arith.muli %select_n3A, %mul3A_109 : vector<16xi32>
        %add3A_111 = arith.addi %mul3A_110, %iota3A : vector<16xi32>
        tpu.vector_store_idx %arg9[%add3A_111], %broadcast_in_dim3A_7 {add = true} : memref<2000xi32, #tpu.memory_space<vmem>>[vector<16xi32>], vector<16xi32>,
        %scan3A_112 = arith.constant 0 : i32
        scf.yield %scan3A_112 : i32
      }
      %scan3A_78 = arith.constant 125 : i32
      %scan3A_79 = arith.constant 0 : i32
      scf.yield %scan3A_79 : i32
    }
    %scan3A_40 = arith.constant 20 : i32
    %scan3A_41 = arith.constant 0 : i32
    %scan3A_42 = arith.constant 0 : i32
    %scan3A_43 = arith.constant 125 : i32
    %scan3A_44 = arith.addi %scan3A_42, %scan3A_43 : i32
    %scan3A_45 = arith.constant 1 : i32
    %scan3A_46 = scf.for %scan3A_65 = %scan3A_42 to %scan3A_44 step %scan3A_45 iter_args(%scan3A_66 = %scan3A_41) -> (i32)  : i32 {
      %mul3A_67 = arith.constant 16 : i32
      %mul3A_68 = arith.muli %scan3A_65, %mul3A_67 : i32
      %get3A = arith.index_cast %mul3A_68 : i32 to index
      %get3A_69 = tpu.vector_load %arg9[%get3A] {strides = array<i32>} : memref<2000xi32, #tpu.memory_space<vmem>>, vector<16xi32>,
      %sub3A = arith.constant 1 : i32
      %sub3A_70 = vector.broadcast %sub3A : i32 to vector<16xi32>
      %sub3A_71 = arith.subi %iota3A, %sub3A_70 : vector<16xi32>
      %max3A = arith.constant 0 : i32
      %max3A_72 = vector.broadcast %max3A : i32 to vector<16xi32>
      %max3A_73 = arith.maxsi %sub3A_71, %max3A_72 : vector<16xi32>
      %broadcast_in_dim3A_74 = vector.shape_cast %max3A_73 : vector<16xi32> to vector<16x1xi32>
      %gather3A = vector.shape_cast %broadcast_in_dim3A_74 : vector<16x1xi32> to vector<16xi32>
      %gather3A_75 = tpu.dynamic_gather %get3A_69[%gather3A] in [0] : vector<16xi32>, vector<16xi32> -> vector<16xi32>
      %ge3A = arith.constant 1 : i32
      %ge3A_76 = vector.broadcast %ge3A : i32 to vector<16xi32>
      %ge3A_77 = arith.cmpi sge, %iota3A, %ge3A_76 : vector<16xi32>
      %jit3A = arith.constant 0 : i32
      %broadcast_in_dim3A_78 = vector.broadcast %jit3A : i32 to vector<16xi32>
      %select_n3A = arith.select %ge3A_77, %gather3A_75, %broadcast_in_dim3A_78 : vector<16xi1>, vector<16xi32>
      %add3A_79 = arith.addi %get3A_69, %select_n3A : vector<16xi32>
      %sub3A_80 = arith.constant 2 : i32
      %sub3A_81 = vector.broadcast %sub3A_80 : i32 to vector<16xi32>
      %sub3A_82 = arith.subi %iota3A, %sub3A_81 : vector<16xi32>
      %max3A_83 = arith.constant 0 : i32
      %max3A_84 = vector.broadcast %max3A_83 : i32 to vector<16xi32>
      %max3A_85 = arith.maxsi %sub3A_82, %max3A_84 : vector<16xi32>
      %broadcast_in_dim3A_86 = vector.shape_cast %max3A_85 : vector<16xi32> to vector<16x1xi32>
      %gather3A_87 = vector.shape_cast %broadcast_in_dim3A_86 : vector<16x1xi32> to vector<16xi32>
      %gather3A_88 = tpu.dynamic_gather %add3A_79[%gather3A_87] in [0] : vector<16xi32>, vector<16xi32> -> vector<16xi32>
      %ge3A_89 = arith.constant 2 : i32
      %ge3A_90 = vector.broadcast %ge3A_89 : i32 to vector<16xi32>
      %ge3A_91 = arith.cmpi sge, %iota3A, %ge3A_90 : vector<16xi32>
      %jit3A_92 = arith.constant 0 : i32
      %broadcast_in_dim3A_93 = vector.broadcast %jit3A_92 : i32 to vector<16xi32>
      %select_n3A_94 = arith.select %ge3A_91, %gather3A_88, %broadcast_in_dim3A_93 : vector<16xi1>, vector<16xi32>
      %add3A_95 = arith.addi %add3A_79, %select_n3A_94 : vector<16xi32>
      %sub3A_96 = arith.constant 4 : i32
      %sub3A_97 = vector.broadcast %sub3A_96 : i32 to vector<16xi32>
      %sub3A_98 = arith.subi %iota3A, %sub3A_97 : vector<16xi32>
      %max3A_99 = arith.constant 0 : i32
      %max3A_100 = vector.broadcast %max3A_99 : i32 to vector<16xi32>
      %max3A_101 = arith.maxsi %sub3A_98, %max3A_100 : vector<16xi32>
      %broadcast_in_dim3A_102 = vector.shape_cast %max3A_101 : vector<16xi32> to vector<16x1xi32>
      %gather3A_103 = vector.shape_cast %broadcast_in_dim3A_102 : vector<16x1xi32> to vector<16xi32>
      %gather3A_104 = tpu.dynamic_gather %add3A_95[%gather3A_103] in [0] : vector<16xi32>, vector<16xi32> -> vector<16xi32>
      %ge3A_105 = arith.constant 4 : i32
      %ge3A_106 = vector.broadcast %ge3A_105 : i32 to vector<16xi32>
      %ge3A_107 = arith.cmpi sge, %iota3A, %ge3A_106 : vector<16xi32>
      %jit3A_108 = arith.constant 0 : i32
      %broadcast_in_dim3A_109 = vector.broadcast %jit3A_108 : i32 to vector<16xi32>
      %select_n3A_110 = arith.select %ge3A_107, %gather3A_104, %broadcast_in_dim3A_109 : vector<16xi1>, vector<16xi32>
      %add3A_111 = arith.addi %add3A_95, %select_n3A_110 : vector<16xi32>
      %sub3A_112 = arith.constant 8 : i32
      %sub3A_113 = vector.broadcast %sub3A_112 : i32 to vector<16xi32>
      %sub3A_114 = arith.subi %iota3A, %sub3A_113 : vector<16xi32>
      %max3A_115 = arith.constant 0 : i32
      %max3A_116 = vector.broadcast %max3A_115 : i32 to vector<16xi32>
      %max3A_117 = arith.maxsi %sub3A_114, %max3A_116 : vector<16xi32>
      %broadcast_in_dim3A_118 = vector.shape_cast %max3A_117 : vector<16xi32> to vector<16x1xi32>
      %gather3A_119 = vector.shape_cast %broadcast_in_dim3A_118 : vector<16x1xi32> to vector<16xi32>
      %gather3A_120 = tpu.dynamic_gather %add3A_111[%gather3A_119] in [0] : vector<16xi32>, vector<16xi32> -> vector<16xi32>
      %ge3A_121 = arith.constant 8 : i32
      %ge3A_122 = vector.broadcast %ge3A_121 : i32 to vector<16xi32>
      %ge3A_123 = arith.cmpi sge, %iota3A, %ge3A_122 : vector<16xi32>
      %jit3A_124 = arith.constant 0 : i32
      %broadcast_in_dim3A_125 = vector.broadcast %jit3A_124 : i32 to vector<16xi32>
      %select_n3A_126 = arith.select %ge3A_123, %gather3A_120, %broadcast_in_dim3A_125 : vector<16xi1>, vector<16xi32>
      %add3A_127 = arith.addi %add3A_111, %select_n3A_126 : vector<16xi32>
      %sub3A_128 = arith.subi %add3A_127, %get3A_69 : vector<16xi32>
      %add3A_129 = vector.broadcast %scan3A_66 : i32 to vector<16xi32>
      %add3A_130 = arith.addi %sub3A_128, %add3A_129 : vector<16xi32>
      %mul3A_131 = arith.constant 16 : i32
      %mul3A_132 = arith.muli %scan3A_65, %mul3A_131 : i32
      %swap3A_133 = arith.index_cast %mul3A_132 : i32 to index
      %swap3A_134 = tpu.vector_load %arg10[%swap3A_133] {strides = array<i32>} : memref<2000xi32, #tpu.memory_space<vmem>>, vector<16xi32>,
      tpu.vector_store %arg10[%swap3A_133], %add3A_130 {strides = array<i32>} : memref<2000xi32, #tpu.memory_space<vmem>>, vector<16xi32>,
      %swap3A_135 = arith.index_cast %scan3A_65 : i32 to index
      %swap3A_136 = memref.load %arg17[%swap3A_135] : memref<126xi32, #tpu.memory_space<smem>>
      memref.store %scan3A_66, %arg17[%swap3A_135] : memref<126xi32, #tpu.memory_space<smem>>
      %slice3A = vector.extract_strided_slice %add3A_127 {offsets = [15], sizes = [1], strides = [1]} : vector<16xi32> to vector<1xi32>
      %squeeze3A = vector.extract %slice3A[0] : i32 from vector<1xi32>
      %add3A_137 = arith.addi %scan3A_66, %squeeze3A : i32
      scf.yield %add3A_137 : i32
    }
    %scan3A_47 = arith.constant 125 : i32
    %swap3A_48 = arith.constant 125 : i32
    %swap3A_49 = arith.index_cast %swap3A_48 : i32 to index
    %swap3A_50 = memref.load %arg17[%swap3A_49] : memref<126xi32, #tpu.memory_space<smem>>
    memref.store %scan3A_46, %arg17[%swap3A_49] : memref<126xi32, #tpu.memory_space<smem>>
    %scan3A_51 = arith.constant 0 : i32
    %scan3A_52 = arith.constant 0 : i32
    %scan3A_53 = arith.constant 20 : i32
    %scan3A_54 = arith.addi %scan3A_52, %scan3A_53 : i32
    %scan3A_55 = arith.constant 1 : i32
    %scan3A_56 = scf.for %scan3A_65 = %scan3A_52 to %scan3A_54 step %scan3A_55 iter_args(%scan3A_66 = %scan3A_51) -> (i32)  : i32 {
      %mul3A_67 = arith.constant 2000 : i32
      %mul3A_68 = arith.muli %scan3A_65, %mul3A_67 : i32
      %add3A_69 = arith.addi %mul3A_2, %mul3A_68 : i32
      %dma_start3A = tpu.memref_slice %arg5[%add3A_69] : memref<1280000xi32, #tpu.memory_space<hbm>> -> memref<2000xi32, #tpu.memory_space<hbm>>
      %dma_start3A_70 = tpu.memref_slice %arg5[%add3A_69] : memref<1280000xi32, #tpu.memory_space<hbm>> -> memref<2000xi32, #tpu.memory_space<hbm>>
      tpu.enqueue_dma source(%dma_start3A_70 : memref<2000xi32, #tpu.memory_space<hbm>>) target(%arg8 : memref<2000xi32, #tpu.memory_space<vmem>>) target_semaphore(%arg19 : memref<!tpu.dma_semaphore, #tpu.memory_space<semaphore_mem>>)
      %dma_wait3A = tpu.memref_slice %arg5[%add3A_69] : memref<1280000xi32, #tpu.memory_space<hbm>> -> memref<2000xi32, #tpu.memory_space<hbm>>
      %dma_wait3A_71 = tpu.memref_slice %arg5[%add3A_69] : memref<1280000xi32, #tpu.memory_space<hbm>> -> memref<2000xi32, #tpu.memory_space<hbm>>
      tpu.wait_dma2 semaphore(%arg19 : memref<!tpu.dma_semaphore, #tpu.memory_space<semaphore_mem>>) src(%dma_wait3A_71 : memref<2000xi32, #tpu.memory_space<hbm>>) dst(%arg8 : memref<2000xi32, #tpu.memory_space<vmem>>)
      %scan3A_72 = arith.constant 0 : i32
      %scan3A_73 = arith.constant 0 : i32
      %scan3A_74 = arith.constant 125 : i32
      %scan3A_75 = arith.addi %scan3A_73, %scan3A_74 : i32
      %scan3A_76 = arith.constant 1 : i32
      %scan3A_77 = scf.for %scan3A_80 = %scan3A_73 to %scan3A_75 step %scan3A_76 iter_args(%scan3A_81 = %scan3A_72) -> (i32)  : i32 {
        %mul3A_82 = arith.constant 16 : i32
        %mul3A_83 = arith.muli %scan3A_80, %mul3A_82 : i32
        %get3A = arith.index_cast %mul3A_83 : i32 to index
        %get3A_84 = tpu.vector_load %arg8[%get3A] {strides = array<i32>} : memref<2000xi32, #tpu.memory_space<vmem>>, vector<16xi32>,
        %jit3A = arith.constant 2560 : i32
        %div3A = vector.broadcast %jit3A : i32 to vector<16xi32>
        %div3A_85 = arith.divsi %get3A_84, %div3A : vector<16xi32>
        %sign3A = arith.constant 0 : i32
        %sign3A_86 = vector.broadcast %sign3A : i32 to vector<16xi32>
        %sign3A_87 = arith.cmpi sgt, %get3A_84, %sign3A_86 : vector<16xi32>
        %sign3A_88 = arith.extui %sign3A_87 : vector<16xi1> to vector<16xi32>
        %sign3A_89 = arith.constant 0 : i32
        %sign3A_90 = vector.broadcast %sign3A_89 : i32 to vector<16xi32>
        %sign3A_91 = arith.cmpi slt, %get3A_84, %sign3A_90 : vector<16xi32>
        %sign3A_92 = arith.extui %sign3A_91 : vector<16xi1> to vector<16xi32>
        %sign3A_93 = arith.subi %sign3A_88, %sign3A_92 : vector<16xi32>
        %sign3A_94 = arith.constant 0 : i32
        %sign3A_95 = arith.cmpi sgt, %jit3A, %sign3A_94 : i32
        %sign3A_96 = arith.extui %sign3A_95 : i1 to i32
        %sign3A_97 = arith.constant 0 : i32
        %sign3A_98 = arith.cmpi slt, %jit3A, %sign3A_97 : i32
        %sign3A_99 = arith.extui %sign3A_98 : i1 to i32
        %sign3A_100 = arith.subi %sign3A_96, %sign3A_99 : i32
        %ne3A = vector.broadcast %sign3A_100 : i32 to vector<16xi32>
        %ne3A_101 = arith.cmpi ne, %sign3A_93, %ne3A : vector<16xi32>
        %rem3A = vector.broadcast %jit3A : i32 to vector<16xi32>
        %rem3A_102 = arith.remsi %get3A_84, %rem3A : vector<16xi32>
        %ne3A_103 = arith.constant 0 : i32
        %ne3A_104 = vector.broadcast %ne3A_103 : i32 to vector<16xi32>
        %ne3A_105 = arith.cmpi ne, %rem3A_102, %ne3A_104 : vector<16xi32>
        %and3A = arith.andi %ne3A_101, %ne3A_105 : vector<16xi1>
        %sub3A = arith.constant 1 : i32
        %sub3A_106 = vector.broadcast %sub3A : i32 to vector<16xi32>
        %sub3A_107 = arith.subi %div3A_85, %sub3A_106 : vector<16xi32>
        %select_n3A = arith.select %and3A, %sub3A_107, %div3A_85 : vector<16xi1>, vector<16xi32>
        %mul3A_108 = arith.constant 16 : i32
        %mul3A_109 = vector.broadcast %mul3A_108 : i32 to vector<16xi32>
        %mul3A_110 = arith.muli %select_n3A, %mul3A_109 : vector<16xi32>
        %add3A_111 = arith.addi %mul3A_110, %iota3A : vector<16xi32>
        %gather3A = tpu.vector_load_idx %arg10[%add3A_111] : memref<2000xi32, #tpu.memory_space<vmem>>[vector<16xi32>], vector<16xi32>,
        %add3A_112 = arith.constant 1 : i32
        %add3A_113 = vector.broadcast %add3A_112 : i32 to vector<16xi32>
        %add3A_114 = arith.addi %gather3A, %add3A_113 : vector<16xi32>
        tpu.vector_store_idx %arg10[%add3A_111], %add3A_114 : memref<2000xi32, #tpu.memory_space<vmem>>[vector<16xi32>], vector<16xi32>,
        %mul3A_115 = arith.constant 2000 : i32
        %mul3A_116 = arith.muli %scan3A_65, %mul3A_115 : i32
        %mul3A_117 = arith.constant 16 : i32
        %mul3A_118 = arith.muli %scan3A_80, %mul3A_117 : i32
        %add3A_119 = arith.addi %mul3A_116, %mul3A_118 : i32
        %add3A_120 = vector.broadcast %add3A_119 : i32 to vector<16xi32>
        %add3A_121 = arith.addi %add3A_120, %iota3A : vector<16xi32>
        %shift_left3A = arith.constant 14 : i32
        %shift_left3A_122 = vector.broadcast %shift_left3A : i32 to vector<16xi32>
        %shift_left3A_123 = arith.shli %add3A_121, %shift_left3A_122 : vector<16xi32>
        %mul3A_124 = arith.constant 2560 : i32
        %mul3A_125 = vector.broadcast %mul3A_124 : i32 to vector<16xi32>
        %mul3A_126 = arith.muli %select_n3A, %mul3A_125 : vector<16xi32>
        %sub3A_127 = arith.subi %get3A_84, %mul3A_126 : vector<16xi32>
        %or3A = arith.ori %shift_left3A_123, %sub3A_127 : vector<16xi32>
        tpu.vector_store_idx %arg7[%gather3A], %or3A : memref<40112xi32, #tpu.memory_space<vmem>>[vector<16xi32>], vector<16xi32>,
        %scan3A_128 = arith.constant 0 : i32
        scf.yield %scan3A_128 : i32
      }
      %scan3A_78 = arith.constant 125 : i32
      %scan3A_79 = arith.constant 0 : i32
      scf.yield %scan3A_79 : i32
    }
    %scan3A_57 = arith.constant 20 : i32
    %scan3A_58 = arith.constant 0 : i32
    %scan3A_59 = arith.constant 0 : i32
    %scan3A_60 = arith.constant 125 : i32
    %scan3A_61 = arith.addi %scan3A_59, %scan3A_60 : i32
    %scan3A_62 = arith.constant 1 : i32
    %scan3A_63 = scf.for %scan3A_65 = %scan3A_59 to %scan3A_61 step %scan3A_62 iter_args(%scan3A_66 = %scan3A_58) -> (i32)  : i32 {
      %mul3A_67 = arith.constant 160 : i32
      %mul3A_68 = arith.muli %arg1, %mul3A_67 : i32
      %add3A_69 = arith.constant 0 : i32
      %add3A_70 = arith.addi %mul3A_68, %add3A_69 : i32
      "tpu.region"() ({
        %run_scoped3A = tpu.sem_alloc : memref<!tpu.dma_semaphore, #tpu.memory_space<semaphore_mem>>
        %dma_start3A = arith.constant 0 : i32
        %dma_start3A_136 = tpu.memref_slice %arg18[%add3A_70, %dma_start3A] : memref<2576x128xf32, #tpu.memory_space<vmem_shared>> -> memref<40x128xf32, #tpu.memory_space<vmem_shared>>
        %dma_start3A_137 = arith.constant 0 : i32
        %dma_start3A_138 = tpu.memref_slice %arg18[%add3A_70, %dma_start3A_137] : memref<2576x128xf32, #tpu.memory_space<vmem_shared>> -> memref<40x128xf32, #tpu.memory_space<vmem_shared>>
        tpu.enqueue_dma source(%arg16 : memref<40x128xf32, #tpu.memory_space<vmem>>) target(%dma_start3A_138 : memref<40x128xf32, #tpu.memory_space<vmem_shared>>) target_semaphore(%run_scoped3A : memref<!tpu.dma_semaphore, #tpu.memory_space<semaphore_mem>>)
        %dma_wait3A = arith.constant 0 : i32
        %dma_wait3A_139 = tpu.memref_slice %arg18[%add3A_70, %dma_wait3A] : memref<2576x128xf32, #tpu.memory_space<vmem_shared>> -> memref<40x128xf32, #tpu.memory_space<vmem_shared>>
        %dma_wait3A_140 = arith.constant 0 : i32
        %dma_wait3A_141 = tpu.memref_slice %arg18[%add3A_70, %dma_wait3A_140] : memref<2576x128xf32, #tpu.memory_space<vmem_shared>> -> memref<40x128xf32, #tpu.memory_space<vmem_shared>>
        tpu.wait_dma2 semaphore(%run_scoped3A : memref<!tpu.dma_semaphore, #tpu.memory_space<semaphore_mem>>) src(%arg16 : memref<40x128xf32, #tpu.memory_space<vmem>>) dst(%dma_wait3A_141 : memref<40x128xf32, #tpu.memory_space<vmem_shared>>)
        tpu.yield
      }) : () -> ()
      %mul3A_71 = arith.constant 160 : i32
      %mul3A_72 = arith.muli %arg1, %mul3A_71 : i32
      %add3A_73 = arith.constant 40 : i32
      %add3A_74 = arith.addi %mul3A_72, %add3A_73 : i32
      "tpu.region"() ({
        %run_scoped3A = tpu.sem_alloc : memref<!tpu.dma_semaphore, #tpu.memory_space<semaphore_mem>>
        %dma_start3A = arith.constant 0 : i32
        %dma_start3A_136 = tpu.memref_slice %arg18[%add3A_74, %dma_start3A] : memref<2576x128xf32, #tpu.memory_space<vmem_shared>> -> memref<40x128xf32, #tpu.memory_space<vmem_shared>>
        %dma_start3A_137 = arith.constant 0 : i32
        %dma_start3A_138 = tpu.memref_slice %arg18[%add3A_74, %dma_start3A_137] : memref<2576x128xf32, #tpu.memory_space<vmem_shared>> -> memref<40x128xf32, #tpu.memory_space<vmem_shared>>
        tpu.enqueue_dma source(%arg16 : memref<40x128xf32, #tpu.memory_space<vmem>>) target(%dma_start3A_138 : memref<40x128xf32, #tpu.memory_space<vmem_shared>>) target_semaphore(%run_scoped3A : memref<!tpu.dma_semaphore, #tpu.memory_space<semaphore_mem>>)
        %dma_wait3A = arith.constant 0 : i32
        %dma_wait3A_139 = tpu.memref_slice %arg18[%add3A_74, %dma_wait3A] : memref<2576x128xf32, #tpu.memory_space<vmem_shared>> -> memref<40x128xf32, #tpu.memory_space<vmem_shared>>
        %dma_wait3A_140 = arith.constant 0 : i32
        %dma_wait3A_141 = tpu.memref_slice %arg18[%add3A_74, %dma_wait3A_140] : memref<2576x128xf32, #tpu.memory_space<vmem_shared>> -> memref<40x128xf32, #tpu.memory_space<vmem_shared>>
        tpu.wait_dma2 semaphore(%run_scoped3A : memref<!tpu.dma_semaphore, #tpu.memory_space<semaphore_mem>>) src(%arg16 : memref<40x128xf32, #tpu.memory_space<vmem>>) dst(%dma_wait3A_141 : memref<40x128xf32, #tpu.memory_space<vmem_shared>>)
        tpu.yield
      }) : () -> ()
      %mul3A_75 = arith.constant 160 : i32
      %mul3A_76 = arith.muli %arg1, %mul3A_75 : i32
      %add3A_77 = arith.constant 80 : i32
      %add3A_78 = arith.addi %mul3A_76, %add3A_77 : i32
      "tpu.region"() ({
        %run_scoped3A = tpu.sem_alloc : memref<!tpu.dma_semaphore, #tpu.memory_space<semaphore_mem>>
        %dma_start3A = arith.constant 0 : i32
        %dma_start3A_136 = tpu.memref_slice %arg18[%add3A_78, %dma_start3A] : memref<2576x128xf32, #tpu.memory_space<vmem_shared>> -> memref<40x128xf32, #tpu.memory_space<vmem_shared>>
        %dma_start3A_137 = arith.constant 0 : i32
        %dma_start3A_138 = tpu.memref_slice %arg18[%add3A_78, %dma_start3A_137] : memref<2576x128xf32, #tpu.memory_space<vmem_shared>> -> memref<40x128xf32, #tpu.memory_space<vmem_shared>>
        tpu.enqueue_dma source(%arg16 : memref<40x128xf32, #tpu.memory_space<vmem>>) target(%dma_start3A_138 : memref<40x128xf32, #tpu.memory_space<vmem_shared>>) target_semaphore(%run_scoped3A : memref<!tpu.dma_semaphore, #tpu.memory_space<semaphore_mem>>)
        %dma_wait3A = arith.constant 0 : i32
        %dma_wait3A_139 = tpu.memref_slice %arg18[%add3A_78, %dma_wait3A] : memref<2576x128xf32, #tpu.memory_space<vmem_shared>> -> memref<40x128xf32, #tpu.memory_space<vmem_shared>>
        %dma_wait3A_140 = arith.constant 0 : i32
        %dma_wait3A_141 = tpu.memref_slice %arg18[%add3A_78, %dma_wait3A_140] : memref<2576x128xf32, #tpu.memory_space<vmem_shared>> -> memref<40x128xf32, #tpu.memory_space<vmem_shared>>
        tpu.wait_dma2 semaphore(%run_scoped3A : memref<!tpu.dma_semaphore, #tpu.memory_space<semaphore_mem>>) src(%arg16 : memref<40x128xf32, #tpu.memory_space<vmem>>) dst(%dma_wait3A_141 : memref<40x128xf32, #tpu.memory_space<vmem_shared>>)
        tpu.yield
      }) : () -> ()
      %mul3A_79 = arith.constant 160 : i32
      %mul3A_80 = arith.muli %arg1, %mul3A_79 : i32
      %add3A_81 = arith.constant 120 : i32
      %add3A_82 = arith.addi %mul3A_80, %add3A_81 : i32
      "tpu.region"() ({
        %run_scoped3A = tpu.sem_alloc : memref<!tpu.dma_semaphore, #tpu.memory_space<semaphore_mem>>
        %dma_start3A = arith.constant 0 : i32
        %dma_start3A_136 = tpu.memref_slice %arg18[%add3A_82, %dma_start3A] : memref<2576x128xf32, #tpu.memory_space<vmem_shared>> -> memref<40x128xf32, #tpu.memory_space<vmem_shared>>
        %dma_start3A_137 = arith.constant 0 : i32
        %dma_start3A_138 = tpu.memref_slice %arg18[%add3A_82, %dma_start3A_137] : memref<2576x128xf32, #tpu.memory_space<vmem_shared>> -> memref<40x128xf32, #tpu.memory_space<vmem_shared>>
        tpu.enqueue_dma source(%arg16 : memref<40x128xf32, #tpu.memory_space<vmem>>) target(%dma_start3A_138 : memref<40x128xf32, #tpu.memory_space<vmem_shared>>) target_semaphore(%run_scoped3A : memref<!tpu.dma_semaphore, #tpu.memory_space<semaphore_mem>>)
        %dma_wait3A = arith.constant 0 : i32
        %dma_wait3A_139 = tpu.memref_slice %arg18[%add3A_82, %dma_wait3A] : memref<2576x128xf32, #tpu.memory_space<vmem_shared>> -> memref<40x128xf32, #tpu.memory_space<vmem_shared>>
        %dma_wait3A_140 = arith.constant 0 : i32
        %dma_wait3A_141 = tpu.memref_slice %arg18[%add3A_82, %dma_wait3A_140] : memref<2576x128xf32, #tpu.memory_space<vmem_shared>> -> memref<40x128xf32, #tpu.memory_space<vmem_shared>>
        tpu.wait_dma2 semaphore(%run_scoped3A : memref<!tpu.dma_semaphore, #tpu.memory_space<semaphore_mem>>) src(%arg16 : memref<40x128xf32, #tpu.memory_space<vmem>>) dst(%dma_wait3A_141 : memref<40x128xf32, #tpu.memory_space<vmem_shared>>)
        tpu.yield
      }) : () -> ()
      %barrier3A = arith.constant 0 : index
      tpu.barrier barrier_id(%barrier3A)
      %get3A = arith.index_cast %scan3A_65 : i32 to index
      %get3A_83 = memref.load %arg17[%get3A] : memref<126xi32, #tpu.memory_space<smem>>
      %add3A_84 = arith.constant 1 : i32
      %add3A_85 = arith.addi %scan3A_65, %add3A_84 : i32
      %get3A_86 = arith.index_cast %add3A_85 : i32 to index
      %get3A_87 = memref.load %arg17[%get3A_86] : memref<126xi32, #tpu.memory_space<smem>>
      %sub3A = arith.subi %get3A_87, %get3A_83 : i32
      %add3A_88 = arith.constant 112 : i32
      %add3A_89 = arith.addi %sub3A, %add3A_88 : i32
      %sub3A_90 = arith.constant 1 : i32
      %sub3A_91 = arith.subi %add3A_89, %sub3A_90 : i32
      %jit3A = arith.constant 112 : i32
      %div3A = arith.divsi %sub3A_91, %jit3A : i32
      %sign3A = arith.constant 0 : i32
      %sign3A_92 = arith.cmpi sgt, %sub3A_91, %sign3A : i32
      %sign3A_93 = arith.extui %sign3A_92 : i1 to i32
      %sign3A_94 = arith.constant 0 : i32
      %sign3A_95 = arith.cmpi slt, %sub3A_91, %sign3A_94 : i32
      %sign3A_96 = arith.extui %sign3A_95 : i1 to i32
      %sign3A_97 = arith.subi %sign3A_93, %sign3A_96 : i32
      %sign3A_98 = arith.constant 0 : i32
      %sign3A_99 = arith.cmpi sgt, %jit3A, %sign3A_98 : i32
      %sign3A_100 = arith.extui %sign3A_99 : i1 to i32
      %sign3A_101 = arith.constant 0 : i32
      %sign3A_102 = arith.cmpi slt, %jit3A, %sign3A_101 : i32
      %sign3A_103 = arith.extui %sign3A_102 : i1 to i32
      %sign3A_104 = arith.subi %sign3A_100, %sign3A_103 : i32
      %ne3A = arith.cmpi ne, %sign3A_97, %sign3A_104 : i32
      %rem3A = arith.remsi %sub3A_91, %jit3A : i32
      %ne3A_105 = arith.constant 0 : i32
      %ne3A_106 = arith.cmpi ne, %rem3A, %ne3A_105 : i32
      %and3A = arith.andi %ne3A, %ne3A_106 : i1
      %sub3A_107 = arith.constant 1 : i32
      %sub3A_108 = arith.subi %div3A, %sub3A_107 : i32
      %select_n3A = arith.select %and3A, %sub3A_108, %div3A : i32
      %gt3A = arith.constant 0 : i32
      %gt3A_109 = arith.cmpi sgt, %select_n3A, %gt3A : i32
      %convert_element_type3A = arith.extui %gt3A_109 : i1 to i32
      %cond3A = arith.constant 0 : i32
      %cond3A_110 = arith.cmpi ne, %convert_element_type3A, %cond3A : i32
      scf.if %cond3A_110 {
        %and3A_136 = arith.constant 0 : i32
        %and3A_137 = arith.constant 3 : i32
        %and3A_138 = arith.andi %and3A_136, %and3A_137 : i32
        %mul3A_139 = arith.constant 0 : i32
        %mul3A_140 = arith.constant 112 : i32
        %mul3A_141 = arith.muli %mul3A_139, %mul3A_140 : i32
        %add3A_142 = arith.addi %get3A_83, %mul3A_141 : i32
        %add3A_143 = arith.constant 0 : i32
        %add3A_144 = arith.addi %add3A_142, %add3A_143 : i32
        %get3A_145 = arith.index_cast %add3A_144 : i32 to index
        %get3A_146 = tpu.vector_load %arg7[%get3A_145] {strides = array<i32>} : memref<40112xi32, #tpu.memory_space<vmem>>, vector<16xi32>,
        %mul3A_147 = arith.constant 0 : i32
        %mul3A_148 = arith.constant 112 : i32
        %mul3A_149 = arith.muli %mul3A_147, %mul3A_148 : i32
        %add3A_150 = arith.constant 0 : i32
        %add3A_151 = arith.addi %mul3A_149, %add3A_150 : i32
        %add3A_152 = vector.broadcast %add3A_151 : i32 to vector<16xi32>
        %add3A_153 = arith.addi %add3A_152, %iota3A : vector<16xi32>
        %lt3A = vector.broadcast %sub3A : i32 to vector<16xi32>
        %lt3A_154 = arith.cmpi slt, %add3A_153, %lt3A : vector<16xi32>
        %shift_right_arithmetic3A = arith.constant 14 : i32
        %shift_right_arithmetic3A_155 = vector.broadcast %shift_right_arithmetic3A : i32 to vector<16xi32>
        %shift_right_arithmetic3A_156 = arith.shrsi %get3A_146, %shift_right_arithmetic3A_155 : vector<16xi32>
        %add3A_157 = vector.broadcast %mul3A_2 : i32 to vector<16xi32>
        %add3A_158 = arith.addi %shift_right_arithmetic3A_156, %add3A_157 : vector<16xi32>
        %swap3A_159 = arith.index_cast %and3A_138 : i32 to index
        %swap3A_160 = arith.constant 0 : index
        %swap3A_161 = tpu.vector_load %arg11[%swap3A_159, %swap3A_160] {strides = array<i32>} : memref<4x112xi32, #tpu.memory_space<vmem>>, vector<16xi32>,
        tpu.vector_store %arg11[%swap3A_159, %swap3A_160], %add3A_158 {strides = array<i32>} : memref<4x112xi32, #tpu.memory_space<vmem>>, vector<16xi32>,
        %and3A_162 = arith.constant 16383 : i32
        %and3A_163 = vector.broadcast %and3A_162 : i32 to vector<16xi32>
        %and3A_164 = arith.andi %get3A_146, %and3A_163 : vector<16xi32>
        %add3A_165 = arith.constant 2560 : i32
        %add3A_166 = arith.addi %add3A_165, %arg1 : i32
        %broadcast_in_dim3A_167 = vector.broadcast %add3A_166 : i32 to vector<16xi32>
        %select_n3A_168 = arith.select %lt3A_154, %and3A_164, %broadcast_in_dim3A_167 : vector<16xi1>, vector<16xi32>
        %swap3A_169 = arith.index_cast %and3A_138 : i32 to index
        %swap3A_170 = arith.constant 0 : index
        %swap3A_171 = tpu.vector_load %arg13[%swap3A_169, %swap3A_170] {strides = array<i32>} : memref<4x112xi32, #tpu.memory_space<vmem>>, vector<16xi32>,
        tpu.vector_store %arg13[%swap3A_169, %swap3A_170], %select_n3A_168 {strides = array<i32>} : memref<4x112xi32, #tpu.memory_space<vmem>>, vector<16xi32>,
        %add3A_172 = arith.constant 16 : i32
        %add3A_173 = arith.addi %add3A_142, %add3A_172 : i32
        %get3A_174 = arith.index_cast %add3A_173 : i32 to index
        %get3A_175 = tpu.vector_load %arg7[%get3A_174] {strides = array<i32>} : memref<40112xi32, #tpu.memory_space<vmem>>, vector<16xi32>,
        %mul3A_176 = arith.constant 0 : i32
        %mul3A_177 = arith.constant 112 : i32
        %mul3A_178 = arith.muli %mul3A_176, %mul3A_177 : i32
        %add3A_179 = arith.constant 16 : i32
        %add3A_180 = arith.addi %mul3A_178, %add3A_179 : i32
        %add3A_181 = vector.broadcast %add3A_180 : i32 to vector<16xi32>
        %add3A_182 = arith.addi %add3A_181, %iota3A : vector<16xi32>
        %lt3A_183 = vector.broadcast %sub3A : i32 to vector<16xi32>
        %lt3A_184 = arith.cmpi slt, %add3A_182, %lt3A_183 : vector<16xi32>
        %shift_right_arithmetic3A_185 = arith.constant 14 : i32
        %shift_right_arithmetic3A_186 = vector.broadcast %shift_right_arithmetic3A_185 : i32 to vector<16xi32>
        %shift_right_arithmetic3A_187 = arith.shrsi %get3A_175, %shift_right_arithmetic3A_186 : vector<16xi32>
        %add3A_188 = vector.broadcast %mul3A_2 : i32 to vector<16xi32>
        %add3A_189 = arith.addi %shift_right_arithmetic3A_187, %add3A_188 : vector<16xi32>
        %swap3A_190 = arith.index_cast %and3A_138 : i32 to index
        %swap3A_191 = arith.constant 16 : index
        %swap3A_192 = tpu.vector_load %arg11[%swap3A_190, %swap3A_191] {strides = array<i32>} : memref<4x112xi32, #tpu.memory_space<vmem>>, vector<16xi32>,
        tpu.vector_store %arg11[%swap3A_190, %swap3A_191], %add3A_189 {strides = array<i32>} : memref<4x112xi32, #tpu.memory_space<vmem>>, vector<16xi32>,
        %and3A_193 = arith.constant 16383 : i32
        %and3A_194 = vector.broadcast %and3A_193 : i32 to vector<16xi32>
        %and3A_195 = arith.andi %get3A_175, %and3A_194 : vector<16xi32>
        %add3A_196 = arith.constant 2560 : i32
        %add3A_197 = arith.addi %add3A_196, %arg1 : i32
        %broadcast_in_dim3A_198 = vector.broadcast %add3A_197 : i32 to vector<16xi32>
        %select_n3A_199 = arith.select %lt3A_184, %and3A_195, %broadcast_in_dim3A_198 : vector<16xi1>, vector<16xi32>
        %swap3A_200 = arith.index_cast %and3A_138 : i32 to index
        %swap3A_201 = arith.constant 16 : index
        %swap3A_202 = tpu.vector_load %arg13[%swap3A_200, %swap3A_201] {strides = array<i32>} : memref<4x112xi32, #tpu.memory_space<vmem>>, vector<16xi32>,
        tpu.vector_store %arg13[%swap3A_200, %swap3A_201], %select_n3A_199 {strides = array<i32>} : memref<4x112xi32, #tpu.memory_space<vmem>>, vector<16xi32>,
        %add3A_203 = arith.constant 32 : i32
        %add3A_204 = arith.addi %add3A_142, %add3A_203 : i32
        %get3A_205 = arith.index_cast %add3A_204 : i32 to index
        %get3A_206 = tpu.vector_load %arg7[%get3A_205] {strides = array<i32>} : memref<40112xi32, #tpu.memory_space<vmem>>, vector<16xi32>,
        %mul3A_207 = arith.constant 0 : i32
        %mul3A_208 = arith.constant 112 : i32
        %mul3A_209 = arith.muli %mul3A_207, %mul3A_208 : i32
        %add3A_210 = arith.constant 32 : i32
        %add3A_211 = arith.addi %mul3A_209, %add3A_210 : i32
        %add3A_212 = vector.broadcast %add3A_211 : i32 to vector<16xi32>
        %add3A_213 = arith.addi %add3A_212, %iota3A : vector<16xi32>
        %lt3A_214 = vector.broadcast %sub3A : i32 to vector<16xi32>
        %lt3A_215 = arith.cmpi slt, %add3A_213, %lt3A_214 : vector<16xi32>
        %shift_right_arithmetic3A_216 = arith.constant 14 : i32
        %shift_right_arithmetic3A_217 = vector.broadcast %shift_right_arithmetic3A_216 : i32 to vector<16xi32>
        %shift_right_arithmetic3A_218 = arith.shrsi %get3A_206, %shift_right_arithmetic3A_217 : vector<16xi32>
        %add3A_219 = vector.broadcast %mul3A_2 : i32 to vector<16xi32>
        %add3A_220 = arith.addi %shift_right_arithmetic3A_218, %add3A_219 : vector<16xi32>
        %swap3A_221 = arith.index_cast %and3A_138 : i32 to index
        %swap3A_222 = arith.constant 32 : index
        %swap3A_223 = tpu.vector_load %arg11[%swap3A_221, %swap3A_222] {strides = array<i32>} : memref<4x112xi32, #tpu.memory_space<vmem>>, vector<16xi32>,
        tpu.vector_store %arg11[%swap3A_221, %swap3A_222], %add3A_220 {strides = array<i32>} : memref<4x112xi32, #tpu.memory_space<vmem>>, vector<16xi32>,
        %and3A_224 = arith.constant 16383 : i32
        %and3A_225 = vector.broadcast %and3A_224 : i32 to vector<16xi32>
        %and3A_226 = arith.andi %get3A_206, %and3A_225 : vector<16xi32>
        %add3A_227 = arith.constant 2560 : i32
        %add3A_228 = arith.addi %add3A_227, %arg1 : i32
        %broadcast_in_dim3A_229 = vector.broadcast %add3A_228 : i32 to vector<16xi32>
        %select_n3A_230 = arith.select %lt3A_215, %and3A_226, %broadcast_in_dim3A_229 : vector<16xi1>, vector<16xi32>
        %swap3A_231 = arith.index_cast %and3A_138 : i32 to index
        %swap3A_232 = arith.constant 32 : index
        %swap3A_233 = tpu.vector_load %arg13[%swap3A_231, %swap3A_232] {strides = array<i32>} : memref<4x112xi32, #tpu.memory_space<vmem>>, vector<16xi32>,
        tpu.vector_store %arg13[%swap3A_231, %swap3A_232], %select_n3A_230 {strides = array<i32>} : memref<4x112xi32, #tpu.memory_space<vmem>>, vector<16xi32>,
        %add3A_234 = arith.constant 48 : i32
        %add3A_235 = arith.addi %add3A_142, %add3A_234 : i32
        %get3A_236 = arith.index_cast %add3A_235 : i32 to index
        %get3A_237 = tpu.vector_load %arg7[%get3A_236] {strides = array<i32>} : memref<40112xi32, #tpu.memory_space<vmem>>, vector<16xi32>,
        %mul3A_238 = arith.constant 0 : i32
        %mul3A_239 = arith.constant 112 : i32
        %mul3A_240 = arith.muli %mul3A_238, %mul3A_239 : i32
        %add3A_241 = arith.constant 48 : i32
        %add3A_242 = arith.addi %mul3A_240, %add3A_241 : i32
        %add3A_243 = vector.broadcast %add3A_242 : i32 to vector<16xi32>
        %add3A_244 = arith.addi %add3A_243, %iota3A : vector<16xi32>
        %lt3A_245 = vector.broadcast %sub3A : i32 to vector<16xi32>
        %lt3A_246 = arith.cmpi slt, %add3A_244, %lt3A_245 : vector<16xi32>
        %shift_right_arithmetic3A_247 = arith.constant 14 : i32
        %shift_right_arithmetic3A_248 = vector.broadcast %shift_right_arithmetic3A_247 : i32 to vector<16xi32>
        %shift_right_arithmetic3A_249 = arith.shrsi %get3A_237, %shift_right_arithmetic3A_248 : vector<16xi32>
        %add3A_250 = vector.broadcast %mul3A_2 : i32 to vector<16xi32>
        %add3A_251 = arith.addi %shift_right_arithmetic3A_249, %add3A_250 : vector<16xi32>
        %swap3A_252 = arith.index_cast %and3A_138 : i32 to index
        %swap3A_253 = arith.constant 48 : index
        %swap3A_254 = tpu.vector_load %arg11[%swap3A_252, %swap3A_253] {strides = array<i32>} : memref<4x112xi32, #tpu.memory_space<vmem>>, vector<16xi32>,
        tpu.vector_store %arg11[%swap3A_252, %swap3A_253], %add3A_251 {strides = array<i32>} : memref<4x112xi32, #tpu.memory_space<vmem>>, vector<16xi32>,
        %and3A_255 = arith.constant 16383 : i32
        %and3A_256 = vector.broadcast %and3A_255 : i32 to vector<16xi32>
        %and3A_257 = arith.andi %get3A_237, %and3A_256 : vector<16xi32>
        %add3A_258 = arith.constant 2560 : i32
        %add3A_259 = arith.addi %add3A_258, %arg1 : i32
        %broadcast_in_dim3A_260 = vector.broadcast %add3A_259 : i32 to vector<16xi32>
        %select_n3A_261 = arith.select %lt3A_246, %and3A_257, %broadcast_in_dim3A_260 : vector<16xi1>, vector<16xi32>
        %swap3A_262 = arith.index_cast %and3A_138 : i32 to index
        %swap3A_263 = arith.constant 48 : index
        %swap3A_264 = tpu.vector_load %arg13[%swap3A_262, %swap3A_263] {strides = array<i32>} : memref<4x112xi32, #tpu.memory_space<vmem>>, vector<16xi32>,
        tpu.vector_store %arg13[%swap3A_262, %swap3A_263], %select_n3A_261 {strides = array<i32>} : memref<4x112xi32, #tpu.memory_space<vmem>>, vector<16xi32>,
        %add3A_265 = arith.constant 64 : i32
        %add3A_266 = arith.addi %add3A_142, %add3A_265 : i32
        %get3A_267 = arith.index_cast %add3A_266 : i32 to index
        %get3A_268 = tpu.vector_load %arg7[%get3A_267] {strides = array<i32>} : memref<40112xi32, #tpu.memory_space<vmem>>, vector<16xi32>,
        %mul3A_269 = arith.constant 0 : i32
        %mul3A_270 = arith.constant 112 : i32
        %mul3A_271 = arith.muli %mul3A_269, %mul3A_270 : i32
        %add3A_272 = arith.constant 64 : i32
        %add3A_273 = arith.addi %mul3A_271, %add3A_272 : i32
        %add3A_274 = vector.broadcast %add3A_273 : i32 to vector<16xi32>
        %add3A_275 = arith.addi %add3A_274, %iota3A : vector<16xi32>
        %lt3A_276 = vector.broadcast %sub3A : i32 to vector<16xi32>
        %lt3A_277 = arith.cmpi slt, %add3A_275, %lt3A_276 : vector<16xi32>
        %shift_right_arithmetic3A_278 = arith.constant 14 : i32
        %shift_right_arithmetic3A_279 = vector.broadcast %shift_right_arithmetic3A_278 : i32 to vector<16xi32>
        %shift_right_arithmetic3A_280 = arith.shrsi %get3A_268, %shift_right_arithmetic3A_279 : vector<16xi32>
        %add3A_281 = vector.broadcast %mul3A_2 : i32 to vector<16xi32>
        %add3A_282 = arith.addi %shift_right_arithmetic3A_280, %add3A_281 : vector<16xi32>
        %swap3A_283 = arith.index_cast %and3A_138 : i32 to index
        %swap3A_284 = arith.constant 64 : index
        %swap3A_285 = tpu.vector_load %arg11[%swap3A_283, %swap3A_284] {strides = array<i32>} : memref<4x112xi32, #tpu.memory_space<vmem>>, vector<16xi32>,
        tpu.vector_store %arg11[%swap3A_283, %swap3A_284], %add3A_282 {strides = array<i32>} : memref<4x112xi32, #tpu.memory_space<vmem>>, vector<16xi32>,
        %and3A_286 = arith.constant 16383 : i32
        %and3A_287 = vector.broadcast %and3A_286 : i32 to vector<16xi32>
        %and3A_288 = arith.andi %get3A_268, %and3A_287 : vector<16xi32>
        %add3A_289 = arith.constant 2560 : i32
        %add3A_290 = arith.addi %add3A_289, %arg1 : i32
        %broadcast_in_dim3A_291 = vector.broadcast %add3A_290 : i32 to vector<16xi32>
        %select_n3A_292 = arith.select %lt3A_277, %and3A_288, %broadcast_in_dim3A_291 : vector<16xi1>, vector<16xi32>
        %swap3A_293 = arith.index_cast %and3A_138 : i32 to index
        %swap3A_294 = arith.constant 64 : index
        %swap3A_295 = tpu.vector_load %arg13[%swap3A_293, %swap3A_294] {strides = array<i32>} : memref<4x112xi32, #tpu.memory_space<vmem>>, vector<16xi32>,
        tpu.vector_store %arg13[%swap3A_293, %swap3A_294], %select_n3A_292 {strides = array<i32>} : memref<4x112xi32, #tpu.memory_space<vmem>>, vector<16xi32>,
        %add3A_296 = arith.constant 80 : i32
        %add3A_297 = arith.addi %add3A_142, %add3A_296 : i32
        %get3A_298 = arith.index_cast %add3A_297 : i32 to index
        %get3A_299 = tpu.vector_load %arg7[%get3A_298] {strides = array<i32>} : memref<40112xi32, #tpu.memory_space<vmem>>, vector<16xi32>,
        %mul3A_300 = arith.constant 0 : i32
        %mul3A_301 = arith.constant 112 : i32
        %mul3A_302 = arith.muli %mul3A_300, %mul3A_301 : i32
        %add3A_303 = arith.constant 80 : i32
        %add3A_304 = arith.addi %mul3A_302, %add3A_303 : i32
        %add3A_305 = vector.broadcast %add3A_304 : i32 to vector<16xi32>
        %add3A_306 = arith.addi %add3A_305, %iota3A : vector<16xi32>
        %lt3A_307 = vector.broadcast %sub3A : i32 to vector<16xi32>
        %lt3A_308 = arith.cmpi slt, %add3A_306, %lt3A_307 : vector<16xi32>
        %shift_right_arithmetic3A_309 = arith.constant 14 : i32
        %shift_right_arithmetic3A_310 = vector.broadcast %shift_right_arithmetic3A_309 : i32 to vector<16xi32>
        %shift_right_arithmetic3A_311 = arith.shrsi %get3A_299, %shift_right_arithmetic3A_310 : vector<16xi32>
        %add3A_312 = vector.broadcast %mul3A_2 : i32 to vector<16xi32>
        %add3A_313 = arith.addi %shift_right_arithmetic3A_311, %add3A_312 : vector<16xi32>
        %swap3A_314 = arith.index_cast %and3A_138 : i32 to index
        %swap3A_315 = arith.constant 80 : index
        %swap3A_316 = tpu.vector_load %arg11[%swap3A_314, %swap3A_315] {strides = array<i32>} : memref<4x112xi32, #tpu.memory_space<vmem>>, vector<16xi32>,
        tpu.vector_store %arg11[%swap3A_314, %swap3A_315], %add3A_313 {strides = array<i32>} : memref<4x112xi32, #tpu.memory_space<vmem>>, vector<16xi32>,
        %and3A_317 = arith.constant 16383 : i32
        %and3A_318 = vector.broadcast %and3A_317 : i32 to vector<16xi32>
        %and3A_319 = arith.andi %get3A_299, %and3A_318 : vector<16xi32>
        %add3A_320 = arith.constant 2560 : i32
        %add3A_321 = arith.addi %add3A_320, %arg1 : i32
        %broadcast_in_dim3A_322 = vector.broadcast %add3A_321 : i32 to vector<16xi32>
        %select_n3A_323 = arith.select %lt3A_308, %and3A_319, %broadcast_in_dim3A_322 : vector<16xi1>, vector<16xi32>
        %swap3A_324 = arith.index_cast %and3A_138 : i32 to index
        %swap3A_325 = arith.constant 80 : index
        %swap3A_326 = tpu.vector_load %arg13[%swap3A_324, %swap3A_325] {strides = array<i32>} : memref<4x112xi32, #tpu.memory_space<vmem>>, vector<16xi32>,
        tpu.vector_store %arg13[%swap3A_324, %swap3A_325], %select_n3A_323 {strides = array<i32>} : memref<4x112xi32, #tpu.memory_space<vmem>>, vector<16xi32>,
        %add3A_327 = arith.constant 96 : i32
        %add3A_328 = arith.addi %add3A_142, %add3A_327 : i32
        %get3A_329 = arith.index_cast %add3A_328 : i32 to index
        %get3A_330 = tpu.vector_load %arg7[%get3A_329] {strides = array<i32>} : memref<40112xi32, #tpu.memory_space<vmem>>, vector<16xi32>,
        %mul3A_331 = arith.constant 0 : i32
        %mul3A_332 = arith.constant 112 : i32
        %mul3A_333 = arith.muli %mul3A_331, %mul3A_332 : i32
        %add3A_334 = arith.constant 96 : i32
        %add3A_335 = arith.addi %mul3A_333, %add3A_334 : i32
        %add3A_336 = vector.broadcast %add3A_335 : i32 to vector<16xi32>
        %add3A_337 = arith.addi %add3A_336, %iota3A : vector<16xi32>
        %lt3A_338 = vector.broadcast %sub3A : i32 to vector<16xi32>
        %lt3A_339 = arith.cmpi slt, %add3A_337, %lt3A_338 : vector<16xi32>
        %shift_right_arithmetic3A_340 = arith.constant 14 : i32
        %shift_right_arithmetic3A_341 = vector.broadcast %shift_right_arithmetic3A_340 : i32 to vector<16xi32>
        %shift_right_arithmetic3A_342 = arith.shrsi %get3A_330, %shift_right_arithmetic3A_341 : vector<16xi32>
        %add3A_343 = vector.broadcast %mul3A_2 : i32 to vector<16xi32>
        %add3A_344 = arith.addi %shift_right_arithmetic3A_342, %add3A_343 : vector<16xi32>
        %swap3A_345 = arith.index_cast %and3A_138 : i32 to index
        %swap3A_346 = arith.constant 96 : index
        %swap3A_347 = tpu.vector_load %arg11[%swap3A_345, %swap3A_346] {strides = array<i32>} : memref<4x112xi32, #tpu.memory_space<vmem>>, vector<16xi32>,
        tpu.vector_store %arg11[%swap3A_345, %swap3A_346], %add3A_344 {strides = array<i32>} : memref<4x112xi32, #tpu.memory_space<vmem>>, vector<16xi32>,
        %and3A_348 = arith.constant 16383 : i32
        %and3A_349 = vector.broadcast %and3A_348 : i32 to vector<16xi32>
        %and3A_350 = arith.andi %get3A_330, %and3A_349 : vector<16xi32>
        %add3A_351 = arith.constant 2560 : i32
        %add3A_352 = arith.addi %add3A_351, %arg1 : i32
        %broadcast_in_dim3A_353 = vector.broadcast %add3A_352 : i32 to vector<16xi32>
        %select_n3A_354 = arith.select %lt3A_339, %and3A_350, %broadcast_in_dim3A_353 : vector<16xi1>, vector<16xi32>
        %swap3A_355 = arith.index_cast %and3A_138 : i32 to index
        %swap3A_356 = arith.constant 96 : index
        %swap3A_357 = tpu.vector_load %arg13[%swap3A_355, %swap3A_356] {strides = array<i32>} : memref<4x112xi32, #tpu.memory_space<vmem>>, vector<16xi32>,
        tpu.vector_store %arg13[%swap3A_355, %swap3A_356], %select_n3A_354 {strides = array<i32>} : memref<4x112xi32, #tpu.memory_space<vmem>>, vector<16xi32>,
        %dma_start3A = arith.constant 0 : i32
        %dma_start3A_358 = tpu.memref_slice %arg12[%and3A_138, %dma_start3A] : memref<4x112xi32, #tpu.memory_space<vmem>> -> memref<1x112xi32, #tpu.memory_space<vmem>>
        %dma_start3A_359 = tpu.memref_squeeze %dma_start3A_358 : memref<1x112xi32, #tpu.memory_space<vmem>> -> memref<112xi32, #tpu.memory_space<vmem>>
        %dma_start3A_360 = arith.constant 0 : i32
        %dma_start3A_361 = tpu.memref_slice %arg11[%and3A_138, %dma_start3A_360] : memref<4x112xi32, #tpu.memory_space<vmem>> -> memref<1x112xi32, #tpu.memory_space<vmem>>
        %dma_start3A_362 = tpu.memref_squeeze %dma_start3A_361 : memref<1x112xi32, #tpu.memory_space<vmem>> -> memref<112xi32, #tpu.memory_space<vmem>>
        %dma_start3A_363 = arith.constant 0 : i32
        %dma_start3A_364 = tpu.memref_slice %arg4[%dma_start3A_363] : memref<1280000xi32, #tpu.memory_space<hbm>> -> memref<1280000xi32, #tpu.memory_space<hbm>>
        %dma_start3A_365 = tpu.memref_slice %arg20[%and3A_138] : memref<4x!tpu.dma_semaphore, #tpu.memory_space<semaphore_mem>> -> memref<1x!tpu.dma_semaphore, #tpu.memory_space<semaphore_mem>>
        %dma_start3A_366 = tpu.memref_squeeze %dma_start3A_365 : memref<1x!tpu.dma_semaphore, #tpu.memory_space<semaphore_mem>> -> memref<!tpu.dma_semaphore, #tpu.memory_space<semaphore_mem>>
        tpu.enqueue_indirect_dma source(%dma_start3A_364 : memref<1280000xi32, #tpu.memory_space<hbm>>) target(%dma_start3A_359 : memref<112xi32, #tpu.memory_space<vmem>>) offsets(%dma_start3A_362 : memref<112xi32, #tpu.memory_space<vmem>>) semaphore(%dma_start3A_366 : memref<!tpu.dma_semaphore, #tpu.memory_space<semaphore_mem>>)
        %and3A_367 = arith.constant 0 : i32
        %and3A_368 = arith.constant 3 : i32
        %and3A_369 = arith.andi %and3A_367, %and3A_368 : i32
        %and3A_370 = arith.constant 0 : i32
        %and3A_371 = arith.constant 1 : i32
        %and3A_372 = arith.andi %and3A_370, %and3A_371 : i32
        %dma_wait3A = arith.constant 0 : i32
        %dma_wait3A_373 = tpu.memref_slice %arg12[%and3A_369, %dma_wait3A] : memref<4x112xi32, #tpu.memory_space<vmem>> -> memref<1x112xi32, #tpu.memory_space<vmem>>
        %dma_wait3A_374 = tpu.memref_squeeze %dma_wait3A_373 : memref<1x112xi32, #tpu.memory_space<vmem>> -> memref<112xi32, #tpu.memory_space<vmem>>
        %dma_wait3A_375 = arith.constant 0 : i32
        %dma_wait3A_376 = tpu.memref_slice %arg11[%and3A_369, %dma_wait3A_375] : memref<4x112xi32, #tpu.memory_space<vmem>> -> memref<1x112xi32, #tpu.memory_space<vmem>>
        %dma_wait3A_377 = tpu.memref_squeeze %dma_wait3A_376 : memref<1x112xi32, #tpu.memory_space<vmem>> -> memref<112xi32, #tpu.memory_space<vmem>>
        %dma_wait3A_378 = arith.constant 0 : i32
        %dma_wait3A_379 = tpu.memref_slice %arg4[%dma_wait3A_378] : memref<1280000xi32, #tpu.memory_space<hbm>> -> memref<1280000xi32, #tpu.memory_space<hbm>>
        %dma_wait3A_380 = tpu.memref_slice %arg20[%and3A_369] : memref<4x!tpu.dma_semaphore, #tpu.memory_space<semaphore_mem>> -> memref<1x!tpu.dma_semaphore, #tpu.memory_space<semaphore_mem>>
        %dma_wait3A_381 = tpu.memref_squeeze %dma_wait3A_380 : memref<1x!tpu.dma_semaphore, #tpu.memory_space<semaphore_mem>> -> memref<!tpu.dma_semaphore, #tpu.memory_space<semaphore_mem>>
        tpu.wait_indirect_dma semaphore(%dma_wait3A_381 : memref<!tpu.dma_semaphore, #tpu.memory_space<semaphore_mem>>) src(%dma_wait3A_379 : memref<1280000xi32, #tpu.memory_space<hbm>>) dst(%dma_wait3A_374 : memref<112xi32, #tpu.memory_space<vmem>>)
        %dma_start3A_382 = arith.constant 0 : i32
        %dma_start3A_383 = arith.constant 0 : i32
        %dma_start3A_384 = tpu.memref_slice %arg14[%and3A_372, %dma_start3A_382, %dma_start3A_383] : memref<2x112x128xf32, #tpu.memory_space<vmem>> -> memref<1x112x128xf32, #tpu.memory_space<vmem>>
        %dma_start3A_385 = tpu.memref_squeeze %dma_start3A_384 : memref<1x112x128xf32, #tpu.memory_space<vmem>> -> memref<112x128xf32, #tpu.memory_space<vmem>>
        %dma_start3A_386 = arith.constant 0 : i32
        %dma_start3A_387 = tpu.memref_slice %arg12[%and3A_369, %dma_start3A_386] : memref<4x112xi32, #tpu.memory_space<vmem>> -> memref<1x112xi32, #tpu.memory_space<vmem>>
        %dma_start3A_388 = tpu.memref_squeeze %dma_start3A_387 : memref<1x112xi32, #tpu.memory_space<vmem>> -> memref<112xi32, #tpu.memory_space<vmem>>
        %dma_start3A_389 = arith.constant 0 : i32
        %dma_start3A_390 = arith.constant 0 : i32
        %dma_start3A_391 = tpu.memref_slice %arg2[%dma_start3A_389, %dma_start3A_390] : memref<320000x128xf32, #tpu.memory_space<hbm>> -> memref<320000x128xf32, #tpu.memory_space<hbm>>
        %dma_start3A_392 = tpu.memref_slice %arg21[%and3A_372] : memref<2x!tpu.dma_semaphore, #tpu.memory_space<semaphore_mem>> -> memref<1x!tpu.dma_semaphore, #tpu.memory_space<semaphore_mem>>
        %dma_start3A_393 = tpu.memref_squeeze %dma_start3A_392 : memref<1x!tpu.dma_semaphore, #tpu.memory_space<semaphore_mem>> -> memref<!tpu.dma_semaphore, #tpu.memory_space<semaphore_mem>>
        tpu.enqueue_indirect_dma source(%dma_start3A_391 : memref<320000x128xf32, #tpu.memory_space<hbm>>) target(%dma_start3A_385 : memref<112x128xf32, #tpu.memory_space<vmem>>) offsets(%dma_start3A_388 : memref<112xi32, #tpu.memory_space<vmem>>) semaphore(%dma_start3A_393 : memref<!tpu.dma_semaphore, #tpu.memory_space<semaphore_mem>>)
        %dma_start3A_394 = arith.constant 0 : i32
        %dma_start3A_395 = arith.constant 0 : i32
        %dma_start3A_396 = tpu.memref_slice %arg15[%and3A_372, %dma_start3A_394, %dma_start3A_395] : memref<2x112x128xf32, #tpu.memory_space<vmem>> -> memref<1x112x128xf32, #tpu.memory_space<vmem>>
        %dma_start3A_397 = tpu.memref_squeeze %dma_start3A_396 : memref<1x112x128xf32, #tpu.memory_space<vmem>> -> memref<112x128xf32, #tpu.memory_space<vmem>>
        %dma_start3A_398 = arith.constant 0 : i32
        %dma_start3A_399 = tpu.memref_slice %arg11[%and3A_369, %dma_start3A_398] : memref<4x112xi32, #tpu.memory_space<vmem>> -> memref<1x112xi32, #tpu.memory_space<vmem>>
        %dma_start3A_400 = tpu.memref_squeeze %dma_start3A_399 : memref<1x112xi32, #tpu.memory_space<vmem>> -> memref<112xi32, #tpu.memory_space<vmem>>
        %dma_start3A_401 = arith.constant 0 : i32
        %dma_start3A_402 = arith.constant 0 : i32
        %dma_start3A_403 = tpu.memref_slice %arg3[%dma_start3A_401, %dma_start3A_402] : memref<1280000x128xf32, #tpu.memory_space<hbm>> -> memref<1280000x128xf32, #tpu.memory_space<hbm>>
        %dma_start3A_404 = tpu.memref_slice %arg22[%and3A_372] : memref<2x!tpu.dma_semaphore, #tpu.memory_space<semaphore_mem>> -> memref<1x!tpu.dma_semaphore, #tpu.memory_space<semaphore_mem>>
        %dma_start3A_405 = tpu.memref_squeeze %dma_start3A_404 : memref<1x!tpu.dma_semaphore, #tpu.memory_space<semaphore_mem>> -> memref<!tpu.dma_semaphore, #tpu.memory_space<semaphore_mem>>
        tpu.enqueue_indirect_dma source(%dma_start3A_403 : memref<1280000x128xf32, #tpu.memory_space<hbm>>) target(%dma_start3A_397 : memref<112x128xf32, #tpu.memory_space<vmem>>) offsets(%dma_start3A_400 : memref<112xi32, #tpu.memory_space<vmem>>) semaphore(%dma_start3A_405 : memref<!tpu.dma_semaphore, #tpu.memory_space<semaphore_mem>>)
      } else {
      }
      %gt3A_111 = arith.constant 1 : i32
      %gt3A_112 = arith.cmpi sgt, %select_n3A, %gt3A_111 : i32
      %convert_element_type3A_113 = arith.extui %gt3A_112 : i1 to i32
      %cond3A_114 = arith.constant 0 : i32
      %cond3A_115 = arith.cmpi ne, %convert_element_type3A_113, %cond3A_114 : i32
      scf.if %cond3A_115 {
        %and3A_136 = arith.constant 1 : i32
        %and3A_137 = arith.constant 3 : i32
        %and3A_138 = arith.andi %and3A_136, %and3A_137 : i32
        %mul3A_139 = arith.constant 1 : i32
        %mul3A_140 = arith.constant 112 : i32
        %mul3A_141 = arith.muli %mul3A_139, %mul3A_140 : i32
        %add3A_142 = arith.addi %get3A_83, %mul3A_141 : i32
        %add3A_143 = arith.constant 0 : i32
        %add3A_144 = arith.addi %add3A_142, %add3A_143 : i32
        %get3A_145 = arith.index_cast %add3A_144 : i32 to index
        %get3A_146 = tpu.vector_load %arg7[%get3A_145] {strides = array<i32>} : memref<40112xi32, #tpu.memory_space<vmem>>, vector<16xi32>,
        %mul3A_147 = arith.constant 1 : i32
        %mul3A_148 = arith.constant 112 : i32
        %mul3A_149 = arith.muli %mul3A_147, %mul3A_148 : i32
        %add3A_150 = arith.constant 0 : i32
        %add3A_151 = arith.addi %mul3A_149, %add3A_150 : i32
        %add3A_152 = vector.broadcast %add3A_151 : i32 to vector<16xi32>
        %add3A_153 = arith.addi %add3A_152, %iota3A : vector<16xi32>
        %lt3A = vector.broadcast %sub3A : i32 to vector<16xi32>
        %lt3A_154 = arith.cmpi slt, %add3A_153, %lt3A : vector<16xi32>
        %shift_right_arithmetic3A = arith.constant 14 : i32
        %shift_right_arithmetic3A_155 = vector.broadcast %shift_right_arithmetic3A : i32 to vector<16xi32>
        %shift_right_arithmetic3A_156 = arith.shrsi %get3A_146, %shift_right_arithmetic3A_155 : vector<16xi32>
        %add3A_157 = vector.broadcast %mul3A_2 : i32 to vector<16xi32>
        %add3A_158 = arith.addi %shift_right_arithmetic3A_156, %add3A_157 : vector<16xi32>
        %swap3A_159 = arith.index_cast %and3A_138 : i32 to index
        %swap3A_160 = arith.constant 0 : index
        %swap3A_161 = tpu.vector_load %arg11[%swap3A_159, %swap3A_160] {strides = array<i32>} : memref<4x112xi32, #tpu.memory_space<vmem>>, vector<16xi32>,
        tpu.vector_store %arg11[%swap3A_159, %swap3A_160], %add3A_158 {strides = array<i32>} : memref<4x112xi32, #tpu.memory_space<vmem>>, vector<16xi32>,
        %and3A_162 = arith.constant 16383 : i32
        %and3A_163 = vector.broadcast %and3A_162 : i32 to vector<16xi32>
        %and3A_164 = arith.andi %get3A_146, %and3A_163 : vector<16xi32>
        %add3A_165 = arith.constant 2560 : i32
        %add3A_166 = arith.addi %add3A_165, %arg1 : i32
        %broadcast_in_dim3A_167 = vector.broadcast %add3A_166 : i32 to vector<16xi32>
        %select_n3A_168 = arith.select %lt3A_154, %and3A_164, %broadcast_in_dim3A_167 : vector<16xi1>, vector<16xi32>
        %swap3A_169 = arith.index_cast %and3A_138 : i32 to index
        %swap3A_170 = arith.constant 0 : index
        %swap3A_171 = tpu.vector_load %arg13[%swap3A_169, %swap3A_170] {strides = array<i32>} : memref<4x112xi32, #tpu.memory_space<vmem>>, vector<16xi32>,
        tpu.vector_store %arg13[%swap3A_169, %swap3A_170], %select_n3A_168 {strides = array<i32>} : memref<4x112xi32, #tpu.memory_space<vmem>>, vector<16xi32>,
        %add3A_172 = arith.constant 16 : i32
        %add3A_173 = arith.addi %add3A_142, %add3A_172 : i32
        %get3A_174 = arith.index_cast %add3A_173 : i32 to index
        %get3A_175 = tpu.vector_load %arg7[%get3A_174] {strides = array<i32>} : memref<40112xi32, #tpu.memory_space<vmem>>, vector<16xi32>,
        %mul3A_176 = arith.constant 1 : i32
        %mul3A_177 = arith.constant 112 : i32
        %mul3A_178 = arith.muli %mul3A_176, %mul3A_177 : i32
        %add3A_179 = arith.constant 16 : i32
        %add3A_180 = arith.addi %mul3A_178, %add3A_179 : i32
        %add3A_181 = vector.broadcast %add3A_180 : i32 to vector<16xi32>
        %add3A_182 = arith.addi %add3A_181, %iota3A : vector<16xi32>
        %lt3A_183 = vector.broadcast %sub3A : i32 to vector<16xi32>
        %lt3A_184 = arith.cmpi slt, %add3A_182, %lt3A_183 : vector<16xi32>
        %shift_right_arithmetic3A_185 = arith.constant 14 : i32
        %shift_right_arithmetic3A_186 = vector.broadcast %shift_right_arithmetic3A_185 : i32 to vector<16xi32>
        %shift_right_arithmetic3A_187 = arith.shrsi %get3A_175, %shift_right_arithmetic3A_186 : vector<16xi32>
        %add3A_188 = vector.broadcast %mul3A_2 : i32 to vector<16xi32>
        %add3A_189 = arith.addi %shift_right_arithmetic3A_187, %add3A_188 : vector<16xi32>
        %swap3A_190 = arith.index_cast %and3A_138 : i32 to index
        %swap3A_191 = arith.constant 16 : index
        %swap3A_192 = tpu.vector_load %arg11[%swap3A_190, %swap3A_191] {strides = array<i32>} : memref<4x112xi32, #tpu.memory_space<vmem>>, vector<16xi32>,
        tpu.vector_store %arg11[%swap3A_190, %swap3A_191], %add3A_189 {strides = array<i32>} : memref<4x112xi32, #tpu.memory_space<vmem>>, vector<16xi32>,
        %and3A_193 = arith.constant 16383 : i32
        %and3A_194 = vector.broadcast %and3A_193 : i32 to vector<16xi32>
        %and3A_195 = arith.andi %get3A_175, %and3A_194 : vector<16xi32>
        %add3A_196 = arith.constant 2560 : i32
        %add3A_197 = arith.addi %add3A_196, %arg1 : i32
        %broadcast_in_dim3A_198 = vector.broadcast %add3A_197 : i32 to vector<16xi32>
        %select_n3A_199 = arith.select %lt3A_184, %and3A_195, %broadcast_in_dim3A_198 : vector<16xi1>, vector<16xi32>
        %swap3A_200 = arith.index_cast %and3A_138 : i32 to index
        %swap3A_201 = arith.constant 16 : index
        %swap3A_202 = tpu.vector_load %arg13[%swap3A_200, %swap3A_201] {strides = array<i32>} : memref<4x112xi32, #tpu.memory_space<vmem>>, vector<16xi32>,
        tpu.vector_store %arg13[%swap3A_200, %swap3A_201], %select_n3A_199 {strides = array<i32>} : memref<4x112xi32, #tpu.memory_space<vmem>>, vector<16xi32>,
        %add3A_203 = arith.constant 32 : i32
        %add3A_204 = arith.addi %add3A_142, %add3A_203 : i32
        %get3A_205 = arith.index_cast %add3A_204 : i32 to index
        %get3A_206 = tpu.vector_load %arg7[%get3A_205] {strides = array<i32>} : memref<40112xi32, #tpu.memory_space<vmem>>, vector<16xi32>,
        %mul3A_207 = arith.constant 1 : i32
        %mul3A_208 = arith.constant 112 : i32
        %mul3A_209 = arith.muli %mul3A_207, %mul3A_208 : i32
        %add3A_210 = arith.constant 32 : i32
        %add3A_211 = arith.addi %mul3A_209, %add3A_210 : i32
        %add3A_212 = vector.broadcast %add3A_211 : i32 to vector<16xi32>
        %add3A_213 = arith.addi %add3A_212, %iota3A : vector<16xi32>
        %lt3A_214 = vector.broadcast %sub3A : i32 to vector<16xi32>
        %lt3A_215 = arith.cmpi slt, %add3A_213, %lt3A_214 : vector<16xi32>
        %shift_right_arithmetic3A_216 = arith.constant 14 : i32
        %shift_right_arithmetic3A_217 = vector.broadcast %shift_right_arithmetic3A_216 : i32 to vector<16xi32>
        %shift_right_arithmetic3A_218 = arith.shrsi %get3A_206, %shift_right_arithmetic3A_217 : vector<16xi32>
        %add3A_219 = vector.broadcast %mul3A_2 : i32 to vector<16xi32>
        %add3A_220 = arith.addi %shift_right_arithmetic3A_218, %add3A_219 : vector<16xi32>
        %swap3A_221 = arith.index_cast %and3A_138 : i32 to index
        %swap3A_222 = arith.constant 32 : index
        %swap3A_223 = tpu.vector_load %arg11[%swap3A_221, %swap3A_222] {strides = array<i32>} : memref<4x112xi32, #tpu.memory_space<vmem>>, vector<16xi32>,
        tpu.vector_store %arg11[%swap3A_221, %swap3A_222], %add3A_220 {strides = array<i32>} : memref<4x112xi32, #tpu.memory_space<vmem>>, vector<16xi32>,
        %and3A_224 = arith.constant 16383 : i32
        %and3A_225 = vector.broadcast %and3A_224 : i32 to vector<16xi32>
        %and3A_226 = arith.andi %get3A_206, %and3A_225 : vector<16xi32>
        %add3A_227 = arith.constant 2560 : i32
        %add3A_228 = arith.addi %add3A_227, %arg1 : i32
        %broadcast_in_dim3A_229 = vector.broadcast %add3A_228 : i32 to vector<16xi32>
        %select_n3A_230 = arith.select %lt3A_215, %and3A_226, %broadcast_in_dim3A_229 : vector<16xi1>, vector<16xi32>
        %swap3A_231 = arith.index_cast %and3A_138 : i32 to index
        %swap3A_232 = arith.constant 32 : index
        %swap3A_233 = tpu.vector_load %arg13[%swap3A_231, %swap3A_232] {strides = array<i32>} : memref<4x112xi32, #tpu.memory_space<vmem>>, vector<16xi32>,
        tpu.vector_store %arg13[%swap3A_231, %swap3A_232], %select_n3A_230 {strides = array<i32>} : memref<4x112xi32, #tpu.memory_space<vmem>>, vector<16xi32>,
        %add3A_234 = arith.constant 48 : i32
        %add3A_235 = arith.addi %add3A_142, %add3A_234 : i32
        %get3A_236 = arith.index_cast %add3A_235 : i32 to index
        %get3A_237 = tpu.vector_load %arg7[%get3A_236] {strides = array<i32>} : memref<40112xi32, #tpu.memory_space<vmem>>, vector<16xi32>,
        %mul3A_238 = arith.constant 1 : i32
        %mul3A_239 = arith.constant 112 : i32
        %mul3A_240 = arith.muli %mul3A_238, %mul3A_239 : i32
        %add3A_241 = arith.constant 48 : i32
        %add3A_242 = arith.addi %mul3A_240, %add3A_241 : i32
        %add3A_243 = vector.broadcast %add3A_242 : i32 to vector<16xi32>
        %add3A_244 = arith.addi %add3A_243, %iota3A : vector<16xi32>
        %lt3A_245 = vector.broadcast %sub3A : i32 to vector<16xi32>
        %lt3A_246 = arith.cmpi slt, %add3A_244, %lt3A_245 : vector<16xi32>
        %shift_right_arithmetic3A_247 = arith.constant 14 : i32
        %shift_right_arithmetic3A_248 = vector.broadcast %shift_right_arithmetic3A_247 : i32 to vector<16xi32>
        %shift_right_arithmetic3A_249 = arith.shrsi %get3A_237, %shift_right_arithmetic3A_248 : vector<16xi32>
        %add3A_250 = vector.broadcast %mul3A_2 : i32 to vector<16xi32>
        %add3A_251 = arith.addi %shift_right_arithmetic3A_249, %add3A_250 : vector<16xi32>
        %swap3A_252 = arith.index_cast %and3A_138 : i32 to index
        %swap3A_253 = arith.constant 48 : index
        %swap3A_254 = tpu.vector_load %arg11[%swap3A_252, %swap3A_253] {strides = array<i32>} : memref<4x112xi32, #tpu.memory_space<vmem>>, vector<16xi32>,
        tpu.vector_store %arg11[%swap3A_252, %swap3A_253], %add3A_251 {strides = array<i32>} : memref<4x112xi32, #tpu.memory_space<vmem>>, vector<16xi32>,
        %and3A_255 = arith.constant 16383 : i32
        %and3A_256 = vector.broadcast %and3A_255 : i32 to vector<16xi32>
        %and3A_257 = arith.andi %get3A_237, %and3A_256 : vector<16xi32>
        %add3A_258 = arith.constant 2560 : i32
        %add3A_259 = arith.addi %add3A_258, %arg1 : i32
        %broadcast_in_dim3A_260 = vector.broadcast %add3A_259 : i32 to vector<16xi32>
        %select_n3A_261 = arith.select %lt3A_246, %and3A_257, %broadcast_in_dim3A_260 : vector<16xi1>, vector<16xi32>
        %swap3A_262 = arith.index_cast %and3A_138 : i32 to index
        %swap3A_263 = arith.constant 48 : index
        %swap3A_264 = tpu.vector_load %arg13[%swap3A_262, %swap3A_263] {strides = array<i32>} : memref<4x112xi32, #tpu.memory_space<vmem>>, vector<16xi32>,
        tpu.vector_store %arg13[%swap3A_262, %swap3A_263], %select_n3A_261 {strides = array<i32>} : memref<4x112xi32, #tpu.memory_space<vmem>>, vector<16xi32>,
        %add3A_265 = arith.constant 64 : i32
        %add3A_266 = arith.addi %add3A_142, %add3A_265 : i32
        %get3A_267 = arith.index_cast %add3A_266 : i32 to index
        %get3A_268 = tpu.vector_load %arg7[%get3A_267] {strides = array<i32>} : memref<40112xi32, #tpu.memory_space<vmem>>, vector<16xi32>,
        %mul3A_269 = arith.constant 1 : i32
        %mul3A_270 = arith.constant 112 : i32
        %mul3A_271 = arith.muli %mul3A_269, %mul3A_270 : i32
        %add3A_272 = arith.constant 64 : i32
        %add3A_273 = arith.addi %mul3A_271, %add3A_272 : i32
        %add3A_274 = vector.broadcast %add3A_273 : i32 to vector<16xi32>
        %add3A_275 = arith.addi %add3A_274, %iota3A : vector<16xi32>
        %lt3A_276 = vector.broadcast %sub3A : i32 to vector<16xi32>
        %lt3A_277 = arith.cmpi slt, %add3A_275, %lt3A_276 : vector<16xi32>
        %shift_right_arithmetic3A_278 = arith.constant 14 : i32
        %shift_right_arithmetic3A_279 = vector.broadcast %shift_right_arithmetic3A_278 : i32 to vector<16xi32>
        %shift_right_arithmetic3A_280 = arith.shrsi %get3A_268, %shift_right_arithmetic3A_279 : vector<16xi32>
        %add3A_281 = vector.broadcast %mul3A_2 : i32 to vector<16xi32>
        %add3A_282 = arith.addi %shift_right_arithmetic3A_280, %add3A_281 : vector<16xi32>
        %swap3A_283 = arith.index_cast %and3A_138 : i32 to index
        %swap3A_284 = arith.constant 64 : index
        %swap3A_285 = tpu.vector_load %arg11[%swap3A_283, %swap3A_284] {strides = array<i32>} : memref<4x112xi32, #tpu.memory_space<vmem>>, vector<16xi32>,
        tpu.vector_store %arg11[%swap3A_283, %swap3A_284], %add3A_282 {strides = array<i32>} : memref<4x112xi32, #tpu.memory_space<vmem>>, vector<16xi32>,
        %and3A_286 = arith.constant 16383 : i32
        %and3A_287 = vector.broadcast %and3A_286 : i32 to vector<16xi32>
        %and3A_288 = arith.andi %get3A_268, %and3A_287 : vector<16xi32>
        %add3A_289 = arith.constant 2560 : i32
        %add3A_290 = arith.addi %add3A_289, %arg1 : i32
        %broadcast_in_dim3A_291 = vector.broadcast %add3A_290 : i32 to vector<16xi32>
        %select_n3A_292 = arith.select %lt3A_277, %and3A_288, %broadcast_in_dim3A_291 : vector<16xi1>, vector<16xi32>
        %swap3A_293 = arith.index_cast %and3A_138 : i32 to index
        %swap3A_294 = arith.constant 64 : index
        %swap3A_295 = tpu.vector_load %arg13[%swap3A_293, %swap3A_294] {strides = array<i32>} : memref<4x112xi32, #tpu.memory_space<vmem>>, vector<16xi32>,
        tpu.vector_store %arg13[%swap3A_293, %swap3A_294], %select_n3A_292 {strides = array<i32>} : memref<4x112xi32, #tpu.memory_space<vmem>>, vector<16xi32>,
        %add3A_296 = arith.constant 80 : i32
        %add3A_297 = arith.addi %add3A_142, %add3A_296 : i32
        %get3A_298 = arith.index_cast %add3A_297 : i32 to index
        %get3A_299 = tpu.vector_load %arg7[%get3A_298] {strides = array<i32>} : memref<40112xi32, #tpu.memory_space<vmem>>, vector<16xi32>,
        %mul3A_300 = arith.constant 1 : i32
        %mul3A_301 = arith.constant 112 : i32
        %mul3A_302 = arith.muli %mul3A_300, %mul3A_301 : i32
        %add3A_303 = arith.constant 80 : i32
        %add3A_304 = arith.addi %mul3A_302, %add3A_303 : i32
        %add3A_305 = vector.broadcast %add3A_304 : i32 to vector<16xi32>
        %add3A_306 = arith.addi %add3A_305, %iota3A : vector<16xi32>
        %lt3A_307 = vector.broadcast %sub3A : i32 to vector<16xi32>
        %lt3A_308 = arith.cmpi slt, %add3A_306, %lt3A_307 : vector<16xi32>
        %shift_right_arithmetic3A_309 = arith.constant 14 : i32
        %shift_right_arithmetic3A_310 = vector.broadcast %shift_right_arithmetic3A_309 : i32 to vector<16xi32>
        %shift_right_arithmetic3A_311 = arith.shrsi %get3A_299, %shift_right_arithmetic3A_310 : vector<16xi32>
        %add3A_312 = vector.broadcast %mul3A_2 : i32 to vector<16xi32>
        %add3A_313 = arith.addi %shift_right_arithmetic3A_311, %add3A_312 : vector<16xi32>
        %swap3A_314 = arith.index_cast %and3A_138 : i32 to index
        %swap3A_315 = arith.constant 80 : index
        %swap3A_316 = tpu.vector_load %arg11[%swap3A_314, %swap3A_315] {strides = array<i32>} : memref<4x112xi32, #tpu.memory_space<vmem>>, vector<16xi32>,
        tpu.vector_store %arg11[%swap3A_314, %swap3A_315], %add3A_313 {strides = array<i32>} : memref<4x112xi32, #tpu.memory_space<vmem>>, vector<16xi32>,
        %and3A_317 = arith.constant 16383 : i32
        %and3A_318 = vector.broadcast %and3A_317 : i32 to vector<16xi32>
        %and3A_319 = arith.andi %get3A_299, %and3A_318 : vector<16xi32>
        %add3A_320 = arith.constant 2560 : i32
        %add3A_321 = arith.addi %add3A_320, %arg1 : i32
        %broadcast_in_dim3A_322 = vector.broadcast %add3A_321 : i32 to vector<16xi32>
        %select_n3A_323 = arith.select %lt3A_308, %and3A_319, %broadcast_in_dim3A_322 : vector<16xi1>, vector<16xi32>
        %swap3A_324 = arith.index_cast %and3A_138 : i32 to index
        %swap3A_325 = arith.constant 80 : index
        %swap3A_326 = tpu.vector_load %arg13[%swap3A_324, %swap3A_325] {strides = array<i32>} : memref<4x112xi32, #tpu.memory_space<vmem>>, vector<16xi32>,
        tpu.vector_store %arg13[%swap3A_324, %swap3A_325], %select_n3A_323 {strides = array<i32>} : memref<4x112xi32, #tpu.memory_space<vmem>>, vector<16xi32>,
        %add3A_327 = arith.constant 96 : i32
        %add3A_328 = arith.addi %add3A_142, %add3A_327 : i32
        %get3A_329 = arith.index_cast %add3A_328 : i32 to index
        %get3A_330 = tpu.vector_load %arg7[%get3A_329] {strides = array<i32>} : memref<40112xi32, #tpu.memory_space<vmem>>, vector<16xi32>,
        %mul3A_331 = arith.constant 1 : i32
        %mul3A_332 = arith.constant 112 : i32
        %mul3A_333 = arith.muli %mul3A_331, %mul3A_332 : i32
        %add3A_334 = arith.constant 96 : i32
        %add3A_335 = arith.addi %mul3A_333, %add3A_334 : i32
        %add3A_336 = vector.broadcast %add3A_335 : i32 to vector<16xi32>
        %add3A_337 = arith.addi %add3A_336, %iota3A : vector<16xi32>
        %lt3A_338 = vector.broadcast %sub3A : i32 to vector<16xi32>
        %lt3A_339 = arith.cmpi slt, %add3A_337, %lt3A_338 : vector<16xi32>
        %shift_right_arithmetic3A_340 = arith.constant 14 : i32
        %shift_right_arithmetic3A_341 = vector.broadcast %shift_right_arithmetic3A_340 : i32 to vector<16xi32>
        %shift_right_arithmetic3A_342 = arith.shrsi %get3A_330, %shift_right_arithmetic3A_341 : vector<16xi32>
        %add3A_343 = vector.broadcast %mul3A_2 : i32 to vector<16xi32>
        %add3A_344 = arith.addi %shift_right_arithmetic3A_342, %add3A_343 : vector<16xi32>
        %swap3A_345 = arith.index_cast %and3A_138 : i32 to index
        %swap3A_346 = arith.constant 96 : index
        %swap3A_347 = tpu.vector_load %arg11[%swap3A_345, %swap3A_346] {strides = array<i32>} : memref<4x112xi32, #tpu.memory_space<vmem>>, vector<16xi32>,
        tpu.vector_store %arg11[%swap3A_345, %swap3A_346], %add3A_344 {strides = array<i32>} : memref<4x112xi32, #tpu.memory_space<vmem>>, vector<16xi32>,
        %and3A_348 = arith.constant 16383 : i32
        %and3A_349 = vector.broadcast %and3A_348 : i32 to vector<16xi32>
        %and3A_350 = arith.andi %get3A_330, %and3A_349 : vector<16xi32>
        %add3A_351 = arith.constant 2560 : i32
        %add3A_352 = arith.addi %add3A_351, %arg1 : i32
        %broadcast_in_dim3A_353 = vector.broadcast %add3A_352 : i32 to vector<16xi32>
        %select_n3A_354 = arith.select %lt3A_339, %and3A_350, %broadcast_in_dim3A_353 : vector<16xi1>, vector<16xi32>
        %swap3A_355 = arith.index_cast %and3A_138 : i32 to index
        %swap3A_356 = arith.constant 96 : index
        %swap3A_357 = tpu.vector_load %arg13[%swap3A_355, %swap3A_356] {strides = array<i32>} : memref<4x112xi32, #tpu.memory_space<vmem>>, vector<16xi32>,
        tpu.vector_store %arg13[%swap3A_355, %swap3A_356], %select_n3A_354 {strides = array<i32>} : memref<4x112xi32, #tpu.memory_space<vmem>>, vector<16xi32>,
        %dma_start3A = arith.constant 0 : i32
        %dma_start3A_358 = tpu.memref_slice %arg12[%and3A_138, %dma_start3A] : memref<4x112xi32, #tpu.memory_space<vmem>> -> memref<1x112xi32, #tpu.memory_space<vmem>>
        %dma_start3A_359 = tpu.memref_squeeze %dma_start3A_358 : memref<1x112xi32, #tpu.memory_space<vmem>> -> memref<112xi32, #tpu.memory_space<vmem>>
        %dma_start3A_360 = arith.constant 0 : i32
        %dma_start3A_361 = tpu.memref_slice %arg11[%and3A_138, %dma_start3A_360] : memref<4x112xi32, #tpu.memory_space<vmem>> -> memref<1x112xi32, #tpu.memory_space<vmem>>
        %dma_start3A_362 = tpu.memref_squeeze %dma_start3A_361 : memref<1x112xi32, #tpu.memory_space<vmem>> -> memref<112xi32, #tpu.memory_space<vmem>>
        %dma_start3A_363 = arith.constant 0 : i32
        %dma_start3A_364 = tpu.memref_slice %arg4[%dma_start3A_363] : memref<1280000xi32, #tpu.memory_space<hbm>> -> memref<1280000xi32, #tpu.memory_space<hbm>>
        %dma_start3A_365 = tpu.memref_slice %arg20[%and3A_138] : memref<4x!tpu.dma_semaphore, #tpu.memory_space<semaphore_mem>> -> memref<1x!tpu.dma_semaphore, #tpu.memory_space<semaphore_mem>>
        %dma_start3A_366 = tpu.memref_squeeze %dma_start3A_365 : memref<1x!tpu.dma_semaphore, #tpu.memory_space<semaphore_mem>> -> memref<!tpu.dma_semaphore, #tpu.memory_space<semaphore_mem>>
        tpu.enqueue_indirect_dma source(%dma_start3A_364 : memref<1280000xi32, #tpu.memory_space<hbm>>) target(%dma_start3A_359 : memref<112xi32, #tpu.memory_space<vmem>>) offsets(%dma_start3A_362 : memref<112xi32, #tpu.memory_space<vmem>>) semaphore(%dma_start3A_366 : memref<!tpu.dma_semaphore, #tpu.memory_space<semaphore_mem>>)
      } else {
      }
      %while3A = arith.constant 0 : i32
      %while3A_116 = arith.constant 0 : i32
      %while3A_117 = arith.subi %select_n3A, %while3A : i32
      %while3A_118 = arith.addi %while3A, %while3A_117 : i32
      %while3A_119 = arith.constant 1 : i32
      %while3A_120 = arith.divsi %while3A_117, %while3A_119 : i32
      %while3A_121 = arith.muli %while3A_120, %while3A_119 : i32
      %while3A_122 = arith.addi %while3A, %while3A_121 : i32
      %while3A_123 = arith.constant 1 : i32
      %while3A_124 = scf.for %while3A_136 = %while3A to %while3A_122 step %while3A_123 iter_args(%while3A_137 = %while3A_116) -> (i32)  : i32 {
        %and3A_138 = arith.constant 3 : i32
        %and3A_139 = arith.andi %while3A_136, %and3A_138 : i32
        %and3A_140 = arith.constant 1 : i32
        %and3A_141 = arith.andi %while3A_136, %and3A_140 : i32
        %dma_wait3A = arith.constant 0 : i32
        %dma_wait3A_142 = arith.constant 0 : i32
        %dma_wait3A_143 = tpu.memref_slice %arg14[%and3A_141, %dma_wait3A, %dma_wait3A_142] : memref<2x112x128xf32, #tpu.memory_space<vmem>> -> memref<1x112x128xf32, #tpu.memory_space<vmem>>
        %dma_wait3A_144 = tpu.memref_squeeze %dma_wait3A_143 : memref<1x112x128xf32, #tpu.memory_space<vmem>> -> memref<112x128xf32, #tpu.memory_space<vmem>>
        %dma_wait3A_145 = arith.constant 0 : i32
        %dma_wait3A_146 = tpu.memref_slice %arg12[%and3A_139, %dma_wait3A_145] : memref<4x112xi32, #tpu.memory_space<vmem>> -> memref<1x112xi32, #tpu.memory_space<vmem>>
        %dma_wait3A_147 = tpu.memref_squeeze %dma_wait3A_146 : memref<1x112xi32, #tpu.memory_space<vmem>> -> memref<112xi32, #tpu.memory_space<vmem>>
        %dma_wait3A_148 = arith.constant 0 : i32
        %dma_wait3A_149 = arith.constant 0 : i32
        %dma_wait3A_150 = tpu.memref_slice %arg2[%dma_wait3A_148, %dma_wait3A_149] : memref<320000x128xf32, #tpu.memory_space<hbm>> -> memref<320000x128xf32, #tpu.memory_space<hbm>>
        %dma_wait3A_151 = tpu.memref_slice %arg21[%and3A_141] : memref<2x!tpu.dma_semaphore, #tpu.memory_space<semaphore_mem>> -> memref<1x!tpu.dma_semaphore, #tpu.memory_space<semaphore_mem>>
        %dma_wait3A_152 = tpu.memref_squeeze %dma_wait3A_151 : memref<1x!tpu.dma_semaphore, #tpu.memory_space<semaphore_mem>> -> memref<!tpu.dma_semaphore, #tpu.memory_space<semaphore_mem>>
        tpu.wait_indirect_dma semaphore(%dma_wait3A_152 : memref<!tpu.dma_semaphore, #tpu.memory_space<semaphore_mem>>) src(%dma_wait3A_150 : memref<320000x128xf32, #tpu.memory_space<hbm>>) dst(%dma_wait3A_144 : memref<112x128xf32, #tpu.memory_space<vmem>>)
        %dma_wait3A_153 = arith.constant 0 : i32
        %dma_wait3A_154 = arith.constant 0 : i32
        %dma_wait3A_155 = tpu.memref_slice %arg15[%and3A_141, %dma_wait3A_153, %dma_wait3A_154] : memref<2x112x128xf32, #tpu.memory_space<vmem>> -> memref<1x112x128xf32, #tpu.memory_space<vmem>>
        %dma_wait3A_156 = tpu.memref_squeeze %dma_wait3A_155 : memref<1x112x128xf32, #tpu.memory_space<vmem>> -> memref<112x128xf32, #tpu.memory_space<vmem>>
        %dma_wait3A_157 = arith.constant 0 : i32
        %dma_wait3A_158 = tpu.memref_slice %arg11[%and3A_139, %dma_wait3A_157] : memref<4x112xi32, #tpu.memory_space<vmem>> -> memref<1x112xi32, #tpu.memory_space<vmem>>
        %dma_wait3A_159 = tpu.memref_squeeze %dma_wait3A_158 : memref<1x112xi32, #tpu.memory_space<vmem>> -> memref<112xi32, #tpu.memory_space<vmem>>
        %dma_wait3A_160 = arith.constant 0 : i32
        %dma_wait3A_161 = arith.constant 0 : i32
        %dma_wait3A_162 = tpu.memref_slice %arg3[%dma_wait3A_160, %dma_wait3A_161] : memref<1280000x128xf32, #tpu.memory_space<hbm>> -> memref<1280000x128xf32, #tpu.memory_space<hbm>>
        %dma_wait3A_163 = tpu.memref_slice %arg22[%and3A_141] : memref<2x!tpu.dma_semaphore, #tpu.memory_space<semaphore_mem>> -> memref<1x!tpu.dma_semaphore, #tpu.memory_space<semaphore_mem>>
        %dma_wait3A_164 = tpu.memref_squeeze %dma_wait3A_163 : memref<1x!tpu.dma_semaphore, #tpu.memory_space<semaphore_mem>> -> memref<!tpu.dma_semaphore, #tpu.memory_space<semaphore_mem>>
        tpu.wait_indirect_dma semaphore(%dma_wait3A_164 : memref<!tpu.dma_semaphore, #tpu.memory_space<semaphore_mem>>) src(%dma_wait3A_162 : memref<1280000x128xf32, #tpu.memory_space<hbm>>) dst(%dma_wait3A_156 : memref<112x128xf32, #tpu.memory_space<vmem>>)
        %add3A_165 = arith.constant 2 : i32
        %add3A_166 = arith.addi %while3A_136, %add3A_165 : i32
        %lt3A = arith.cmpi slt, %add3A_166, %select_n3A : i32
        %convert_element_type3A_167 = arith.extui %lt3A : i1 to i32
        %cond3A_168 = arith.constant 0 : i32
        %cond3A_169 = arith.cmpi ne, %convert_element_type3A_167, %cond3A_168 : i32
        scf.if %cond3A_169 {
          %add3A_184 = arith.constant 2 : i32
          %add3A_185 = arith.addi %while3A_136, %add3A_184 : i32
          %and3A_186 = arith.constant 3 : i32
          %and3A_187 = arith.andi %add3A_185, %and3A_186 : i32
          %mul3A_188 = arith.constant 112 : i32
          %mul3A_189 = arith.muli %add3A_185, %mul3A_188 : i32
          %add3A_190 = arith.addi %get3A_83, %mul3A_189 : i32
          %add3A_191 = arith.constant 0 : i32
          %add3A_192 = arith.addi %add3A_190, %add3A_191 : i32
          %get3A_193 = arith.index_cast %add3A_192 : i32 to index
          %get3A_194 = tpu.vector_load %arg7[%get3A_193] {strides = array<i32>} : memref<40112xi32, #tpu.memory_space<vmem>>, vector<16xi32>,
          %mul3A_195 = arith.constant 112 : i32
          %mul3A_196 = arith.muli %add3A_185, %mul3A_195 : i32
          %add3A_197 = arith.constant 0 : i32
          %add3A_198 = arith.addi %mul3A_196, %add3A_197 : i32
          %add3A_199 = vector.broadcast %add3A_198 : i32 to vector<16xi32>
          %add3A_200 = arith.addi %add3A_199, %iota3A : vector<16xi32>
          %lt3A_201 = vector.broadcast %sub3A : i32 to vector<16xi32>
          %lt3A_202 = arith.cmpi slt, %add3A_200, %lt3A_201 : vector<16xi32>
          %shift_right_arithmetic3A = arith.constant 14 : i32
          %shift_right_arithmetic3A_203 = vector.broadcast %shift_right_arithmetic3A : i32 to vector<16xi32>
          %shift_right_arithmetic3A_204 = arith.shrsi %get3A_194, %shift_right_arithmetic3A_203 : vector<16xi32>
          %add3A_205 = vector.broadcast %mul3A_2 : i32 to vector<16xi32>
          %add3A_206 = arith.addi %shift_right_arithmetic3A_204, %add3A_205 : vector<16xi32>
          %swap3A_207 = arith.index_cast %and3A_187 : i32 to index
          %swap3A_208 = arith.constant 0 : index
          %swap3A_209 = tpu.vector_load %arg11[%swap3A_207, %swap3A_208] {strides = array<i32>} : memref<4x112xi32, #tpu.memory_space<vmem>>, vector<16xi32>,
          tpu.vector_store %arg11[%swap3A_207, %swap3A_208], %add3A_206 {strides = array<i32>} : memref<4x112xi32, #tpu.memory_space<vmem>>, vector<16xi32>,
          %and3A_210 = arith.constant 16383 : i32
          %and3A_211 = vector.broadcast %and3A_210 : i32 to vector<16xi32>
          %and3A_212 = arith.andi %get3A_194, %and3A_211 : vector<16xi32>
          %add3A_213 = arith.constant 2560 : i32
          %add3A_214 = arith.addi %add3A_213, %arg1 : i32
          %broadcast_in_dim3A_215 = vector.broadcast %add3A_214 : i32 to vector<16xi32>
          %select_n3A_216 = arith.select %lt3A_202, %and3A_212, %broadcast_in_dim3A_215 : vector<16xi1>, vector<16xi32>
          %swap3A_217 = arith.index_cast %and3A_187 : i32 to index
          %swap3A_218 = arith.constant 0 : index
          %swap3A_219 = tpu.vector_load %arg13[%swap3A_217, %swap3A_218] {strides = array<i32>} : memref<4x112xi32, #tpu.memory_space<vmem>>, vector<16xi32>,
          tpu.vector_store %arg13[%swap3A_217, %swap3A_218], %select_n3A_216 {strides = array<i32>} : memref<4x112xi32, #tpu.memory_space<vmem>>, vector<16xi32>,
          %add3A_220 = arith.constant 16 : i32
          %add3A_221 = arith.addi %add3A_190, %add3A_220 : i32
          %get3A_222 = arith.index_cast %add3A_221 : i32 to index
          %get3A_223 = tpu.vector_load %arg7[%get3A_222] {strides = array<i32>} : memref<40112xi32, #tpu.memory_space<vmem>>, vector<16xi32>,
          %mul3A_224 = arith.constant 112 : i32
          %mul3A_225 = arith.muli %add3A_185, %mul3A_224 : i32
          %add3A_226 = arith.constant 16 : i32
          %add3A_227 = arith.addi %mul3A_225, %add3A_226 : i32
          %add3A_228 = vector.broadcast %add3A_227 : i32 to vector<16xi32>
          %add3A_229 = arith.addi %add3A_228, %iota3A : vector<16xi32>
          %lt3A_230 = vector.broadcast %sub3A : i32 to vector<16xi32>
          %lt3A_231 = arith.cmpi slt, %add3A_229, %lt3A_230 : vector<16xi32>
          %shift_right_arithmetic3A_232 = arith.constant 14 : i32
          %shift_right_arithmetic3A_233 = vector.broadcast %shift_right_arithmetic3A_232 : i32 to vector<16xi32>
          %shift_right_arithmetic3A_234 = arith.shrsi %get3A_223, %shift_right_arithmetic3A_233 : vector<16xi32>
          %add3A_235 = vector.broadcast %mul3A_2 : i32 to vector<16xi32>
          %add3A_236 = arith.addi %shift_right_arithmetic3A_234, %add3A_235 : vector<16xi32>
          %swap3A_237 = arith.index_cast %and3A_187 : i32 to index
          %swap3A_238 = arith.constant 16 : index
          %swap3A_239 = tpu.vector_load %arg11[%swap3A_237, %swap3A_238] {strides = array<i32>} : memref<4x112xi32, #tpu.memory_space<vmem>>, vector<16xi32>,
          tpu.vector_store %arg11[%swap3A_237, %swap3A_238], %add3A_236 {strides = array<i32>} : memref<4x112xi32, #tpu.memory_space<vmem>>, vector<16xi32>,
          %and3A_240 = arith.constant 16383 : i32
          %and3A_241 = vector.broadcast %and3A_240 : i32 to vector<16xi32>
          %and3A_242 = arith.andi %get3A_223, %and3A_241 : vector<16xi32>
          %add3A_243 = arith.constant 2560 : i32
          %add3A_244 = arith.addi %add3A_243, %arg1 : i32
          %broadcast_in_dim3A_245 = vector.broadcast %add3A_244 : i32 to vector<16xi32>
          %select_n3A_246 = arith.select %lt3A_231, %and3A_242, %broadcast_in_dim3A_245 : vector<16xi1>, vector<16xi32>
          %swap3A_247 = arith.index_cast %and3A_187 : i32 to index
          %swap3A_248 = arith.constant 16 : index
          %swap3A_249 = tpu.vector_load %arg13[%swap3A_247, %swap3A_248] {strides = array<i32>} : memref<4x112xi32, #tpu.memory_space<vmem>>, vector<16xi32>,
          tpu.vector_store %arg13[%swap3A_247, %swap3A_248], %select_n3A_246 {strides = array<i32>} : memref<4x112xi32, #tpu.memory_space<vmem>>, vector<16xi32>,
          %add3A_250 = arith.constant 32 : i32
          %add3A_251 = arith.addi %add3A_190, %add3A_250 : i32
          %get3A_252 = arith.index_cast %add3A_251 : i32 to index
          %get3A_253 = tpu.vector_load %arg7[%get3A_252] {strides = array<i32>} : memref<40112xi32, #tpu.memory_space<vmem>>, vector<16xi32>,
          %mul3A_254 = arith.constant 112 : i32
          %mul3A_255 = arith.muli %add3A_185, %mul3A_254 : i32
          %add3A_256 = arith.constant 32 : i32
          %add3A_257 = arith.addi %mul3A_255, %add3A_256 : i32
          %add3A_258 = vector.broadcast %add3A_257 : i32 to vector<16xi32>
          %add3A_259 = arith.addi %add3A_258, %iota3A : vector<16xi32>
          %lt3A_260 = vector.broadcast %sub3A : i32 to vector<16xi32>
          %lt3A_261 = arith.cmpi slt, %add3A_259, %lt3A_260 : vector<16xi32>
          %shift_right_arithmetic3A_262 = arith.constant 14 : i32
          %shift_right_arithmetic3A_263 = vector.broadcast %shift_right_arithmetic3A_262 : i32 to vector<16xi32>
          %shift_right_arithmetic3A_264 = arith.shrsi %get3A_253, %shift_right_arithmetic3A_263 : vector<16xi32>
          %add3A_265 = vector.broadcast %mul3A_2 : i32 to vector<16xi32>
          %add3A_266 = arith.addi %shift_right_arithmetic3A_264, %add3A_265 : vector<16xi32>
          %swap3A_267 = arith.index_cast %and3A_187 : i32 to index
          %swap3A_268 = arith.constant 32 : index
          %swap3A_269 = tpu.vector_load %arg11[%swap3A_267, %swap3A_268] {strides = array<i32>} : memref<4x112xi32, #tpu.memory_space<vmem>>, vector<16xi32>,
          tpu.vector_store %arg11[%swap3A_267, %swap3A_268], %add3A_266 {strides = array<i32>} : memref<4x112xi32, #tpu.memory_space<vmem>>, vector<16xi32>,
          %and3A_270 = arith.constant 16383 : i32
          %and3A_271 = vector.broadcast %and3A_270 : i32 to vector<16xi32>
          %and3A_272 = arith.andi %get3A_253, %and3A_271 : vector<16xi32>
          %add3A_273 = arith.constant 2560 : i32
          %add3A_274 = arith.addi %add3A_273, %arg1 : i32
          %broadcast_in_dim3A_275 = vector.broadcast %add3A_274 : i32 to vector<16xi32>
          %select_n3A_276 = arith.select %lt3A_261, %and3A_272, %broadcast_in_dim3A_275 : vector<16xi1>, vector<16xi32>
          %swap3A_277 = arith.index_cast %and3A_187 : i32 to index
          %swap3A_278 = arith.constant 32 : index
          %swap3A_279 = tpu.vector_load %arg13[%swap3A_277, %swap3A_278] {strides = array<i32>} : memref<4x112xi32, #tpu.memory_space<vmem>>, vector<16xi32>,
          tpu.vector_store %arg13[%swap3A_277, %swap3A_278], %select_n3A_276 {strides = array<i32>} : memref<4x112xi32, #tpu.memory_space<vmem>>, vector<16xi32>,
          %add3A_280 = arith.constant 48 : i32
          %add3A_281 = arith.addi %add3A_190, %add3A_280 : i32
          %get3A_282 = arith.index_cast %add3A_281 : i32 to index
          %get3A_283 = tpu.vector_load %arg7[%get3A_282] {strides = array<i32>} : memref<40112xi32, #tpu.memory_space<vmem>>, vector<16xi32>,
          %mul3A_284 = arith.constant 112 : i32
          %mul3A_285 = arith.muli %add3A_185, %mul3A_284 : i32
          %add3A_286 = arith.constant 48 : i32
          %add3A_287 = arith.addi %mul3A_285, %add3A_286 : i32
          %add3A_288 = vector.broadcast %add3A_287 : i32 to vector<16xi32>
          %add3A_289 = arith.addi %add3A_288, %iota3A : vector<16xi32>
          %lt3A_290 = vector.broadcast %sub3A : i32 to vector<16xi32>
          %lt3A_291 = arith.cmpi slt, %add3A_289, %lt3A_290 : vector<16xi32>
          %shift_right_arithmetic3A_292 = arith.constant 14 : i32
          %shift_right_arithmetic3A_293 = vector.broadcast %shift_right_arithmetic3A_292 : i32 to vector<16xi32>
          %shift_right_arithmetic3A_294 = arith.shrsi %get3A_283, %shift_right_arithmetic3A_293 : vector<16xi32>
          %add3A_295 = vector.broadcast %mul3A_2 : i32 to vector<16xi32>
          %add3A_296 = arith.addi %shift_right_arithmetic3A_294, %add3A_295 : vector<16xi32>
          %swap3A_297 = arith.index_cast %and3A_187 : i32 to index
          %swap3A_298 = arith.constant 48 : index
          %swap3A_299 = tpu.vector_load %arg11[%swap3A_297, %swap3A_298] {strides = array<i32>} : memref<4x112xi32, #tpu.memory_space<vmem>>, vector<16xi32>,
          tpu.vector_store %arg11[%swap3A_297, %swap3A_298], %add3A_296 {strides = array<i32>} : memref<4x112xi32, #tpu.memory_space<vmem>>, vector<16xi32>,
          %and3A_300 = arith.constant 16383 : i32
          %and3A_301 = vector.broadcast %and3A_300 : i32 to vector<16xi32>
          %and3A_302 = arith.andi %get3A_283, %and3A_301 : vector<16xi32>
          %add3A_303 = arith.constant 2560 : i32
          %add3A_304 = arith.addi %add3A_303, %arg1 : i32
          %broadcast_in_dim3A_305 = vector.broadcast %add3A_304 : i32 to vector<16xi32>
          %select_n3A_306 = arith.select %lt3A_291, %and3A_302, %broadcast_in_dim3A_305 : vector<16xi1>, vector<16xi32>
          %swap3A_307 = arith.index_cast %and3A_187 : i32 to index
          %swap3A_308 = arith.constant 48 : index
          %swap3A_309 = tpu.vector_load %arg13[%swap3A_307, %swap3A_308] {strides = array<i32>} : memref<4x112xi32, #tpu.memory_space<vmem>>, vector<16xi32>,
          tpu.vector_store %arg13[%swap3A_307, %swap3A_308], %select_n3A_306 {strides = array<i32>} : memref<4x112xi32, #tpu.memory_space<vmem>>, vector<16xi32>,
          %add3A_310 = arith.constant 64 : i32
          %add3A_311 = arith.addi %add3A_190, %add3A_310 : i32
          %get3A_312 = arith.index_cast %add3A_311 : i32 to index
          %get3A_313 = tpu.vector_load %arg7[%get3A_312] {strides = array<i32>} : memref<40112xi32, #tpu.memory_space<vmem>>, vector<16xi32>,
          %mul3A_314 = arith.constant 112 : i32
          %mul3A_315 = arith.muli %add3A_185, %mul3A_314 : i32
          %add3A_316 = arith.constant 64 : i32
          %add3A_317 = arith.addi %mul3A_315, %add3A_316 : i32
          %add3A_318 = vector.broadcast %add3A_317 : i32 to vector<16xi32>
          %add3A_319 = arith.addi %add3A_318, %iota3A : vector<16xi32>
          %lt3A_320 = vector.broadcast %sub3A : i32 to vector<16xi32>
          %lt3A_321 = arith.cmpi slt, %add3A_319, %lt3A_320 : vector<16xi32>
          %shift_right_arithmetic3A_322 = arith.constant 14 : i32
          %shift_right_arithmetic3A_323 = vector.broadcast %shift_right_arithmetic3A_322 : i32 to vector<16xi32>
          %shift_right_arithmetic3A_324 = arith.shrsi %get3A_313, %shift_right_arithmetic3A_323 : vector<16xi32>
          %add3A_325 = vector.broadcast %mul3A_2 : i32 to vector<16xi32>
          %add3A_326 = arith.addi %shift_right_arithmetic3A_324, %add3A_325 : vector<16xi32>
          %swap3A_327 = arith.index_cast %and3A_187 : i32 to index
          %swap3A_328 = arith.constant 64 : index
          %swap3A_329 = tpu.vector_load %arg11[%swap3A_327, %swap3A_328] {strides = array<i32>} : memref<4x112xi32, #tpu.memory_space<vmem>>, vector<16xi32>,
          tpu.vector_store %arg11[%swap3A_327, %swap3A_328], %add3A_326 {strides = array<i32>} : memref<4x112xi32, #tpu.memory_space<vmem>>, vector<16xi32>,
          %and3A_330 = arith.constant 16383 : i32
          %and3A_331 = vector.broadcast %and3A_330 : i32 to vector<16xi32>
          %and3A_332 = arith.andi %get3A_313, %and3A_331 : vector<16xi32>
          %add3A_333 = arith.constant 2560 : i32
          %add3A_334 = arith.addi %add3A_333, %arg1 : i32
          %broadcast_in_dim3A_335 = vector.broadcast %add3A_334 : i32 to vector<16xi32>
          %select_n3A_336 = arith.select %lt3A_321, %and3A_332, %broadcast_in_dim3A_335 : vector<16xi1>, vector<16xi32>
          %swap3A_337 = arith.index_cast %and3A_187 : i32 to index
          %swap3A_338 = arith.constant 64 : index
          %swap3A_339 = tpu.vector_load %arg13[%swap3A_337, %swap3A_338] {strides = array<i32>} : memref<4x112xi32, #tpu.memory_space<vmem>>, vector<16xi32>,
          tpu.vector_store %arg13[%swap3A_337, %swap3A_338], %select_n3A_336 {strides = array<i32>} : memref<4x112xi32, #tpu.memory_space<vmem>>, vector<16xi32>,
          %add3A_340 = arith.constant 80 : i32
          %add3A_341 = arith.addi %add3A_190, %add3A_340 : i32
          %get3A_342 = arith.index_cast %add3A_341 : i32 to index
          %get3A_343 = tpu.vector_load %arg7[%get3A_342] {strides = array<i32>} : memref<40112xi32, #tpu.memory_space<vmem>>, vector<16xi32>,
          %mul3A_344 = arith.constant 112 : i32
          %mul3A_345 = arith.muli %add3A_185, %mul3A_344 : i32
          %add3A_346 = arith.constant 80 : i32
          %add3A_347 = arith.addi %mul3A_345, %add3A_346 : i32
          %add3A_348 = vector.broadcast %add3A_347 : i32 to vector<16xi32>
          %add3A_349 = arith.addi %add3A_348, %iota3A : vector<16xi32>
          %lt3A_350 = vector.broadcast %sub3A : i32 to vector<16xi32>
          %lt3A_351 = arith.cmpi slt, %add3A_349, %lt3A_350 : vector<16xi32>
          %shift_right_arithmetic3A_352 = arith.constant 14 : i32
          %shift_right_arithmetic3A_353 = vector.broadcast %shift_right_arithmetic3A_352 : i32 to vector<16xi32>
          %shift_right_arithmetic3A_354 = arith.shrsi %get3A_343, %shift_right_arithmetic3A_353 : vector<16xi32>
          %add3A_355 = vector.broadcast %mul3A_2 : i32 to vector<16xi32>
          %add3A_356 = arith.addi %shift_right_arithmetic3A_354, %add3A_355 : vector<16xi32>
          %swap3A_357 = arith.index_cast %and3A_187 : i32 to index
          %swap3A_358 = arith.constant 80 : index
          %swap3A_359 = tpu.vector_load %arg11[%swap3A_357, %swap3A_358] {strides = array<i32>} : memref<4x112xi32, #tpu.memory_space<vmem>>, vector<16xi32>,
          tpu.vector_store %arg11[%swap3A_357, %swap3A_358], %add3A_356 {strides = array<i32>} : memref<4x112xi32, #tpu.memory_space<vmem>>, vector<16xi32>,
          %and3A_360 = arith.constant 16383 : i32
          %and3A_361 = vector.broadcast %and3A_360 : i32 to vector<16xi32>
          %and3A_362 = arith.andi %get3A_343, %and3A_361 : vector<16xi32>
          %add3A_363 = arith.constant 2560 : i32
          %add3A_364 = arith.addi %add3A_363, %arg1 : i32
          %broadcast_in_dim3A_365 = vector.broadcast %add3A_364 : i32 to vector<16xi32>
          %select_n3A_366 = arith.select %lt3A_351, %and3A_362, %broadcast_in_dim3A_365 : vector<16xi1>, vector<16xi32>
          %swap3A_367 = arith.index_cast %and3A_187 : i32 to index
          %swap3A_368 = arith.constant 80 : index
          %swap3A_369 = tpu.vector_load %arg13[%swap3A_367, %swap3A_368] {strides = array<i32>} : memref<4x112xi32, #tpu.memory_space<vmem>>, vector<16xi32>,
          tpu.vector_store %arg13[%swap3A_367, %swap3A_368], %select_n3A_366 {strides = array<i32>} : memref<4x112xi32, #tpu.memory_space<vmem>>, vector<16xi32>,
          %add3A_370 = arith.constant 96 : i32
          %add3A_371 = arith.addi %add3A_190, %add3A_370 : i32
          %get3A_372 = arith.index_cast %add3A_371 : i32 to index
          %get3A_373 = tpu.vector_load %arg7[%get3A_372] {strides = array<i32>} : memref<40112xi32, #tpu.memory_space<vmem>>, vector<16xi32>,
          %mul3A_374 = arith.constant 112 : i32
          %mul3A_375 = arith.muli %add3A_185, %mul3A_374 : i32
          %add3A_376 = arith.constant 96 : i32
          %add3A_377 = arith.addi %mul3A_375, %add3A_376 : i32
          %add3A_378 = vector.broadcast %add3A_377 : i32 to vector<16xi32>
          %add3A_379 = arith.addi %add3A_378, %iota3A : vector<16xi32>
          %lt3A_380 = vector.broadcast %sub3A : i32 to vector<16xi32>
          %lt3A_381 = arith.cmpi slt, %add3A_379, %lt3A_380 : vector<16xi32>
          %shift_right_arithmetic3A_382 = arith.constant 14 : i32
          %shift_right_arithmetic3A_383 = vector.broadcast %shift_right_arithmetic3A_382 : i32 to vector<16xi32>
          %shift_right_arithmetic3A_384 = arith.shrsi %get3A_373, %shift_right_arithmetic3A_383 : vector<16xi32>
          %add3A_385 = vector.broadcast %mul3A_2 : i32 to vector<16xi32>
          %add3A_386 = arith.addi %shift_right_arithmetic3A_384, %add3A_385 : vector<16xi32>
          %swap3A_387 = arith.index_cast %and3A_187 : i32 to index
          %swap3A_388 = arith.constant 96 : index
          %swap3A_389 = tpu.vector_load %arg11[%swap3A_387, %swap3A_388] {strides = array<i32>} : memref<4x112xi32, #tpu.memory_space<vmem>>, vector<16xi32>,
          tpu.vector_store %arg11[%swap3A_387, %swap3A_388], %add3A_386 {strides = array<i32>} : memref<4x112xi32, #tpu.memory_space<vmem>>, vector<16xi32>,
          %and3A_390 = arith.constant 16383 : i32
          %and3A_391 = vector.broadcast %and3A_390 : i32 to vector<16xi32>
          %and3A_392 = arith.andi %get3A_373, %and3A_391 : vector<16xi32>
          %add3A_393 = arith.constant 2560 : i32
          %add3A_394 = arith.addi %add3A_393, %arg1 : i32
          %broadcast_in_dim3A_395 = vector.broadcast %add3A_394 : i32 to vector<16xi32>
          %select_n3A_396 = arith.select %lt3A_381, %and3A_392, %broadcast_in_dim3A_395 : vector<16xi1>, vector<16xi32>
          %swap3A_397 = arith.index_cast %and3A_187 : i32 to index
          %swap3A_398 = arith.constant 96 : index
          %swap3A_399 = tpu.vector_load %arg13[%swap3A_397, %swap3A_398] {strides = array<i32>} : memref<4x112xi32, #tpu.memory_space<vmem>>, vector<16xi32>,
          tpu.vector_store %arg13[%swap3A_397, %swap3A_398], %select_n3A_396 {strides = array<i32>} : memref<4x112xi32, #tpu.memory_space<vmem>>, vector<16xi32>,
          %dma_start3A = arith.constant 0 : i32
          %dma_start3A_400 = tpu.memref_slice %arg12[%and3A_187, %dma_start3A] : memref<4x112xi32, #tpu.memory_space<vmem>> -> memref<1x112xi32, #tpu.memory_space<vmem>>
          %dma_start3A_401 = tpu.memref_squeeze %dma_start3A_400 : memref<1x112xi32, #tpu.memory_space<vmem>> -> memref<112xi32, #tpu.memory_space<vmem>>
          %dma_start3A_402 = arith.constant 0 : i32
          %dma_start3A_403 = tpu.memref_slice %arg11[%and3A_187, %dma_start3A_402] : memref<4x112xi32, #tpu.memory_space<vmem>> -> memref<1x112xi32, #tpu.memory_space<vmem>>
          %dma_start3A_404 = tpu.memref_squeeze %dma_start3A_403 : memref<1x112xi32, #tpu.memory_space<vmem>> -> memref<112xi32, #tpu.memory_space<vmem>>
          %dma_start3A_405 = arith.constant 0 : i32
          %dma_start3A_406 = tpu.memref_slice %arg4[%dma_start3A_405] : memref<1280000xi32, #tpu.memory_space<hbm>> -> memref<1280000xi32, #tpu.memory_space<hbm>>
          %dma_start3A_407 = tpu.memref_slice %arg20[%and3A_187] : memref<4x!tpu.dma_semaphore, #tpu.memory_space<semaphore_mem>> -> memref<1x!tpu.dma_semaphore, #tpu.memory_space<semaphore_mem>>
          %dma_start3A_408 = tpu.memref_squeeze %dma_start3A_407 : memref<1x!tpu.dma_semaphore, #tpu.memory_space<semaphore_mem>> -> memref<!tpu.dma_semaphore, #tpu.memory_space<semaphore_mem>>
          tpu.enqueue_indirect_dma source(%dma_start3A_406 : memref<1280000xi32, #tpu.memory_space<hbm>>) target(%dma_start3A_401 : memref<112xi32, #tpu.memory_space<vmem>>) offsets(%dma_start3A_404 : memref<112xi32, #tpu.memory_space<vmem>>) semaphore(%dma_start3A_408 : memref<!tpu.dma_semaphore, #tpu.memory_space<semaphore_mem>>)
        } else {
        }
        %scan3A_170 = arith.constant 0 : i32
        %scan3A_171 = arith.constant 0 : i32
        %scan3A_172 = arith.constant 112 : i32
        %scan3A_173 = arith.addi %scan3A_171, %scan3A_172 : i32
        %scan3A_174 = arith.constant 1 : i32
        %scan3A_175 = scf.for %scan3A_184 = %scan3A_171 to %scan3A_173 step %scan3A_174 iter_args(%scan3A_185 = %scan3A_170) -> (i32)  : i32 {
          %get3A_186 = arith.index_cast %and3A_141 : i32 to index
          %get3A_187 = arith.index_cast %scan3A_184 : i32 to index
          %get3A_188 = arith.constant 0 : index
          %get3A_189 = tpu.vector_load %arg14[%get3A_186, %get3A_187, %get3A_188] {strides = array<i32>} : memref<2x112x128xf32, #tpu.memory_space<vmem>>, vector<16xf32>,
          %get3A_190 = arith.index_cast %and3A_141 : i32 to index
          %get3A_191 = arith.index_cast %scan3A_184 : i32 to index
          %get3A_192 = arith.constant 0 : index
          %get3A_193 = tpu.vector_load %arg15[%get3A_190, %get3A_191, %get3A_192] {strides = array<i32>} : memref<2x112x128xf32, #tpu.memory_space<vmem>>, vector<16xf32>,
          %mul3A_194 = arith.mulf %get3A_189, %get3A_193 : vector<16xf32>
          %swap3A_195 = arith.index_cast %and3A_141 : i32 to index
          %swap3A_196 = arith.index_cast %scan3A_184 : i32 to index
          %swap3A_197 = arith.constant 0 : index
          %swap3A_198 = tpu.vector_load %arg14[%swap3A_195, %swap3A_196, %swap3A_197] {strides = array<i32>} : memref<2x112x128xf32, #tpu.memory_space<vmem>>, vector<16xf32>,
          tpu.vector_store %arg14[%swap3A_195, %swap3A_196, %swap3A_197], %mul3A_194 {strides = array<i32>} : memref<2x112x128xf32, #tpu.memory_space<vmem>>, vector<16xf32>,
          %get3A_199 = arith.index_cast %and3A_141 : i32 to index
          %get3A_200 = arith.index_cast %scan3A_184 : i32 to index
          %get3A_201 = arith.constant 16 : index
          %get3A_202 = tpu.vector_load %arg14[%get3A_199, %get3A_200, %get3A_201] {strides = array<i32>} : memref<2x112x128xf32, #tpu.memory_space<vmem>>, vector<16xf32>,
          %get3A_203 = arith.index_cast %and3A_141 : i32 to index
          %get3A_204 = arith.index_cast %scan3A_184 : i32 to index
          %get3A_205 = arith.constant 16 : index
          %get3A_206 = tpu.vector_load %arg15[%get3A_203, %get3A_204, %get3A_205] {strides = array<i32>} : memref<2x112x128xf32, #tpu.memory_space<vmem>>, vector<16xf32>,
          %mul3A_207 = arith.mulf %get3A_202, %get3A_206 : vector<16xf32>
          %swap3A_208 = arith.index_cast %and3A_141 : i32 to index
          %swap3A_209 = arith.index_cast %scan3A_184 : i32 to index
          %swap3A_210 = arith.constant 16 : index
          %swap3A_211 = tpu.vector_load %arg14[%swap3A_208, %swap3A_209, %swap3A_210] {strides = array<i32>} : memref<2x112x128xf32, #tpu.memory_space<vmem>>, vector<16xf32>,
          tpu.vector_store %arg14[%swap3A_208, %swap3A_209, %swap3A_210], %mul3A_207 {strides = array<i32>} : memref<2x112x128xf32, #tpu.memory_space<vmem>>, vector<16xf32>,
          %get3A_212 = arith.index_cast %and3A_141 : i32 to index
          %get3A_213 = arith.index_cast %scan3A_184 : i32 to index
          %get3A_214 = arith.constant 32 : index
          %get3A_215 = tpu.vector_load %arg14[%get3A_212, %get3A_213, %get3A_214] {strides = array<i32>} : memref<2x112x128xf32, #tpu.memory_space<vmem>>, vector<16xf32>,
          %get3A_216 = arith.index_cast %and3A_141 : i32 to index
          %get3A_217 = arith.index_cast %scan3A_184 : i32 to index
          %get3A_218 = arith.constant 32 : index
          %get3A_219 = tpu.vector_load %arg15[%get3A_216, %get3A_217, %get3A_218] {strides = array<i32>} : memref<2x112x128xf32, #tpu.memory_space<vmem>>, vector<16xf32>,
          %mul3A_220 = arith.mulf %get3A_215, %get3A_219 : vector<16xf32>
          %swap3A_221 = arith.index_cast %and3A_141 : i32 to index
          %swap3A_222 = arith.index_cast %scan3A_184 : i32 to index
          %swap3A_223 = arith.constant 32 : index
          %swap3A_224 = tpu.vector_load %arg14[%swap3A_221, %swap3A_222, %swap3A_223] {strides = array<i32>} : memref<2x112x128xf32, #tpu.memory_space<vmem>>, vector<16xf32>,
          tpu.vector_store %arg14[%swap3A_221, %swap3A_222, %swap3A_223], %mul3A_220 {strides = array<i32>} : memref<2x112x128xf32, #tpu.memory_space<vmem>>, vector<16xf32>,
          %get3A_225 = arith.index_cast %and3A_141 : i32 to index
          %get3A_226 = arith.index_cast %scan3A_184 : i32 to index
          %get3A_227 = arith.constant 48 : index
          %get3A_228 = tpu.vector_load %arg14[%get3A_225, %get3A_226, %get3A_227] {strides = array<i32>} : memref<2x112x128xf32, #tpu.memory_space<vmem>>, vector<16xf32>,
          %get3A_229 = arith.index_cast %and3A_141 : i32 to index
          %get3A_230 = arith.index_cast %scan3A_184 : i32 to index
          %get3A_231 = arith.constant 48 : index
          %get3A_232 = tpu.vector_load %arg15[%get3A_229, %get3A_230, %get3A_231] {strides = array<i32>} : memref<2x112x128xf32, #tpu.memory_space<vmem>>, vector<16xf32>,
          %mul3A_233 = arith.mulf %get3A_228, %get3A_232 : vector<16xf32>
          %swap3A_234 = arith.index_cast %and3A_141 : i32 to index
          %swap3A_235 = arith.index_cast %scan3A_184 : i32 to index
          %swap3A_236 = arith.constant 48 : index
          %swap3A_237 = tpu.vector_load %arg14[%swap3A_234, %swap3A_235, %swap3A_236] {strides = array<i32>} : memref<2x112x128xf32, #tpu.memory_space<vmem>>, vector<16xf32>,
          tpu.vector_store %arg14[%swap3A_234, %swap3A_235, %swap3A_236], %mul3A_233 {strides = array<i32>} : memref<2x112x128xf32, #tpu.memory_space<vmem>>, vector<16xf32>,
          %scan3A_238 = arith.constant 0 : i32
          scf.yield %scan3A_238 : i32
        }
        %scan3A_176 = arith.constant 112 : i32
        %add3A_177 = arith.constant 1 : i32
        %add3A_178 = arith.addi %while3A_136, %add3A_177 : i32
        %lt3A_179 = arith.cmpi slt, %add3A_178, %select_n3A : i32
        %convert_element_type3A_180 = arith.extui %lt3A_179 : i1 to i32
        %cond3A_181 = arith.constant 0 : i32
        %cond3A_182 = arith.cmpi ne, %convert_element_type3A_180, %cond3A_181 : i32
        scf.if %cond3A_182 {
          %add3A_184 = arith.constant 1 : i32
          %add3A_185 = arith.addi %while3A_136, %add3A_184 : i32
          %and3A_186 = arith.constant 3 : i32
          %and3A_187 = arith.andi %add3A_185, %and3A_186 : i32
          %and3A_188 = arith.constant 1 : i32
          %and3A_189 = arith.andi %add3A_185, %and3A_188 : i32
          %dma_wait3A_190 = arith.constant 0 : i32
          %dma_wait3A_191 = tpu.memref_slice %arg12[%and3A_187, %dma_wait3A_190] : memref<4x112xi32, #tpu.memory_space<vmem>> -> memref<1x112xi32, #tpu.memory_space<vmem>>
          %dma_wait3A_192 = tpu.memref_squeeze %dma_wait3A_191 : memref<1x112xi32, #tpu.memory_space<vmem>> -> memref<112xi32, #tpu.memory_space<vmem>>
          %dma_wait3A_193 = arith.constant 0 : i32
          %dma_wait3A_194 = tpu.memref_slice %arg11[%and3A_187, %dma_wait3A_193] : memref<4x112xi32, #tpu.memory_space<vmem>> -> memref<1x112xi32, #tpu.memory_space<vmem>>
          %dma_wait3A_195 = tpu.memref_squeeze %dma_wait3A_194 : memref<1x112xi32, #tpu.memory_space<vmem>> -> memref<112xi32, #tpu.memory_space<vmem>>
          %dma_wait3A_196 = arith.constant 0 : i32
          %dma_wait3A_197 = tpu.memref_slice %arg4[%dma_wait3A_196] : memref<1280000xi32, #tpu.memory_space<hbm>> -> memref<1280000xi32, #tpu.memory_space<hbm>>
          %dma_wait3A_198 = tpu.memref_slice %arg20[%and3A_187] : memref<4x!tpu.dma_semaphore, #tpu.memory_space<semaphore_mem>> -> memref<1x!tpu.dma_semaphore, #tpu.memory_space<semaphore_mem>>
          %dma_wait3A_199 = tpu.memref_squeeze %dma_wait3A_198 : memref<1x!tpu.dma_semaphore, #tpu.memory_space<semaphore_mem>> -> memref<!tpu.dma_semaphore, #tpu.memory_space<semaphore_mem>>
          tpu.wait_indirect_dma semaphore(%dma_wait3A_199 : memref<!tpu.dma_semaphore, #tpu.memory_space<semaphore_mem>>) src(%dma_wait3A_197 : memref<1280000xi32, #tpu.memory_space<hbm>>) dst(%dma_wait3A_192 : memref<112xi32, #tpu.memory_space<vmem>>)
          %dma_start3A = arith.constant 0 : i32
          %dma_start3A_200 = arith.constant 0 : i32
          %dma_start3A_201 = tpu.memref_slice %arg14[%and3A_189, %dma_start3A, %dma_start3A_200] : memref<2x112x128xf32, #tpu.memory_space<vmem>> -> memref<1x112x128xf32, #tpu.memory_space<vmem>>
          %dma_start3A_202 = tpu.memref_squeeze %dma_start3A_201 : memref<1x112x128xf32, #tpu.memory_space<vmem>> -> memref<112x128xf32, #tpu.memory_space<vmem>>
          %dma_start3A_203 = arith.constant 0 : i32
          %dma_start3A_204 = tpu.memref_slice %arg12[%and3A_187, %dma_start3A_203] : memref<4x112xi32, #tpu.memory_space<vmem>> -> memref<1x112xi32, #tpu.memory_space<vmem>>
          %dma_start3A_205 = tpu.memref_squeeze %dma_start3A_204 : memref<1x112xi32, #tpu.memory_space<vmem>> -> memref<112xi32, #tpu.memory_space<vmem>>
          %dma_start3A_206 = arith.constant 0 : i32
          %dma_start3A_207 = arith.constant 0 : i32
          %dma_start3A_208 = tpu.memref_slice %arg2[%dma_start3A_206, %dma_start3A_207] : memref<320000x128xf32, #tpu.memory_space<hbm>> -> memref<320000x128xf32, #tpu.memory_space<hbm>>
          %dma_start3A_209 = tpu.memref_slice %arg21[%and3A_189] : memref<2x!tpu.dma_semaphore, #tpu.memory_space<semaphore_mem>> -> memref<1x!tpu.dma_semaphore, #tpu.memory_space<semaphore_mem>>
          %dma_start3A_210 = tpu.memref_squeeze %dma_start3A_209 : memref<1x!tpu.dma_semaphore, #tpu.memory_space<semaphore_mem>> -> memref<!tpu.dma_semaphore, #tpu.memory_space<semaphore_mem>>
          tpu.enqueue_indirect_dma source(%dma_start3A_208 : memref<320000x128xf32, #tpu.memory_space<hbm>>) target(%dma_start3A_202 : memref<112x128xf32, #tpu.memory_space<vmem>>) offsets(%dma_start3A_205 : memref<112xi32, #tpu.memory_space<vmem>>) semaphore(%dma_start3A_210 : memref<!tpu.dma_semaphore, #tpu.memory_space<semaphore_mem>>)
          %dma_start3A_211 = arith.constant 0 : i32
          %dma_start3A_212 = arith.constant 0 : i32
          %dma_start3A_213 = tpu.memref_slice %arg15[%and3A_189, %dma_start3A_211, %dma_start3A_212] : memref<2x112x128xf32, #tpu.memory_space<vmem>> -> memref<1x112x128xf32, #tpu.memory_space<vmem>>
          %dma_start3A_214 = tpu.memref_squeeze %dma_start3A_213 : memref<1x112x128xf32, #tpu.memory_space<vmem>> -> memref<112x128xf32, #tpu.memory_space<vmem>>
          %dma_start3A_215 = arith.constant 0 : i32
          %dma_start3A_216 = tpu.memref_slice %arg11[%and3A_187, %dma_start3A_215] : memref<4x112xi32, #tpu.memory_space<vmem>> -> memref<1x112xi32, #tpu.memory_space<vmem>>
          %dma_start3A_217 = tpu.memref_squeeze %dma_start3A_216 : memref<1x112xi32, #tpu.memory_space<vmem>> -> memref<112xi32, #tpu.memory_space<vmem>>
          %dma_start3A_218 = arith.constant 0 : i32
          %dma_start3A_219 = arith.constant 0 : i32
          %dma_start3A_220 = tpu.memref_slice %arg3[%dma_start3A_218, %dma_start3A_219] : memref<1280000x128xf32, #tpu.memory_space<hbm>> -> memref<1280000x128xf32, #tpu.memory_space<hbm>>
          %dma_start3A_221 = tpu.memref_slice %arg22[%and3A_189] : memref<2x!tpu.dma_semaphore, #tpu.memory_space<semaphore_mem>> -> memref<1x!tpu.dma_semaphore, #tpu.memory_space<semaphore_mem>>
          %dma_start3A_222 = tpu.memref_squeeze %dma_start3A_221 : memref<1x!tpu.dma_semaphore, #tpu.memory_space<semaphore_mem>> -> memref<!tpu.dma_semaphore, #tpu.memory_space<semaphore_mem>>
          tpu.enqueue_indirect_dma source(%dma_start3A_220 : memref<1280000x128xf32, #tpu.memory_space<hbm>>) target(%dma_start3A_214 : memref<112x128xf32, #tpu.memory_space<vmem>>) offsets(%dma_start3A_217 : memref<112xi32, #tpu.memory_space<vmem>>) semaphore(%dma_start3A_222 : memref<!tpu.dma_semaphore, #tpu.memory_space<semaphore_mem>>)
        } else {
        }
        "tpu.region"() ({
          %run_scoped3A = tpu.sem_alloc : memref<!tpu.dma_semaphore, #tpu.memory_space<semaphore_mem>>
          %dma_start3A = arith.constant 0 : i32
          %dma_start3A_184 = arith.constant 0 : i32
          %dma_start3A_185 = tpu.memref_slice %arg14[%and3A_141, %dma_start3A, %dma_start3A_184] : memref<2x112x128xf32, #tpu.memory_space<vmem>> -> memref<1x112x128xf32, #tpu.memory_space<vmem>>
          %dma_start3A_186 = tpu.memref_squeeze %dma_start3A_185 : memref<1x112x128xf32, #tpu.memory_space<vmem>> -> memref<112x128xf32, #tpu.memory_space<vmem>>
          %dma_start3A_187 = arith.constant 0 : i32
          %dma_start3A_188 = tpu.memref_slice %arg13[%and3A_139, %dma_start3A_187] : memref<4x112xi32, #tpu.memory_space<vmem>> -> memref<1x112xi32, #tpu.memory_space<vmem>>
          %dma_start3A_189 = tpu.memref_squeeze %dma_start3A_188 : memref<1x112xi32, #tpu.memory_space<vmem>> -> memref<112xi32, #tpu.memory_space<vmem>>
          %dma_start3A_190 = arith.constant 0 : i32
          %dma_start3A_191 = arith.constant 0 : i32
          %dma_start3A_192 = tpu.memref_slice %arg18[%dma_start3A_190, %dma_start3A_191] : memref<2576x128xf32, #tpu.memory_space<vmem_shared>> -> memref<2576x128xf32, #tpu.memory_space<vmem_shared>>
          tpu.enqueue_indirect_dma source(%dma_start3A_186 : memref<112x128xf32, #tpu.memory_space<vmem>>) target(%dma_start3A_192 : memref<2576x128xf32, #tpu.memory_space<vmem_shared>>) offsets(%dma_start3A_189 : memref<112xi32, #tpu.memory_space<vmem>>) semaphore(%run_scoped3A : memref<!tpu.dma_semaphore, #tpu.memory_space<semaphore_mem>>) {add = true}
          %dma_wait3A_193 = arith.constant 0 : i32
          %dma_wait3A_194 = arith.constant 0 : i32
          %dma_wait3A_195 = tpu.memref_slice %arg14[%and3A_141, %dma_wait3A_193, %dma_wait3A_194] : memref<2x112x128xf32, #tpu.memory_space<vmem>> -> memref<1x112x128xf32, #tpu.memory_space<vmem>>
          %dma_wait3A_196 = tpu.memref_squeeze %dma_wait3A_195 : memref<1x112x128xf32, #tpu.memory_space<vmem>> -> memref<112x128xf32, #tpu.memory_space<vmem>>
          %dma_wait3A_197 = arith.constant 0 : i32
          %dma_wait3A_198 = tpu.memref_slice %arg13[%and3A_139, %dma_wait3A_197] : memref<4x112xi32, #tpu.memory_space<vmem>> -> memref<1x112xi32, #tpu.memory_space<vmem>>
          %dma_wait3A_199 = tpu.memref_squeeze %dma_wait3A_198 : memref<1x112xi32, #tpu.memory_space<vmem>> -> memref<112xi32, #tpu.memory_space<vmem>>
          %dma_wait3A_200 = arith.constant 0 : i32
          %dma_wait3A_201 = arith.constant 0 : i32
          %dma_wait3A_202 = tpu.memref_slice %arg18[%dma_wait3A_200, %dma_wait3A_201] : memref<2576x128xf32, #tpu.memory_space<vmem_shared>> -> memref<2576x128xf32, #tpu.memory_space<vmem_shared>>
          tpu.wait_indirect_dma semaphore(%run_scoped3A : memref<!tpu.dma_semaphore, #tpu.memory_space<semaphore_mem>>) src(%dma_wait3A_196 : memref<112x128xf32, #tpu.memory_space<vmem>>) dst(%dma_wait3A_202 : memref<2576x128xf32, #tpu.memory_space<vmem_shared>>)
          tpu.yield
        }) : () -> ()
        %while3A_183 = arith.constant 0 : i32
        scf.yield %while3A_183 : i32
      }
      %while3A_125 = arith.constant 1 : i32
      %while3A_126 = scf.for %while3A_136 = %while3A_122 to %while3A_118 step %while3A_125 iter_args(%while3A_137 = %while3A_124) -> (i32)  : i32 {
        %and3A_138 = arith.constant 3 : i32
        %and3A_139 = arith.andi %while3A_136, %and3A_138 : i32
        %and3A_140 = arith.constant 1 : i32
        %and3A_141 = arith.andi %while3A_136, %and3A_140 : i32
        %dma_wait3A = arith.constant 0 : i32
        %dma_wait3A_142 = arith.constant 0 : i32
        %dma_wait3A_143 = tpu.memref_slice %arg14[%and3A_141, %dma_wait3A, %dma_wait3A_142] : memref<2x112x128xf32, #tpu.memory_space<vmem>> -> memref<1x112x128xf32, #tpu.memory_space<vmem>>
        %dma_wait3A_144 = tpu.memref_squeeze %dma_wait3A_143 : memref<1x112x128xf32, #tpu.memory_space<vmem>> -> memref<112x128xf32, #tpu.memory_space<vmem>>
        %dma_wait3A_145 = arith.constant 0 : i32
        %dma_wait3A_146 = tpu.memref_slice %arg12[%and3A_139, %dma_wait3A_145] : memref<4x112xi32, #tpu.memory_space<vmem>> -> memref<1x112xi32, #tpu.memory_space<vmem>>
        %dma_wait3A_147 = tpu.memref_squeeze %dma_wait3A_146 : memref<1x112xi32, #tpu.memory_space<vmem>> -> memref<112xi32, #tpu.memory_space<vmem>>
        %dma_wait3A_148 = arith.constant 0 : i32
        %dma_wait3A_149 = arith.constant 0 : i32
        %dma_wait3A_150 = tpu.memref_slice %arg2[%dma_wait3A_148, %dma_wait3A_149] : memref<320000x128xf32, #tpu.memory_space<hbm>> -> memref<320000x128xf32, #tpu.memory_space<hbm>>
        %dma_wait3A_151 = tpu.memref_slice %arg21[%and3A_141] : memref<2x!tpu.dma_semaphore, #tpu.memory_space<semaphore_mem>> -> memref<1x!tpu.dma_semaphore, #tpu.memory_space<semaphore_mem>>
        %dma_wait3A_152 = tpu.memref_squeeze %dma_wait3A_151 : memref<1x!tpu.dma_semaphore, #tpu.memory_space<semaphore_mem>> -> memref<!tpu.dma_semaphore, #tpu.memory_space<semaphore_mem>>
        tpu.wait_indirect_dma semaphore(%dma_wait3A_152 : memref<!tpu.dma_semaphore, #tpu.memory_space<semaphore_mem>>) src(%dma_wait3A_150 : memref<320000x128xf32, #tpu.memory_space<hbm>>) dst(%dma_wait3A_144 : memref<112x128xf32, #tpu.memory_space<vmem>>)
        %dma_wait3A_153 = arith.constant 0 : i32
        %dma_wait3A_154 = arith.constant 0 : i32
        %dma_wait3A_155 = tpu.memref_slice %arg15[%and3A_141, %dma_wait3A_153, %dma_wait3A_154] : memref<2x112x128xf32, #tpu.memory_space<vmem>> -> memref<1x112x128xf32, #tpu.memory_space<vmem>>
        %dma_wait3A_156 = tpu.memref_squeeze %dma_wait3A_155 : memref<1x112x128xf32, #tpu.memory_space<vmem>> -> memref<112x128xf32, #tpu.memory_space<vmem>>
        %dma_wait3A_157 = arith.constant 0 : i32
        %dma_wait3A_158 = tpu.memref_slice %arg11[%and3A_139, %dma_wait3A_157] : memref<4x112xi32, #tpu.memory_space<vmem>> -> memref<1x112xi32, #tpu.memory_space<vmem>>
        %dma_wait3A_159 = tpu.memref_squeeze %dma_wait3A_158 : memref<1x112xi32, #tpu.memory_space<vmem>> -> memref<112xi32, #tpu.memory_space<vmem>>
        %dma_wait3A_160 = arith.constant 0 : i32
        %dma_wait3A_161 = arith.constant 0 : i32
        %dma_wait3A_162 = tpu.memref_slice %arg3[%dma_wait3A_160, %dma_wait3A_161] : memref<1280000x128xf32, #tpu.memory_space<hbm>> -> memref<1280000x128xf32, #tpu.memory_space<hbm>>
        %dma_wait3A_163 = tpu.memref_slice %arg22[%and3A_141] : memref<2x!tpu.dma_semaphore, #tpu.memory_space<semaphore_mem>> -> memref<1x!tpu.dma_semaphore, #tpu.memory_space<semaphore_mem>>
        %dma_wait3A_164 = tpu.memref_squeeze %dma_wait3A_163 : memref<1x!tpu.dma_semaphore, #tpu.memory_space<semaphore_mem>> -> memref<!tpu.dma_semaphore, #tpu.memory_space<semaphore_mem>>
        tpu.wait_indirect_dma semaphore(%dma_wait3A_164 : memref<!tpu.dma_semaphore, #tpu.memory_space<semaphore_mem>>) src(%dma_wait3A_162 : memref<1280000x128xf32, #tpu.memory_space<hbm>>) dst(%dma_wait3A_156 : memref<112x128xf32, #tpu.memory_space<vmem>>)
        %add3A_165 = arith.constant 2 : i32
        %add3A_166 = arith.addi %while3A_136, %add3A_165 : i32
        %lt3A = arith.cmpi slt, %add3A_166, %select_n3A : i32
        %convert_element_type3A_167 = arith.extui %lt3A : i1 to i32
        %cond3A_168 = arith.constant 0 : i32
        %cond3A_169 = arith.cmpi ne, %convert_element_type3A_167, %cond3A_168 : i32
        scf.if %cond3A_169 {
          %add3A_184 = arith.constant 2 : i32
          %add3A_185 = arith.addi %while3A_136, %add3A_184 : i32
          %and3A_186 = arith.constant 3 : i32
          %and3A_187 = arith.andi %add3A_185, %and3A_186 : i32
          %mul3A_188 = arith.constant 112 : i32
          %mul3A_189 = arith.muli %add3A_185, %mul3A_188 : i32
          %add3A_190 = arith.addi %get3A_83, %mul3A_189 : i32
          %add3A_191 = arith.constant 0 : i32
          %add3A_192 = arith.addi %add3A_190, %add3A_191 : i32
          %get3A_193 = arith.index_cast %add3A_192 : i32 to index
          %get3A_194 = tpu.vector_load %arg7[%get3A_193] {strides = array<i32>} : memref<40112xi32, #tpu.memory_space<vmem>>, vector<16xi32>,
          %mul3A_195 = arith.constant 112 : i32
          %mul3A_196 = arith.muli %add3A_185, %mul3A_195 : i32
          %add3A_197 = arith.constant 0 : i32
          %add3A_198 = arith.addi %mul3A_196, %add3A_197 : i32
          %add3A_199 = vector.broadcast %add3A_198 : i32 to vector<16xi32>
          %add3A_200 = arith.addi %add3A_199, %iota3A : vector<16xi32>
          %lt3A_201 = vector.broadcast %sub3A : i32 to vector<16xi32>
          %lt3A_202 = arith.cmpi slt, %add3A_200, %lt3A_201 : vector<16xi32>
          %shift_right_arithmetic3A = arith.constant 14 : i32
          %shift_right_arithmetic3A_203 = vector.broadcast %shift_right_arithmetic3A : i32 to vector<16xi32>
          %shift_right_arithmetic3A_204 = arith.shrsi %get3A_194, %shift_right_arithmetic3A_203 : vector<16xi32>
          %add3A_205 = vector.broadcast %mul3A_2 : i32 to vector<16xi32>
          %add3A_206 = arith.addi %shift_right_arithmetic3A_204, %add3A_205 : vector<16xi32>
          %swap3A_207 = arith.index_cast %and3A_187 : i32 to index
          %swap3A_208 = arith.constant 0 : index
          %swap3A_209 = tpu.vector_load %arg11[%swap3A_207, %swap3A_208] {strides = array<i32>} : memref<4x112xi32, #tpu.memory_space<vmem>>, vector<16xi32>,
          tpu.vector_store %arg11[%swap3A_207, %swap3A_208], %add3A_206 {strides = array<i32>} : memref<4x112xi32, #tpu.memory_space<vmem>>, vector<16xi32>,
          %and3A_210 = arith.constant 16383 : i32
          %and3A_211 = vector.broadcast %and3A_210 : i32 to vector<16xi32>
          %and3A_212 = arith.andi %get3A_194, %and3A_211 : vector<16xi32>
          %add3A_213 = arith.constant 2560 : i32
          %add3A_214 = arith.addi %add3A_213, %arg1 : i32
          %broadcast_in_dim3A_215 = vector.broadcast %add3A_214 : i32 to vector<16xi32>
          %select_n3A_216 = arith.select %lt3A_202, %and3A_212, %broadcast_in_dim3A_215 : vector<16xi1>, vector<16xi32>
          %swap3A_217 = arith.index_cast %and3A_187 : i32 to index
          %swap3A_218 = arith.constant 0 : index
          %swap3A_219 = tpu.vector_load %arg13[%swap3A_217, %swap3A_218] {strides = array<i32>} : memref<4x112xi32, #tpu.memory_space<vmem>>, vector<16xi32>,
          tpu.vector_store %arg13[%swap3A_217, %swap3A_218], %select_n3A_216 {strides = array<i32>} : memref<4x112xi32, #tpu.memory_space<vmem>>, vector<16xi32>,
          %add3A_220 = arith.constant 16 : i32
          %add3A_221 = arith.addi %add3A_190, %add3A_220 : i32
          %get3A_222 = arith.index_cast %add3A_221 : i32 to index
          %get3A_223 = tpu.vector_load %arg7[%get3A_222] {strides = array<i32>} : memref<40112xi32, #tpu.memory_space<vmem>>, vector<16xi32>,
          %mul3A_224 = arith.constant 112 : i32
          %mul3A_225 = arith.muli %add3A_185, %mul3A_224 : i32
          %add3A_226 = arith.constant 16 : i32
          %add3A_227 = arith.addi %mul3A_225, %add3A_226 : i32
          %add3A_228 = vector.broadcast %add3A_227 : i32 to vector<16xi32>
          %add3A_229 = arith.addi %add3A_228, %iota3A : vector<16xi32>
          %lt3A_230 = vector.broadcast %sub3A : i32 to vector<16xi32>
          %lt3A_231 = arith.cmpi slt, %add3A_229, %lt3A_230 : vector<16xi32>
          %shift_right_arithmetic3A_232 = arith.constant 14 : i32
          %shift_right_arithmetic3A_233 = vector.broadcast %shift_right_arithmetic3A_232 : i32 to vector<16xi32>
          %shift_right_arithmetic3A_234 = arith.shrsi %get3A_223, %shift_right_arithmetic3A_233 : vector<16xi32>
          %add3A_235 = vector.broadcast %mul3A_2 : i32 to vector<16xi32>
          %add3A_236 = arith.addi %shift_right_arithmetic3A_234, %add3A_235 : vector<16xi32>
          %swap3A_237 = arith.index_cast %and3A_187 : i32 to index
          %swap3A_238 = arith.constant 16 : index
          %swap3A_239 = tpu.vector_load %arg11[%swap3A_237, %swap3A_238] {strides = array<i32>} : memref<4x112xi32, #tpu.memory_space<vmem>>, vector<16xi32>,
          tpu.vector_store %arg11[%swap3A_237, %swap3A_238], %add3A_236 {strides = array<i32>} : memref<4x112xi32, #tpu.memory_space<vmem>>, vector<16xi32>,
          %and3A_240 = arith.constant 16383 : i32
          %and3A_241 = vector.broadcast %and3A_240 : i32 to vector<16xi32>
          %and3A_242 = arith.andi %get3A_223, %and3A_241 : vector<16xi32>
          %add3A_243 = arith.constant 2560 : i32
          %add3A_244 = arith.addi %add3A_243, %arg1 : i32
          %broadcast_in_dim3A_245 = vector.broadcast %add3A_244 : i32 to vector<16xi32>
          %select_n3A_246 = arith.select %lt3A_231, %and3A_242, %broadcast_in_dim3A_245 : vector<16xi1>, vector<16xi32>
          %swap3A_247 = arith.index_cast %and3A_187 : i32 to index
          %swap3A_248 = arith.constant 16 : index
          %swap3A_249 = tpu.vector_load %arg13[%swap3A_247, %swap3A_248] {strides = array<i32>} : memref<4x112xi32, #tpu.memory_space<vmem>>, vector<16xi32>,
          tpu.vector_store %arg13[%swap3A_247, %swap3A_248], %select_n3A_246 {strides = array<i32>} : memref<4x112xi32, #tpu.memory_space<vmem>>, vector<16xi32>,
          %add3A_250 = arith.constant 32 : i32
          %add3A_251 = arith.addi %add3A_190, %add3A_250 : i32
          %get3A_252 = arith.index_cast %add3A_251 : i32 to index
          %get3A_253 = tpu.vector_load %arg7[%get3A_252] {strides = array<i32>} : memref<40112xi32, #tpu.memory_space<vmem>>, vector<16xi32>,
          %mul3A_254 = arith.constant 112 : i32
          %mul3A_255 = arith.muli %add3A_185, %mul3A_254 : i32
          %add3A_256 = arith.constant 32 : i32
          %add3A_257 = arith.addi %mul3A_255, %add3A_256 : i32
          %add3A_258 = vector.broadcast %add3A_257 : i32 to vector<16xi32>
          %add3A_259 = arith.addi %add3A_258, %iota3A : vector<16xi32>
          %lt3A_260 = vector.broadcast %sub3A : i32 to vector<16xi32>
          %lt3A_261 = arith.cmpi slt, %add3A_259, %lt3A_260 : vector<16xi32>
          %shift_right_arithmetic3A_262 = arith.constant 14 : i32
          %shift_right_arithmetic3A_263 = vector.broadcast %shift_right_arithmetic3A_262 : i32 to vector<16xi32>
          %shift_right_arithmetic3A_264 = arith.shrsi %get3A_253, %shift_right_arithmetic3A_263 : vector<16xi32>
          %add3A_265 = vector.broadcast %mul3A_2 : i32 to vector<16xi32>
          %add3A_266 = arith.addi %shift_right_arithmetic3A_264, %add3A_265 : vector<16xi32>
          %swap3A_267 = arith.index_cast %and3A_187 : i32 to index
          %swap3A_268 = arith.constant 32 : index
          %swap3A_269 = tpu.vector_load %arg11[%swap3A_267, %swap3A_268] {strides = array<i32>} : memref<4x112xi32, #tpu.memory_space<vmem>>, vector<16xi32>,
          tpu.vector_store %arg11[%swap3A_267, %swap3A_268], %add3A_266 {strides = array<i32>} : memref<4x112xi32, #tpu.memory_space<vmem>>, vector<16xi32>,
          %and3A_270 = arith.constant 16383 : i32
          %and3A_271 = vector.broadcast %and3A_270 : i32 to vector<16xi32>
          %and3A_272 = arith.andi %get3A_253, %and3A_271 : vector<16xi32>
          %add3A_273 = arith.constant 2560 : i32
          %add3A_274 = arith.addi %add3A_273, %arg1 : i32
          %broadcast_in_dim3A_275 = vector.broadcast %add3A_274 : i32 to vector<16xi32>
          %select_n3A_276 = arith.select %lt3A_261, %and3A_272, %broadcast_in_dim3A_275 : vector<16xi1>, vector<16xi32>
          %swap3A_277 = arith.index_cast %and3A_187 : i32 to index
          %swap3A_278 = arith.constant 32 : index
          %swap3A_279 = tpu.vector_load %arg13[%swap3A_277, %swap3A_278] {strides = array<i32>} : memref<4x112xi32, #tpu.memory_space<vmem>>, vector<16xi32>,
          tpu.vector_store %arg13[%swap3A_277, %swap3A_278], %select_n3A_276 {strides = array<i32>} : memref<4x112xi32, #tpu.memory_space<vmem>>, vector<16xi32>,
          %add3A_280 = arith.constant 48 : i32
          %add3A_281 = arith.addi %add3A_190, %add3A_280 : i32
          %get3A_282 = arith.index_cast %add3A_281 : i32 to index
          %get3A_283 = tpu.vector_load %arg7[%get3A_282] {strides = array<i32>} : memref<40112xi32, #tpu.memory_space<vmem>>, vector<16xi32>,
          %mul3A_284 = arith.constant 112 : i32
          %mul3A_285 = arith.muli %add3A_185, %mul3A_284 : i32
          %add3A_286 = arith.constant 48 : i32
          %add3A_287 = arith.addi %mul3A_285, %add3A_286 : i32
          %add3A_288 = vector.broadcast %add3A_287 : i32 to vector<16xi32>
          %add3A_289 = arith.addi %add3A_288, %iota3A : vector<16xi32>
          %lt3A_290 = vector.broadcast %sub3A : i32 to vector<16xi32>
          %lt3A_291 = arith.cmpi slt, %add3A_289, %lt3A_290 : vector<16xi32>
          %shift_right_arithmetic3A_292 = arith.constant 14 : i32
          %shift_right_arithmetic3A_293 = vector.broadcast %shift_right_arithmetic3A_292 : i32 to vector<16xi32>
          %shift_right_arithmetic3A_294 = arith.shrsi %get3A_283, %shift_right_arithmetic3A_293 : vector<16xi32>
          %add3A_295 = vector.broadcast %mul3A_2 : i32 to vector<16xi32>
          %add3A_296 = arith.addi %shift_right_arithmetic3A_294, %add3A_295 : vector<16xi32>
          %swap3A_297 = arith.index_cast %and3A_187 : i32 to index
          %swap3A_298 = arith.constant 48 : index
          %swap3A_299 = tpu.vector_load %arg11[%swap3A_297, %swap3A_298] {strides = array<i32>} : memref<4x112xi32, #tpu.memory_space<vmem>>, vector<16xi32>,
          tpu.vector_store %arg11[%swap3A_297, %swap3A_298], %add3A_296 {strides = array<i32>} : memref<4x112xi32, #tpu.memory_space<vmem>>, vector<16xi32>,
          %and3A_300 = arith.constant 16383 : i32
          %and3A_301 = vector.broadcast %and3A_300 : i32 to vector<16xi32>
          %and3A_302 = arith.andi %get3A_283, %and3A_301 : vector<16xi32>
          %add3A_303 = arith.constant 2560 : i32
          %add3A_304 = arith.addi %add3A_303, %arg1 : i32
          %broadcast_in_dim3A_305 = vector.broadcast %add3A_304 : i32 to vector<16xi32>
          %select_n3A_306 = arith.select %lt3A_291, %and3A_302, %broadcast_in_dim3A_305 : vector<16xi1>, vector<16xi32>
          %swap3A_307 = arith.index_cast %and3A_187 : i32 to index
          %swap3A_308 = arith.constant 48 : index
          %swap3A_309 = tpu.vector_load %arg13[%swap3A_307, %swap3A_308] {strides = array<i32>} : memref<4x112xi32, #tpu.memory_space<vmem>>, vector<16xi32>,
          tpu.vector_store %arg13[%swap3A_307, %swap3A_308], %select_n3A_306 {strides = array<i32>} : memref<4x112xi32, #tpu.memory_space<vmem>>, vector<16xi32>,
          %add3A_310 = arith.constant 64 : i32
          %add3A_311 = arith.addi %add3A_190, %add3A_310 : i32
          %get3A_312 = arith.index_cast %add3A_311 : i32 to index
          %get3A_313 = tpu.vector_load %arg7[%get3A_312] {strides = array<i32>} : memref<40112xi32, #tpu.memory_space<vmem>>, vector<16xi32>,
          %mul3A_314 = arith.constant 112 : i32
          %mul3A_315 = arith.muli %add3A_185, %mul3A_314 : i32
          %add3A_316 = arith.constant 64 : i32
          %add3A_317 = arith.addi %mul3A_315, %add3A_316 : i32
          %add3A_318 = vector.broadcast %add3A_317 : i32 to vector<16xi32>
          %add3A_319 = arith.addi %add3A_318, %iota3A : vector<16xi32>
          %lt3A_320 = vector.broadcast %sub3A : i32 to vector<16xi32>
          %lt3A_321 = arith.cmpi slt, %add3A_319, %lt3A_320 : vector<16xi32>
          %shift_right_arithmetic3A_322 = arith.constant 14 : i32
          %shift_right_arithmetic3A_323 = vector.broadcast %shift_right_arithmetic3A_322 : i32 to vector<16xi32>
          %shift_right_arithmetic3A_324 = arith.shrsi %get3A_313, %shift_right_arithmetic3A_323 : vector<16xi32>
          %add3A_325 = vector.broadcast %mul3A_2 : i32 to vector<16xi32>
          %add3A_326 = arith.addi %shift_right_arithmetic3A_324, %add3A_325 : vector<16xi32>
          %swap3A_327 = arith.index_cast %and3A_187 : i32 to index
          %swap3A_328 = arith.constant 64 : index
          %swap3A_329 = tpu.vector_load %arg11[%swap3A_327, %swap3A_328] {strides = array<i32>} : memref<4x112xi32, #tpu.memory_space<vmem>>, vector<16xi32>,
          tpu.vector_store %arg11[%swap3A_327, %swap3A_328], %add3A_326 {strides = array<i32>} : memref<4x112xi32, #tpu.memory_space<vmem>>, vector<16xi32>,
          %and3A_330 = arith.constant 16383 : i32
          %and3A_331 = vector.broadcast %and3A_330 : i32 to vector<16xi32>
          %and3A_332 = arith.andi %get3A_313, %and3A_331 : vector<16xi32>
          %add3A_333 = arith.constant 2560 : i32
          %add3A_334 = arith.addi %add3A_333, %arg1 : i32
          %broadcast_in_dim3A_335 = vector.broadcast %add3A_334 : i32 to vector<16xi32>
          %select_n3A_336 = arith.select %lt3A_321, %and3A_332, %broadcast_in_dim3A_335 : vector<16xi1>, vector<16xi32>
          %swap3A_337 = arith.index_cast %and3A_187 : i32 to index
          %swap3A_338 = arith.constant 64 : index
          %swap3A_339 = tpu.vector_load %arg13[%swap3A_337, %swap3A_338] {strides = array<i32>} : memref<4x112xi32, #tpu.memory_space<vmem>>, vector<16xi32>,
          tpu.vector_store %arg13[%swap3A_337, %swap3A_338], %select_n3A_336 {strides = array<i32>} : memref<4x112xi32, #tpu.memory_space<vmem>>, vector<16xi32>,
          %add3A_340 = arith.constant 80 : i32
          %add3A_341 = arith.addi %add3A_190, %add3A_340 : i32
          %get3A_342 = arith.index_cast %add3A_341 : i32 to index
          %get3A_343 = tpu.vector_load %arg7[%get3A_342] {strides = array<i32>} : memref<40112xi32, #tpu.memory_space<vmem>>, vector<16xi32>,
          %mul3A_344 = arith.constant 112 : i32
          %mul3A_345 = arith.muli %add3A_185, %mul3A_344 : i32
          %add3A_346 = arith.constant 80 : i32
          %add3A_347 = arith.addi %mul3A_345, %add3A_346 : i32
          %add3A_348 = vector.broadcast %add3A_347 : i32 to vector<16xi32>
          %add3A_349 = arith.addi %add3A_348, %iota3A : vector<16xi32>
          %lt3A_350 = vector.broadcast %sub3A : i32 to vector<16xi32>
          %lt3A_351 = arith.cmpi slt, %add3A_349, %lt3A_350 : vector<16xi32>
          %shift_right_arithmetic3A_352 = arith.constant 14 : i32
          %shift_right_arithmetic3A_353 = vector.broadcast %shift_right_arithmetic3A_352 : i32 to vector<16xi32>
          %shift_right_arithmetic3A_354 = arith.shrsi %get3A_343, %shift_right_arithmetic3A_353 : vector<16xi32>
          %add3A_355 = vector.broadcast %mul3A_2 : i32 to vector<16xi32>
          %add3A_356 = arith.addi %shift_right_arithmetic3A_354, %add3A_355 : vector<16xi32>
          %swap3A_357 = arith.index_cast %and3A_187 : i32 to index
          %swap3A_358 = arith.constant 80 : index
          %swap3A_359 = tpu.vector_load %arg11[%swap3A_357, %swap3A_358] {strides = array<i32>} : memref<4x112xi32, #tpu.memory_space<vmem>>, vector<16xi32>,
          tpu.vector_store %arg11[%swap3A_357, %swap3A_358], %add3A_356 {strides = array<i32>} : memref<4x112xi32, #tpu.memory_space<vmem>>, vector<16xi32>,
          %and3A_360 = arith.constant 16383 : i32
          %and3A_361 = vector.broadcast %and3A_360 : i32 to vector<16xi32>
          %and3A_362 = arith.andi %get3A_343, %and3A_361 : vector<16xi32>
          %add3A_363 = arith.constant 2560 : i32
          %add3A_364 = arith.addi %add3A_363, %arg1 : i32
          %broadcast_in_dim3A_365 = vector.broadcast %add3A_364 : i32 to vector<16xi32>
          %select_n3A_366 = arith.select %lt3A_351, %and3A_362, %broadcast_in_dim3A_365 : vector<16xi1>, vector<16xi32>
          %swap3A_367 = arith.index_cast %and3A_187 : i32 to index
          %swap3A_368 = arith.constant 80 : index
          %swap3A_369 = tpu.vector_load %arg13[%swap3A_367, %swap3A_368] {strides = array<i32>} : memref<4x112xi32, #tpu.memory_space<vmem>>, vector<16xi32>,
          tpu.vector_store %arg13[%swap3A_367, %swap3A_368], %select_n3A_366 {strides = array<i32>} : memref<4x112xi32, #tpu.memory_space<vmem>>, vector<16xi32>,
          %add3A_370 = arith.constant 96 : i32
          %add3A_371 = arith.addi %add3A_190, %add3A_370 : i32
          %get3A_372 = arith.index_cast %add3A_371 : i32 to index
          %get3A_373 = tpu.vector_load %arg7[%get3A_372] {strides = array<i32>} : memref<40112xi32, #tpu.memory_space<vmem>>, vector<16xi32>,
          %mul3A_374 = arith.constant 112 : i32
          %mul3A_375 = arith.muli %add3A_185, %mul3A_374 : i32
          %add3A_376 = arith.constant 96 : i32
          %add3A_377 = arith.addi %mul3A_375, %add3A_376 : i32
          %add3A_378 = vector.broadcast %add3A_377 : i32 to vector<16xi32>
          %add3A_379 = arith.addi %add3A_378, %iota3A : vector<16xi32>
          %lt3A_380 = vector.broadcast %sub3A : i32 to vector<16xi32>
          %lt3A_381 = arith.cmpi slt, %add3A_379, %lt3A_380 : vector<16xi32>
          %shift_right_arithmetic3A_382 = arith.constant 14 : i32
          %shift_right_arithmetic3A_383 = vector.broadcast %shift_right_arithmetic3A_382 : i32 to vector<16xi32>
          %shift_right_arithmetic3A_384 = arith.shrsi %get3A_373, %shift_right_arithmetic3A_383 : vector<16xi32>
          %add3A_385 = vector.broadcast %mul3A_2 : i32 to vector<16xi32>
          %add3A_386 = arith.addi %shift_right_arithmetic3A_384, %add3A_385 : vector<16xi32>
          %swap3A_387 = arith.index_cast %and3A_187 : i32 to index
          %swap3A_388 = arith.constant 96 : index
          %swap3A_389 = tpu.vector_load %arg11[%swap3A_387, %swap3A_388] {strides = array<i32>} : memref<4x112xi32, #tpu.memory_space<vmem>>, vector<16xi32>,
          tpu.vector_store %arg11[%swap3A_387, %swap3A_388], %add3A_386 {strides = array<i32>} : memref<4x112xi32, #tpu.memory_space<vmem>>, vector<16xi32>,
          %and3A_390 = arith.constant 16383 : i32
          %and3A_391 = vector.broadcast %and3A_390 : i32 to vector<16xi32>
          %and3A_392 = arith.andi %get3A_373, %and3A_391 : vector<16xi32>
          %add3A_393 = arith.constant 2560 : i32
          %add3A_394 = arith.addi %add3A_393, %arg1 : i32
          %broadcast_in_dim3A_395 = vector.broadcast %add3A_394 : i32 to vector<16xi32>
          %select_n3A_396 = arith.select %lt3A_381, %and3A_392, %broadcast_in_dim3A_395 : vector<16xi1>, vector<16xi32>
          %swap3A_397 = arith.index_cast %and3A_187 : i32 to index
          %swap3A_398 = arith.constant 96 : index
          %swap3A_399 = tpu.vector_load %arg13[%swap3A_397, %swap3A_398] {strides = array<i32>} : memref<4x112xi32, #tpu.memory_space<vmem>>, vector<16xi32>,
          tpu.vector_store %arg13[%swap3A_397, %swap3A_398], %select_n3A_396 {strides = array<i32>} : memref<4x112xi32, #tpu.memory_space<vmem>>, vector<16xi32>,
          %dma_start3A = arith.constant 0 : i32
          %dma_start3A_400 = tpu.memref_slice %arg12[%and3A_187, %dma_start3A] : memref<4x112xi32, #tpu.memory_space<vmem>> -> memref<1x112xi32, #tpu.memory_space<vmem>>
          %dma_start3A_401 = tpu.memref_squeeze %dma_start3A_400 : memref<1x112xi32, #tpu.memory_space<vmem>> -> memref<112xi32, #tpu.memory_space<vmem>>
          %dma_start3A_402 = arith.constant 0 : i32
          %dma_start3A_403 = tpu.memref_slice %arg11[%and3A_187, %dma_start3A_402] : memref<4x112xi32, #tpu.memory_space<vmem>> -> memref<1x112xi32, #tpu.memory_space<vmem>>
          %dma_start3A_404 = tpu.memref_squeeze %dma_start3A_403 : memref<1x112xi32, #tpu.memory_space<vmem>> -> memref<112xi32, #tpu.memory_space<vmem>>
          %dma_start3A_405 = arith.constant 0 : i32
          %dma_start3A_406 = tpu.memref_slice %arg4[%dma_start3A_405] : memref<1280000xi32, #tpu.memory_space<hbm>> -> memref<1280000xi32, #tpu.memory_space<hbm>>
          %dma_start3A_407 = tpu.memref_slice %arg20[%and3A_187] : memref<4x!tpu.dma_semaphore, #tpu.memory_space<semaphore_mem>> -> memref<1x!tpu.dma_semaphore, #tpu.memory_space<semaphore_mem>>
          %dma_start3A_408 = tpu.memref_squeeze %dma_start3A_407 : memref<1x!tpu.dma_semaphore, #tpu.memory_space<semaphore_mem>> -> memref<!tpu.dma_semaphore, #tpu.memory_space<semaphore_mem>>
          tpu.enqueue_indirect_dma source(%dma_start3A_406 : memref<1280000xi32, #tpu.memory_space<hbm>>) target(%dma_start3A_401 : memref<112xi32, #tpu.memory_space<vmem>>) offsets(%dma_start3A_404 : memref<112xi32, #tpu.memory_space<vmem>>) semaphore(%dma_start3A_408 : memref<!tpu.dma_semaphore, #tpu.memory_space<semaphore_mem>>)
        } else {
        }
        %scan3A_170 = arith.constant 0 : i32
        %scan3A_171 = arith.constant 0 : i32
        %scan3A_172 = arith.constant 112 : i32
        %scan3A_173 = arith.addi %scan3A_171, %scan3A_172 : i32
        %scan3A_174 = arith.constant 1 : i32
        %scan3A_175 = scf.for %scan3A_184 = %scan3A_171 to %scan3A_173 step %scan3A_174 iter_args(%scan3A_185 = %scan3A_170) -> (i32)  : i32 {
          %get3A_186 = arith.index_cast %and3A_141 : i32 to index
          %get3A_187 = arith.index_cast %scan3A_184 : i32 to index
          %get3A_188 = arith.constant 0 : index
          %get3A_189 = tpu.vector_load %arg14[%get3A_186, %get3A_187, %get3A_188] {strides = array<i32>} : memref<2x112x128xf32, #tpu.memory_space<vmem>>, vector<16xf32>,
          %get3A_190 = arith.index_cast %and3A_141 : i32 to index
          %get3A_191 = arith.index_cast %scan3A_184 : i32 to index
          %get3A_192 = arith.constant 0 : index
          %get3A_193 = tpu.vector_load %arg15[%get3A_190, %get3A_191, %get3A_192] {strides = array<i32>} : memref<2x112x128xf32, #tpu.memory_space<vmem>>, vector<16xf32>,
          %mul3A_194 = arith.mulf %get3A_189, %get3A_193 : vector<16xf32>
          %swap3A_195 = arith.index_cast %and3A_141 : i32 to index
          %swap3A_196 = arith.index_cast %scan3A_184 : i32 to index
          %swap3A_197 = arith.constant 0 : index
          %swap3A_198 = tpu.vector_load %arg14[%swap3A_195, %swap3A_196, %swap3A_197] {strides = array<i32>} : memref<2x112x128xf32, #tpu.memory_space<vmem>>, vector<16xf32>,
          tpu.vector_store %arg14[%swap3A_195, %swap3A_196, %swap3A_197], %mul3A_194 {strides = array<i32>} : memref<2x112x128xf32, #tpu.memory_space<vmem>>, vector<16xf32>,
          %get3A_199 = arith.index_cast %and3A_141 : i32 to index
          %get3A_200 = arith.index_cast %scan3A_184 : i32 to index
          %get3A_201 = arith.constant 16 : index
          %get3A_202 = tpu.vector_load %arg14[%get3A_199, %get3A_200, %get3A_201] {strides = array<i32>} : memref<2x112x128xf32, #tpu.memory_space<vmem>>, vector<16xf32>,
          %get3A_203 = arith.index_cast %and3A_141 : i32 to index
          %get3A_204 = arith.index_cast %scan3A_184 : i32 to index
          %get3A_205 = arith.constant 16 : index
          %get3A_206 = tpu.vector_load %arg15[%get3A_203, %get3A_204, %get3A_205] {strides = array<i32>} : memref<2x112x128xf32, #tpu.memory_space<vmem>>, vector<16xf32>,
          %mul3A_207 = arith.mulf %get3A_202, %get3A_206 : vector<16xf32>
          %swap3A_208 = arith.index_cast %and3A_141 : i32 to index
          %swap3A_209 = arith.index_cast %scan3A_184 : i32 to index
          %swap3A_210 = arith.constant 16 : index
          %swap3A_211 = tpu.vector_load %arg14[%swap3A_208, %swap3A_209, %swap3A_210] {strides = array<i32>} : memref<2x112x128xf32, #tpu.memory_space<vmem>>, vector<16xf32>,
          tpu.vector_store %arg14[%swap3A_208, %swap3A_209, %swap3A_210], %mul3A_207 {strides = array<i32>} : memref<2x112x128xf32, #tpu.memory_space<vmem>>, vector<16xf32>,
          %get3A_212 = arith.index_cast %and3A_141 : i32 to index
          %get3A_213 = arith.index_cast %scan3A_184 : i32 to index
          %get3A_214 = arith.constant 32 : index
          %get3A_215 = tpu.vector_load %arg14[%get3A_212, %get3A_213, %get3A_214] {strides = array<i32>} : memref<2x112x128xf32, #tpu.memory_space<vmem>>, vector<16xf32>,
          %get3A_216 = arith.index_cast %and3A_141 : i32 to index
          %get3A_217 = arith.index_cast %scan3A_184 : i32 to index
          %get3A_218 = arith.constant 32 : index
          %get3A_219 = tpu.vector_load %arg15[%get3A_216, %get3A_217, %get3A_218] {strides = array<i32>} : memref<2x112x128xf32, #tpu.memory_space<vmem>>, vector<16xf32>,
          %mul3A_220 = arith.mulf %get3A_215, %get3A_219 : vector<16xf32>
          %swap3A_221 = arith.index_cast %and3A_141 : i32 to index
          %swap3A_222 = arith.index_cast %scan3A_184 : i32 to index
          %swap3A_223 = arith.constant 32 : index
          %swap3A_224 = tpu.vector_load %arg14[%swap3A_221, %swap3A_222, %swap3A_223] {strides = array<i32>} : memref<2x112x128xf32, #tpu.memory_space<vmem>>, vector<16xf32>,
          tpu.vector_store %arg14[%swap3A_221, %swap3A_222, %swap3A_223], %mul3A_220 {strides = array<i32>} : memref<2x112x128xf32, #tpu.memory_space<vmem>>, vector<16xf32>,
          %get3A_225 = arith.index_cast %and3A_141 : i32 to index
          %get3A_226 = arith.index_cast %scan3A_184 : i32 to index
          %get3A_227 = arith.constant 48 : index
          %get3A_228 = tpu.vector_load %arg14[%get3A_225, %get3A_226, %get3A_227] {strides = array<i32>} : memref<2x112x128xf32, #tpu.memory_space<vmem>>, vector<16xf32>,
          %get3A_229 = arith.index_cast %and3A_141 : i32 to index
          %get3A_230 = arith.index_cast %scan3A_184 : i32 to index
          %get3A_231 = arith.constant 48 : index
          %get3A_232 = tpu.vector_load %arg15[%get3A_229, %get3A_230, %get3A_231] {strides = array<i32>} : memref<2x112x128xf32, #tpu.memory_space<vmem>>, vector<16xf32>,
          %mul3A_233 = arith.mulf %get3A_228, %get3A_232 : vector<16xf32>
          %swap3A_234 = arith.index_cast %and3A_141 : i32 to index
          %swap3A_235 = arith.index_cast %scan3A_184 : i32 to index
          %swap3A_236 = arith.constant 48 : index
          %swap3A_237 = tpu.vector_load %arg14[%swap3A_234, %swap3A_235, %swap3A_236] {strides = array<i32>} : memref<2x112x128xf32, #tpu.memory_space<vmem>>, vector<16xf32>,
          tpu.vector_store %arg14[%swap3A_234, %swap3A_235, %swap3A_236], %mul3A_233 {strides = array<i32>} : memref<2x112x128xf32, #tpu.memory_space<vmem>>, vector<16xf32>,
          %scan3A_238 = arith.constant 0 : i32
          scf.yield %scan3A_238 : i32
        }
        %scan3A_176 = arith.constant 112 : i32
        %add3A_177 = arith.constant 1 : i32
        %add3A_178 = arith.addi %while3A_136, %add3A_177 : i32
        %lt3A_179 = arith.cmpi slt, %add3A_178, %select_n3A : i32
        %convert_element_type3A_180 = arith.extui %lt3A_179 : i1 to i32
        %cond3A_181 = arith.constant 0 : i32
        %cond3A_182 = arith.cmpi ne, %convert_element_type3A_180, %cond3A_181 : i32
        scf.if %cond3A_182 {
          %add3A_184 = arith.constant 1 : i32
          %add3A_185 = arith.addi %while3A_136, %add3A_184 : i32
          %and3A_186 = arith.constant 3 : i32
          %and3A_187 = arith.andi %add3A_185, %and3A_186 : i32
          %and3A_188 = arith.constant 1 : i32
          %and3A_189 = arith.andi %add3A_185, %and3A_188 : i32
          %dma_wait3A_190 = arith.constant 0 : i32
          %dma_wait3A_191 = tpu.memref_slice %arg12[%and3A_187, %dma_wait3A_190] : memref<4x112xi32, #tpu.memory_space<vmem>> -> memref<1x112xi32, #tpu.memory_space<vmem>>
          %dma_wait3A_192 = tpu.memref_squeeze %dma_wait3A_191 : memref<1x112xi32, #tpu.memory_space<vmem>> -> memref<112xi32, #tpu.memory_space<vmem>>
          %dma_wait3A_193 = arith.constant 0 : i32
          %dma_wait3A_194 = tpu.memref_slice %arg11[%and3A_187, %dma_wait3A_193] : memref<4x112xi32, #tpu.memory_space<vmem>> -> memref<1x112xi32, #tpu.memory_space<vmem>>
          %dma_wait3A_195 = tpu.memref_squeeze %dma_wait3A_194 : memref<1x112xi32, #tpu.memory_space<vmem>> -> memref<112xi32, #tpu.memory_space<vmem>>
          %dma_wait3A_196 = arith.constant 0 : i32
          %dma_wait3A_197 = tpu.memref_slice %arg4[%dma_wait3A_196] : memref<1280000xi32, #tpu.memory_space<hbm>> -> memref<1280000xi32, #tpu.memory_space<hbm>>
          %dma_wait3A_198 = tpu.memref_slice %arg20[%and3A_187] : memref<4x!tpu.dma_semaphore, #tpu.memory_space<semaphore_mem>> -> memref<1x!tpu.dma_semaphore, #tpu.memory_space<semaphore_mem>>
          %dma_wait3A_199 = tpu.memref_squeeze %dma_wait3A_198 : memref<1x!tpu.dma_semaphore, #tpu.memory_space<semaphore_mem>> -> memref<!tpu.dma_semaphore, #tpu.memory_space<semaphore_mem>>
          tpu.wait_indirect_dma semaphore(%dma_wait3A_199 : memref<!tpu.dma_semaphore, #tpu.memory_space<semaphore_mem>>) src(%dma_wait3A_197 : memref<1280000xi32, #tpu.memory_space<hbm>>) dst(%dma_wait3A_192 : memref<112xi32, #tpu.memory_space<vmem>>)
          %dma_start3A = arith.constant 0 : i32
          %dma_start3A_200 = arith.constant 0 : i32
          %dma_start3A_201 = tpu.memref_slice %arg14[%and3A_189, %dma_start3A, %dma_start3A_200] : memref<2x112x128xf32, #tpu.memory_space<vmem>> -> memref<1x112x128xf32, #tpu.memory_space<vmem>>
          %dma_start3A_202 = tpu.memref_squeeze %dma_start3A_201 : memref<1x112x128xf32, #tpu.memory_space<vmem>> -> memref<112x128xf32, #tpu.memory_space<vmem>>
          %dma_start3A_203 = arith.constant 0 : i32
          %dma_start3A_204 = tpu.memref_slice %arg12[%and3A_187, %dma_start3A_203] : memref<4x112xi32, #tpu.memory_space<vmem>> -> memref<1x112xi32, #tpu.memory_space<vmem>>
          %dma_start3A_205 = tpu.memref_squeeze %dma_start3A_204 : memref<1x112xi32, #tpu.memory_space<vmem>> -> memref<112xi32, #tpu.memory_space<vmem>>
          %dma_start3A_206 = arith.constant 0 : i32
          %dma_start3A_207 = arith.constant 0 : i32
          %dma_start3A_208 = tpu.memref_slice %arg2[%dma_start3A_206, %dma_start3A_207] : memref<320000x128xf32, #tpu.memory_space<hbm>> -> memref<320000x128xf32, #tpu.memory_space<hbm>>
          %dma_start3A_209 = tpu.memref_slice %arg21[%and3A_189] : memref<2x!tpu.dma_semaphore, #tpu.memory_space<semaphore_mem>> -> memref<1x!tpu.dma_semaphore, #tpu.memory_space<semaphore_mem>>
          %dma_start3A_210 = tpu.memref_squeeze %dma_start3A_209 : memref<1x!tpu.dma_semaphore, #tpu.memory_space<semaphore_mem>> -> memref<!tpu.dma_semaphore, #tpu.memory_space<semaphore_mem>>
          tpu.enqueue_indirect_dma source(%dma_start3A_208 : memref<320000x128xf32, #tpu.memory_space<hbm>>) target(%dma_start3A_202 : memref<112x128xf32, #tpu.memory_space<vmem>>) offsets(%dma_start3A_205 : memref<112xi32, #tpu.memory_space<vmem>>) semaphore(%dma_start3A_210 : memref<!tpu.dma_semaphore, #tpu.memory_space<semaphore_mem>>)
          %dma_start3A_211 = arith.constant 0 : i32
          %dma_start3A_212 = arith.constant 0 : i32
          %dma_start3A_213 = tpu.memref_slice %arg15[%and3A_189, %dma_start3A_211, %dma_start3A_212] : memref<2x112x128xf32, #tpu.memory_space<vmem>> -> memref<1x112x128xf32, #tpu.memory_space<vmem>>
          %dma_start3A_214 = tpu.memref_squeeze %dma_start3A_213 : memref<1x112x128xf32, #tpu.memory_space<vmem>> -> memref<112x128xf32, #tpu.memory_space<vmem>>
          %dma_start3A_215 = arith.constant 0 : i32
          %dma_start3A_216 = tpu.memref_slice %arg11[%and3A_187, %dma_start3A_215] : memref<4x112xi32, #tpu.memory_space<vmem>> -> memref<1x112xi32, #tpu.memory_space<vmem>>
          %dma_start3A_217 = tpu.memref_squeeze %dma_start3A_216 : memref<1x112xi32, #tpu.memory_space<vmem>> -> memref<112xi32, #tpu.memory_space<vmem>>
          %dma_start3A_218 = arith.constant 0 : i32
          %dma_start3A_219 = arith.constant 0 : i32
          %dma_start3A_220 = tpu.memref_slice %arg3[%dma_start3A_218, %dma_start3A_219] : memref<1280000x128xf32, #tpu.memory_space<hbm>> -> memref<1280000x128xf32, #tpu.memory_space<hbm>>
          %dma_start3A_221 = tpu.memref_slice %arg22[%and3A_189] : memref<2x!tpu.dma_semaphore, #tpu.memory_space<semaphore_mem>> -> memref<1x!tpu.dma_semaphore, #tpu.memory_space<semaphore_mem>>
          %dma_start3A_222 = tpu.memref_squeeze %dma_start3A_221 : memref<1x!tpu.dma_semaphore, #tpu.memory_space<semaphore_mem>> -> memref<!tpu.dma_semaphore, #tpu.memory_space<semaphore_mem>>
          tpu.enqueue_indirect_dma source(%dma_start3A_220 : memref<1280000x128xf32, #tpu.memory_space<hbm>>) target(%dma_start3A_214 : memref<112x128xf32, #tpu.memory_space<vmem>>) offsets(%dma_start3A_217 : memref<112xi32, #tpu.memory_space<vmem>>) semaphore(%dma_start3A_222 : memref<!tpu.dma_semaphore, #tpu.memory_space<semaphore_mem>>)
        } else {
        }
        "tpu.region"() ({
          %run_scoped3A = tpu.sem_alloc : memref<!tpu.dma_semaphore, #tpu.memory_space<semaphore_mem>>
          %dma_start3A = arith.constant 0 : i32
          %dma_start3A_184 = arith.constant 0 : i32
          %dma_start3A_185 = tpu.memref_slice %arg14[%and3A_141, %dma_start3A, %dma_start3A_184] : memref<2x112x128xf32, #tpu.memory_space<vmem>> -> memref<1x112x128xf32, #tpu.memory_space<vmem>>
          %dma_start3A_186 = tpu.memref_squeeze %dma_start3A_185 : memref<1x112x128xf32, #tpu.memory_space<vmem>> -> memref<112x128xf32, #tpu.memory_space<vmem>>
          %dma_start3A_187 = arith.constant 0 : i32
          %dma_start3A_188 = tpu.memref_slice %arg13[%and3A_139, %dma_start3A_187] : memref<4x112xi32, #tpu.memory_space<vmem>> -> memref<1x112xi32, #tpu.memory_space<vmem>>
          %dma_start3A_189 = tpu.memref_squeeze %dma_start3A_188 : memref<1x112xi32, #tpu.memory_space<vmem>> -> memref<112xi32, #tpu.memory_space<vmem>>
          %dma_start3A_190 = arith.constant 0 : i32
          %dma_start3A_191 = arith.constant 0 : i32
          %dma_start3A_192 = tpu.memref_slice %arg18[%dma_start3A_190, %dma_start3A_191] : memref<2576x128xf32, #tpu.memory_space<vmem_shared>> -> memref<2576x128xf32, #tpu.memory_space<vmem_shared>>
          tpu.enqueue_indirect_dma source(%dma_start3A_186 : memref<112x128xf32, #tpu.memory_space<vmem>>) target(%dma_start3A_192 : memref<2576x128xf32, #tpu.memory_space<vmem_shared>>) offsets(%dma_start3A_189 : memref<112xi32, #tpu.memory_space<vmem>>) semaphore(%run_scoped3A : memref<!tpu.dma_semaphore, #tpu.memory_space<semaphore_mem>>) {add = true}
          %dma_wait3A_193 = arith.constant 0 : i32
          %dma_wait3A_194 = arith.constant 0 : i32
          %dma_wait3A_195 = tpu.memref_slice %arg14[%and3A_141, %dma_wait3A_193, %dma_wait3A_194] : memref<2x112x128xf32, #tpu.memory_space<vmem>> -> memref<1x112x128xf32, #tpu.memory_space<vmem>>
          %dma_wait3A_196 = tpu.memref_squeeze %dma_wait3A_195 : memref<1x112x128xf32, #tpu.memory_space<vmem>> -> memref<112x128xf32, #tpu.memory_space<vmem>>
          %dma_wait3A_197 = arith.constant 0 : i32
          %dma_wait3A_198 = tpu.memref_slice %arg13[%and3A_139, %dma_wait3A_197] : memref<4x112xi32, #tpu.memory_space<vmem>> -> memref<1x112xi32, #tpu.memory_space<vmem>>
          %dma_wait3A_199 = tpu.memref_squeeze %dma_wait3A_198 : memref<1x112xi32, #tpu.memory_space<vmem>> -> memref<112xi32, #tpu.memory_space<vmem>>
          %dma_wait3A_200 = arith.constant 0 : i32
          %dma_wait3A_201 = arith.constant 0 : i32
          %dma_wait3A_202 = tpu.memref_slice %arg18[%dma_wait3A_200, %dma_wait3A_201] : memref<2576x128xf32, #tpu.memory_space<vmem_shared>> -> memref<2576x128xf32, #tpu.memory_space<vmem_shared>>
          tpu.wait_indirect_dma semaphore(%run_scoped3A : memref<!tpu.dma_semaphore, #tpu.memory_space<semaphore_mem>>) src(%dma_wait3A_196 : memref<112x128xf32, #tpu.memory_space<vmem>>) dst(%dma_wait3A_202 : memref<2576x128xf32, #tpu.memory_space<vmem_shared>>)
          tpu.yield
        }) : () -> ()
        %while3A_183 = arith.constant 0 : i32
        scf.yield %while3A_183 : i32
      }
      %barrier3A_127 = arith.constant 0 : index
      tpu.barrier barrier_id(%barrier3A_127)
      %mul3A_128 = arith.constant 160 : i32
      %mul3A_129 = arith.muli %arg1, %mul3A_128 : i32
      %mul3A_130 = arith.constant 2560 : i32
      %mul3A_131 = arith.muli %scan3A_65, %mul3A_130 : i32
      %mul3A_132 = arith.constant 160 : i32
      %mul3A_133 = arith.muli %arg1, %mul3A_132 : i32
      %add3A_134 = arith.addi %mul3A_131, %mul3A_133 : i32
      "tpu.region"() ({
        %run_scoped3A = tpu.sem_alloc : memref<!tpu.dma_semaphore, #tpu.memory_space<semaphore_mem>>
        %dma_start3A = arith.constant 0 : i32
        %dma_start3A_136 = tpu.memref_slice %arg6[%arg0, %add3A_134, %dma_start3A] : memref<2x320000x128xf32, #tpu.memory_space<hbm>> -> memref<1x160x128xf32, #tpu.memory_space<hbm>>
        %dma_start3A_137 = tpu.memref_squeeze %dma_start3A_136 : memref<1x160x128xf32, #tpu.memory_space<hbm>> -> memref<160x128xf32, #tpu.memory_space<hbm>>
        %dma_start3A_138 = arith.constant 0 : i32
        %dma_start3A_139 = tpu.memref_slice %arg18[%mul3A_129, %dma_start3A_138] : memref<2576x128xf32, #tpu.memory_space<vmem_shared>> -> memref<160x128xf32, #tpu.memory_space<vmem_shared>>
        tpu.enqueue_dma source(%dma_start3A_139 : memref<160x128xf32, #tpu.memory_space<vmem_shared>>) target(%dma_start3A_137 : memref<160x128xf32, #tpu.memory_space<hbm>>) target_semaphore(%run_scoped3A : memref<!tpu.dma_semaphore, #tpu.memory_space<semaphore_mem>>)
        %dma_wait3A = arith.constant 0 : i32
        %dma_wait3A_140 = tpu.memref_slice %arg6[%arg0, %add3A_134, %dma_wait3A] : memref<2x320000x128xf32, #tpu.memory_space<hbm>> -> memref<1x160x128xf32, #tpu.memory_space<hbm>>
        %dma_wait3A_141 = tpu.memref_squeeze %dma_wait3A_140 : memref<1x160x128xf32, #tpu.memory_space<hbm>> -> memref<160x128xf32, #tpu.memory_space<hbm>>
        %dma_wait3A_142 = arith.constant 0 : i32
        %dma_wait3A_143 = tpu.memref_slice %arg18[%mul3A_129, %dma_wait3A_142] : memref<2576x128xf32, #tpu.memory_space<vmem_shared>> -> memref<160x128xf32, #tpu.memory_space<vmem_shared>>
        tpu.wait_dma2 semaphore(%run_scoped3A : memref<!tpu.dma_semaphore, #tpu.memory_space<semaphore_mem>>) src(%dma_wait3A_143 : memref<160x128xf32, #tpu.memory_space<vmem_shared>>) dst(%dma_wait3A_141 : memref<160x128xf32, #tpu.memory_space<hbm>>)
        tpu.yield
      }) : () -> ()
      %scan3A_135 = arith.constant 0 : i32
      scf.yield %scan3A_135 : i32
    }
    %scan3A_64 = arith.constant 125 : i32
    return
  }
}

module attributes {stable_mosaic.version = 14 : i64} {
  func.func @_sbf_body(%arg0: i32, %arg1: memref<8000x42xf32, #tpu.memory_space<vmem>>, %arg2: memref<42x64xf32, #tpu.memory_space<vmem>>, %arg3: memref<8000x128xf32, #tpu.memory_space<vmem>>) attributes {dimension_semantics = [#tpu.dimension_semantics<arbitrary>], iteration_bounds = array<i64: 160>, scalar_prefetch = 0 : i64, scratch_operands = 0 : i64, tpu.core_type = #tpu.core_type<tc>, window_params = [{transform_indices = @transform_0, window_bounds = array<i64: 8000, 42>}, {pipeline_mode = #tpu.pipeline_mode<synchronous>, transform_indices = @transform_1, window_bounds = array<i64: 42, 64>}, {transform_indices = @transform_2, window_bounds = array<i64: 8000, 128>}]} {
    %get3A = arith.constant 0 : index
    %get3A_0 = arith.constant 0 : index
    %get3A_1 = vector.load %arg1[%get3A, %get3A_0] : memref<8000x42xf32, #tpu.memory_space<vmem>>, vector<8000x42xf32>
    %get3A_2 = arith.constant 0 : index
    %get3A_3 = arith.constant 0 : index
    %get3A_4 = vector.load %arg2[%get3A_2, %get3A_3] : memref<42x64xf32, #tpu.memory_space<vmem>>, vector<42x64xf32>
    %dot_general3A = arith.constant dense<0.000000e+00> : vector<8000x64xf32>
    %dot_general3A_5 = tpu.matmul %get3A_1, %get3A_4, %dot_general3A {dimension_numbers = #tpu.dot_dimension_numbers<[1], [0], [0], [1], [0, 0, 1, 1], [], []>, transpose_lhs_hint = false} : vector<8000x42xf32>, vector<42x64xf32>, vector<8000x64xf32> -> vector<8000x64xf32>
    %concatenate3A = tpu.concatenate %dot_general3A_5, %dot_general3A_5 in 1 : vector<8000x64xf32>, vector<8000x64xf32> -> vector<8000x128xf32>
    %swap3A = arith.constant 0 : index
    %swap3A_6 = arith.constant 0 : index
    %swap3A_7 = vector.load %arg3[%swap3A, %swap3A_6] : memref<8000x128xf32, #tpu.memory_space<vmem>>, vector<8000x128xf32>
    tpu.vector_store %arg3[%swap3A, %swap3A_6], %concatenate3A {strides = array<i32>} : memref<8000x128xf32, #tpu.memory_space<vmem>>, vector<8000x128xf32>,
    return
  }
  func.func @transform_0(%arg0: i32) -> (i32, i32) {
    %c0_i32 = arith.constant 0 : i32
    %c0_i32_0 = arith.constant 0 : i32
    return %arg0, %c0_i32 : i32, i32
  }
  func.func @transform_1(%arg0: i32) -> (i32, i32) {
    %c0_i32 = arith.constant 0 : i32
    %c0_i32_0 = arith.constant 0 : i32
    %c0_i32_1 = arith.constant 0 : i32
    return %c0_i32, %c0_i32_0 : i32, i32
  }
  func.func @transform_2(%arg0: i32) -> (i32, i32) {
    %c0_i32 = arith.constant 0 : i32
    %c0_i32_0 = arith.constant 0 : i32
    return %arg0, %c0_i32 : i32, i32
  }
}

module attributes {stable_mosaic.version = 14 : i64} {
  func.func @_prologue_body(%arg0: i32, %arg1: memref<2000x128xf32, #tpu.memory_space<vmem>>, %arg2: memref<2000x6xf32, #tpu.memory_space<vmem>>, %arg3: memref<128x128xf32, #tpu.memory_space<vmem>>, %arg4: memref<128xf32, #tpu.memory_space<vmem>>, %arg5: memref<128x128xf32, #tpu.memory_space<vmem>>, %arg6: memref<128xf32, #tpu.memory_space<vmem>>, %arg7: memref<6x128xf32, #tpu.memory_space<vmem>>, %arg8: memref<128x64xf32, #tpu.memory_space<vmem>>, %arg9: memref<2000x128xf32, #tpu.memory_space<vmem>>, %arg10: memref<2000x128xf32, #tpu.memory_space<vmem>>) attributes {dimension_semantics = [#tpu.dimension_semantics<arbitrary>], iteration_bounds = array<i64: 160>, scalar_prefetch = 0 : i64, scratch_operands = 0 : i64, tpu.core_type = #tpu.core_type<tc>, window_params = [{transform_indices = @transform_0, window_bounds = array<i64: 2000, 128>}, {transform_indices = @transform_1, window_bounds = array<i64: 2000, 6>}, {pipeline_mode = #tpu.pipeline_mode<synchronous>, transform_indices = @transform_2, window_bounds = array<i64: 128, 128>}, {pipeline_mode = #tpu.pipeline_mode<synchronous>, transform_indices = @transform_3, window_bounds = array<i64: 128>}, {pipeline_mode = #tpu.pipeline_mode<synchronous>, transform_indices = @transform_4, window_bounds = array<i64: 128, 128>}, {pipeline_mode = #tpu.pipeline_mode<synchronous>, transform_indices = @transform_5, window_bounds = array<i64: 128>}, {pipeline_mode = #tpu.pipeline_mode<synchronous>, transform_indices = @transform_6, window_bounds = array<i64: 6, 128>}, {pipeline_mode = #tpu.pipeline_mode<synchronous>, transform_indices = @transform_7, window_bounds = array<i64: 128, 64>}, {transform_indices = @transform_8, window_bounds = array<i64: 2000, 128>}, {transform_indices = @transform_9, window_bounds = array<i64: 2000, 128>}]} {
    %get3A = arith.constant 0 : index
    %get3A_0 = arith.constant 0 : index
    %get3A_1 = vector.load %arg1[%get3A, %get3A_0] : memref<2000x128xf32, #tpu.memory_space<vmem>>, vector<2000x128xf32>
    %get3A_2 = arith.constant 0 : index
    %get3A_3 = arith.constant 0 : index
    %get3A_4 = vector.load %arg3[%get3A_2, %get3A_3] : memref<128x128xf32, #tpu.memory_space<vmem>>, vector<128x128xf32>
    %dot_general3A = arith.constant dense<0.000000e+00> : vector<2000x128xf32>
    %dot_general3A_5 = tpu.matmul %get3A_1, %get3A_4, %dot_general3A {dimension_numbers = #tpu.dot_dimension_numbers<[1], [0], [0], [1], [0, 0, 1, 1], [], []>, transpose_lhs_hint = false} : vector<2000x128xf32>, vector<128x128xf32>, vector<2000x128xf32> -> vector<2000x128xf32>
    %get3A_6 = arith.constant 0 : index
    %get3A_7 = vector.load %arg4[%get3A_6] : memref<128xf32, #tpu.memory_space<vmem>>, vector<128xf32>
    %broadcast_in_dim3A = vector.shape_cast %get3A_7 : vector<128xf32> to vector<1x128xf32>
    %add3A = vector.broadcast %broadcast_in_dim3A : vector<1x128xf32> to vector<2000x128xf32>
    %add3A_8 = arith.addf %dot_general3A_5, %add3A : vector<2000x128xf32>
    %logistic3A = arith.negf %add3A_8 : vector<2000x128xf32>
    %logistic3A_9 = math.exp %logistic3A : vector<2000x128xf32>
    %logistic3A_10 = arith.constant 1.000000e+00 : f32
    %logistic3A_11 = vector.broadcast %logistic3A_10 : f32 to vector<2000x128xf32>
    %logistic3A_12 = arith.addf %logistic3A_11, %logistic3A_9 : vector<2000x128xf32>
    %logistic3A_13 = arith.divf %logistic3A_11, %logistic3A_12 : vector<2000x128xf32>
    %mul3A = arith.mulf %add3A_8, %logistic3A_13 : vector<2000x128xf32>
    %get3A_14 = arith.constant 0 : index
    %get3A_15 = arith.constant 0 : index
    %get3A_16 = vector.load %arg5[%get3A_14, %get3A_15] : memref<128x128xf32, #tpu.memory_space<vmem>>, vector<128x128xf32>
    %dot_general3A_17 = arith.constant dense<0.000000e+00> : vector<2000x128xf32>
    %dot_general3A_18 = tpu.matmul %get3A_1, %get3A_16, %dot_general3A_17 {dimension_numbers = #tpu.dot_dimension_numbers<[1], [0], [0], [1], [0, 0, 1, 1], [], []>, transpose_lhs_hint = false} : vector<2000x128xf32>, vector<128x128xf32>, vector<2000x128xf32> -> vector<2000x128xf32>
    %get3A_19 = arith.constant 0 : index
    %get3A_20 = vector.load %arg6[%get3A_19] : memref<128xf32, #tpu.memory_space<vmem>>, vector<128xf32>
    %broadcast_in_dim3A_21 = vector.shape_cast %get3A_20 : vector<128xf32> to vector<1x128xf32>
    %add3A_22 = vector.broadcast %broadcast_in_dim3A_21 : vector<1x128xf32> to vector<2000x128xf32>
    %add3A_23 = arith.addf %dot_general3A_18, %add3A_22 : vector<2000x128xf32>
    %logistic3A_24 = arith.negf %add3A_23 : vector<2000x128xf32>
    %logistic3A_25 = math.exp %logistic3A_24 : vector<2000x128xf32>
    %logistic3A_26 = arith.constant 1.000000e+00 : f32
    %logistic3A_27 = vector.broadcast %logistic3A_26 : f32 to vector<2000x128xf32>
    %logistic3A_28 = arith.addf %logistic3A_27, %logistic3A_25 : vector<2000x128xf32>
    %logistic3A_29 = arith.divf %logistic3A_27, %logistic3A_28 : vector<2000x128xf32>
    %mul3A_30 = arith.mulf %add3A_23, %logistic3A_29 : vector<2000x128xf32>
    %get3A_31 = arith.constant 0 : index
    %get3A_32 = arith.constant 0 : index
    %get3A_33 = vector.load %arg2[%get3A_31, %get3A_32] : memref<2000x6xf32, #tpu.memory_space<vmem>>, vector<2000x6xf32>
    %get3A_34 = arith.constant 0 : index
    %get3A_35 = arith.constant 0 : index
    %get3A_36 = vector.load %arg7[%get3A_34, %get3A_35] : memref<6x128xf32, #tpu.memory_space<vmem>>, vector<6x128xf32>
    %dot_general3A_37 = arith.constant dense<0.000000e+00> : vector<2000x128xf32>
    %dot_general3A_38 = tpu.matmul %get3A_33, %get3A_36, %dot_general3A_37 {dimension_numbers = #tpu.dot_dimension_numbers<[1], [0], [0], [1], [0, 0, 1, 1], [], []>, transpose_lhs_hint = false} : vector<2000x6xf32>, vector<6x128xf32>, vector<2000x128xf32> -> vector<2000x128xf32>
    %mul3A_39 = arith.mulf %mul3A_30, %dot_general3A_38 : vector<2000x128xf32>
    %get3A_40 = arith.constant 0 : index
    %get3A_41 = arith.constant 0 : index
    %get3A_42 = vector.load %arg8[%get3A_40, %get3A_41] : memref<128x64xf32, #tpu.memory_space<vmem>>, vector<128x64xf32>
    %dot_general3A_43 = arith.constant dense<0.000000e+00> : vector<2000x64xf32>
    %dot_general3A_44 = tpu.matmul %mul3A_39, %get3A_42, %dot_general3A_43 {dimension_numbers = #tpu.dot_dimension_numbers<[1], [0], [0], [1], [0, 0, 1, 1], [], []>, transpose_lhs_hint = false} : vector<2000x128xf32>, vector<128x64xf32>, vector<2000x64xf32> -> vector<2000x64xf32>
    %logistic3A_45 = arith.negf %dot_general3A_44 : vector<2000x64xf32>
    %logistic3A_46 = math.exp %logistic3A_45 : vector<2000x64xf32>
    %logistic3A_47 = arith.constant 1.000000e+00 : f32
    %logistic3A_48 = vector.broadcast %logistic3A_47 : f32 to vector<2000x64xf32>
    %logistic3A_49 = arith.addf %logistic3A_48, %logistic3A_46 : vector<2000x64xf32>
    %logistic3A_50 = arith.divf %logistic3A_48, %logistic3A_49 : vector<2000x64xf32>
    %mul3A_51 = arith.mulf %dot_general3A_44, %logistic3A_50 : vector<2000x64xf32>
    %swap3A = arith.constant 0 : index
    %swap3A_52 = arith.constant 0 : index
    %swap3A_53 = vector.load %arg9[%swap3A, %swap3A_52] : memref<2000x128xf32, #tpu.memory_space<vmem>>, vector<2000x128xf32>
    tpu.vector_store %arg9[%swap3A, %swap3A_52], %mul3A {strides = array<i32>} : memref<2000x128xf32, #tpu.memory_space<vmem>>, vector<2000x128xf32>,
    %concatenate3A = tpu.concatenate %mul3A_51, %mul3A_51 in 1 : vector<2000x64xf32>, vector<2000x64xf32> -> vector<2000x128xf32>
    %swap3A_54 = arith.constant 0 : index
    %swap3A_55 = arith.constant 0 : index
    %swap3A_56 = vector.load %arg10[%swap3A_54, %swap3A_55] : memref<2000x128xf32, #tpu.memory_space<vmem>>, vector<2000x128xf32>
    tpu.vector_store %arg10[%swap3A_54, %swap3A_55], %concatenate3A {strides = array<i32>} : memref<2000x128xf32, #tpu.memory_space<vmem>>, vector<2000x128xf32>,
    return
  }
  func.func @transform_0(%arg0: i32) -> (i32, i32) {
    %c0_i32 = arith.constant 0 : i32
    %c0_i32_0 = arith.constant 0 : i32
    return %arg0, %c0_i32 : i32, i32
  }
  func.func @transform_1(%arg0: i32) -> (i32, i32) {
    %c0_i32 = arith.constant 0 : i32
    %c0_i32_0 = arith.constant 0 : i32
    return %arg0, %c0_i32 : i32, i32
  }
  func.func @transform_2(%arg0: i32) -> (i32, i32) {
    %c0_i32 = arith.constant 0 : i32
    %c0_i32_0 = arith.constant 0 : i32
    %c0_i32_1 = arith.constant 0 : i32
    return %c0_i32, %c0_i32_0 : i32, i32
  }
  func.func @transform_3(%arg0: i32) -> i32 {
    %c0_i32 = arith.constant 0 : i32
    %c0_i32_0 = arith.constant 0 : i32
    return %c0_i32 : i32
  }
  func.func @transform_4(%arg0: i32) -> (i32, i32) {
    %c0_i32 = arith.constant 0 : i32
    %c0_i32_0 = arith.constant 0 : i32
    %c0_i32_1 = arith.constant 0 : i32
    return %c0_i32, %c0_i32_0 : i32, i32
  }
  func.func @transform_5(%arg0: i32) -> i32 {
    %c0_i32 = arith.constant 0 : i32
    %c0_i32_0 = arith.constant 0 : i32
    return %c0_i32 : i32
  }
  func.func @transform_6(%arg0: i32) -> (i32, i32) {
    %c0_i32 = arith.constant 0 : i32
    %c0_i32_0 = arith.constant 0 : i32
    %c0_i32_1 = arith.constant 0 : i32
    return %c0_i32, %c0_i32_0 : i32, i32
  }
  func.func @transform_7(%arg0: i32) -> (i32, i32) {
    %c0_i32 = arith.constant 0 : i32
    %c0_i32_0 = arith.constant 0 : i32
    %c0_i32_1 = arith.constant 0 : i32
    return %c0_i32, %c0_i32_0 : i32, i32
  }
  func.func @transform_8(%arg0: i32) -> (i32, i32) {
    %c0_i32 = arith.constant 0 : i32
    %c0_i32_0 = arith.constant 0 : i32
    return %arg0, %c0_i32 : i32, i32
  }
  func.func @transform_9(%arg0: i32) -> (i32, i32) {
    %c0_i32 = arith.constant 0 : i32
    %c0_i32_0 = arith.constant 0 : i32
    return %arg0, %c0_i32 : i32, i32
  }
}

module attributes {stable_mosaic.version = 14 : i64} {
  func.func @_epilogue_body(%arg0: i32, %arg1: memref<2000x128xf32, #tpu.memory_space<vmem>>, %arg2: memref<2000x128xf32, #tpu.memory_space<vmem>>, %arg3: memref<2000x128xf32, #tpu.memory_space<vmem>>, %arg4: memref<2000x128xf32, #tpu.memory_space<vmem>>, %arg5: memref<128x128xf32, #tpu.memory_space<vmem>>, %arg6: memref<128x128xf32, #tpu.memory_space<vmem>>, %arg7: memref<128xf32, #tpu.memory_space<vmem>>, %arg8: memref<128x128xf32, #tpu.memory_space<vmem>>, %arg9: memref<128xf32, #tpu.memory_space<vmem>>, %arg10: memref<128x128xf32, #tpu.memory_space<vmem>>, %arg11: memref<128xf32, #tpu.memory_space<vmem>>, %arg12: memref<128x128xf32, #tpu.memory_space<vmem>>, %arg13: memref<128xf32, #tpu.memory_space<vmem>>, %arg14: memref<128x128xf32, #tpu.memory_space<vmem>>, %arg15: memref<128xf32, #tpu.memory_space<vmem>>, %arg16: memref<128x128xf32, #tpu.memory_space<vmem>>, %arg17: memref<128xf32, #tpu.memory_space<vmem>>, %arg18: memref<128x128xf32, #tpu.memory_space<vmem>>, %arg19: memref<128xf32, #tpu.memory_space<vmem>>, %arg20: memref<2000x128xf32, #tpu.memory_space<vmem>>) attributes {dimension_semantics = [#tpu.dimension_semantics<arbitrary>], iteration_bounds = array<i64: 160>, scalar_prefetch = 0 : i64, scratch_operands = 0 : i64, tpu.core_type = #tpu.core_type<tc>, window_params = [{transform_indices = @transform_0, window_bounds = array<i64: 2000, 128>}, {transform_indices = @transform_1, window_bounds = array<i64: 2000, 128>}, {transform_indices = @transform_2, window_bounds = array<i64: 2000, 128>}, {transform_indices = @transform_3, window_bounds = array<i64: 2000, 128>}, {pipeline_mode = #tpu.pipeline_mode<synchronous>, transform_indices = @transform_4, window_bounds = array<i64: 128, 128>}, {pipeline_mode = #tpu.pipeline_mode<synchronous>, transform_indices = @transform_5, window_bounds = array<i64: 128, 128>}, {pipeline_mode = #tpu.pipeline_mode<synchronous>, transform_indices = @transform_6, window_bounds = array<i64: 128>}, {pipeline_mode = #tpu.pipeline_mode<synchronous>, transform_indices = @transform_7, window_bounds = array<i64: 128, 128>}, {pipeline_mode = #tpu.pipeline_mode<synchronous>, transform_indices = @transform_8, window_bounds = array<i64: 128>}, {pipeline_mode = #tpu.pipeline_mode<synchronous>, transform_indices = @transform_9, window_bounds = array<i64: 128, 128>}, {pipeline_mode = #tpu.pipeline_mode<synchronous>, transform_indices = @transform_10, window_bounds = array<i64: 128>}, {pipeline_mode = #tpu.pipeline_mode<synchronous>, transform_indices = @transform_11, window_bounds = array<i64: 128, 128>}, {pipeline_mode = #tpu.pipeline_mode<synchronous>, transform_indices = @transform_12, window_bounds = array<i64: 128>}, {pipeline_mode = #tpu.pipeline_mode<synchronous>, transform_indices = @transform_13, window_bounds = array<i64: 128, 128>}, {pipeline_mode = #tpu.pipeline_mode<synchronous>, transform_indices = @transform_14, window_bounds = array<i64: 128>}, {pipeline_mode = #tpu.pipeline_mode<synchronous>, transform_indices = @transform_15, window_bounds = array<i64: 128, 128>}, {pipeline_mode = #tpu.pipeline_mode<synchronous>, transform_indices = @transform_16, window_bounds = array<i64: 128>}, {pipeline_mode = #tpu.pipeline_mode<synchronous>, transform_indices = @transform_17, window_bounds = array<i64: 128, 128>}, {pipeline_mode = #tpu.pipeline_mode<synchronous>, transform_indices = @transform_18, window_bounds = array<i64: 128>}, {transform_indices = @transform_19, window_bounds = array<i64: 2000, 128>}]} {
    %get3A = arith.constant 0 : index
    %get3A_0 = arith.constant 0 : index
    %get3A_1 = vector.load %arg1[%get3A, %get3A_0] : memref<2000x128xf32, #tpu.memory_space<vmem>>, vector<2000x128xf32>
    %get3A_2 = arith.constant 0 : index
    %get3A_3 = arith.constant 0 : index
    %get3A_4 = vector.load %arg2[%get3A_2, %get3A_3] : memref<2000x128xf32, #tpu.memory_space<vmem>>, vector<2000x128xf32>
    %add3A = arith.addf %get3A_1, %get3A_4 : vector<2000x128xf32>
    %get3A_5 = arith.constant 0 : index
    %get3A_6 = arith.constant 0 : index
    %get3A_7 = vector.load %arg5[%get3A_5, %get3A_6] : memref<128x128xf32, #tpu.memory_space<vmem>>, vector<128x128xf32>
    %dot_general3A = arith.constant dense<0.000000e+00> : vector<2000x128xf32>
    %dot_general3A_8 = tpu.matmul %add3A, %get3A_7, %dot_general3A {dimension_numbers = #tpu.dot_dimension_numbers<[1], [0], [0], [1], [0, 0, 1, 1], [], []>, transpose_lhs_hint = false} : vector<2000x128xf32>, vector<128x128xf32>, vector<2000x128xf32> -> vector<2000x128xf32>
    %logistic3A = arith.negf %dot_general3A_8 : vector<2000x128xf32>
    %logistic3A_9 = math.exp %logistic3A : vector<2000x128xf32>
    %logistic3A_10 = arith.constant 1.000000e+00 : f32
    %logistic3A_11 = vector.broadcast %logistic3A_10 : f32 to vector<2000x128xf32>
    %logistic3A_12 = arith.addf %logistic3A_11, %logistic3A_9 : vector<2000x128xf32>
    %logistic3A_13 = arith.divf %logistic3A_11, %logistic3A_12 : vector<2000x128xf32>
    %mul3A = arith.mulf %dot_general3A_8, %logistic3A_13 : vector<2000x128xf32>
    %get3A_14 = arith.constant 0 : index
    %get3A_15 = arith.constant 0 : index
    %get3A_16 = vector.load %arg3[%get3A_14, %get3A_15] : memref<2000x128xf32, #tpu.memory_space<vmem>>, vector<2000x128xf32>
    %add3A_17 = arith.addf %get3A_16, %mul3A : vector<2000x128xf32>
    %get3A_18 = arith.constant 0 : index
    %get3A_19 = arith.constant 0 : index
    %get3A_20 = vector.load %arg6[%get3A_18, %get3A_19] : memref<128x128xf32, #tpu.memory_space<vmem>>, vector<128x128xf32>
    %get3A_21 = arith.constant 0 : index
    %get3A_22 = vector.load %arg7[%get3A_21] : memref<128xf32, #tpu.memory_space<vmem>>, vector<128xf32>
    %get3A_23 = arith.constant 0 : index
    %get3A_24 = arith.constant 0 : index
    %get3A_25 = vector.load %arg8[%get3A_23, %get3A_24] : memref<128x128xf32, #tpu.memory_space<vmem>>, vector<128x128xf32>
    %get3A_26 = arith.constant 0 : index
    %get3A_27 = vector.load %arg9[%get3A_26] : memref<128xf32, #tpu.memory_space<vmem>>, vector<128xf32>
    %dot_general3A_28 = arith.constant dense<0.000000e+00> : vector<2000x128xf32>
    %dot_general3A_29 = tpu.matmul %add3A_17, %get3A_20, %dot_general3A_28 {dimension_numbers = #tpu.dot_dimension_numbers<[1], [0], [0], [1], [0, 0, 1, 1], [], []>, transpose_lhs_hint = false} : vector<2000x128xf32>, vector<128x128xf32>, vector<2000x128xf32> -> vector<2000x128xf32>
    %broadcast_in_dim3A = vector.shape_cast %get3A_22 : vector<128xf32> to vector<1x128xf32>
    %add3A_30 = vector.broadcast %broadcast_in_dim3A : vector<1x128xf32> to vector<2000x128xf32>
    %add3A_31 = arith.addf %dot_general3A_29, %add3A_30 : vector<2000x128xf32>
    %logistic3A_32 = arith.negf %add3A_31 : vector<2000x128xf32>
    %logistic3A_33 = math.exp %logistic3A_32 : vector<2000x128xf32>
    %logistic3A_34 = arith.constant 1.000000e+00 : f32
    %logistic3A_35 = vector.broadcast %logistic3A_34 : f32 to vector<2000x128xf32>
    %logistic3A_36 = arith.addf %logistic3A_35, %logistic3A_33 : vector<2000x128xf32>
    %logistic3A_37 = arith.divf %logistic3A_35, %logistic3A_36 : vector<2000x128xf32>
    %mul3A_38 = arith.mulf %add3A_31, %logistic3A_37 : vector<2000x128xf32>
    %dot_general3A_39 = arith.constant dense<0.000000e+00> : vector<2000x128xf32>
    %dot_general3A_40 = tpu.matmul %mul3A_38, %get3A_25, %dot_general3A_39 {dimension_numbers = #tpu.dot_dimension_numbers<[1], [0], [0], [1], [0, 0, 1, 1], [], []>, transpose_lhs_hint = false} : vector<2000x128xf32>, vector<128x128xf32>, vector<2000x128xf32> -> vector<2000x128xf32>
    %broadcast_in_dim3A_41 = vector.shape_cast %get3A_27 : vector<128xf32> to vector<1x128xf32>
    %add3A_42 = vector.broadcast %broadcast_in_dim3A_41 : vector<1x128xf32> to vector<2000x128xf32>
    %add3A_43 = arith.addf %dot_general3A_40, %add3A_42 : vector<2000x128xf32>
    %logistic3A_44 = arith.negf %add3A_43 : vector<2000x128xf32>
    %logistic3A_45 = math.exp %logistic3A_44 : vector<2000x128xf32>
    %logistic3A_46 = arith.constant 1.000000e+00 : f32
    %logistic3A_47 = vector.broadcast %logistic3A_46 : f32 to vector<2000x128xf32>
    %logistic3A_48 = arith.addf %logistic3A_47, %logistic3A_45 : vector<2000x128xf32>
    %logistic3A_49 = arith.divf %logistic3A_47, %logistic3A_48 : vector<2000x128xf32>
    %mul3A_50 = arith.mulf %add3A_43, %logistic3A_49 : vector<2000x128xf32>
    %add3A_51 = arith.addf %add3A_17, %mul3A_50 : vector<2000x128xf32>
    %get3A_52 = arith.constant 0 : index
    %get3A_53 = arith.constant 0 : index
    %get3A_54 = vector.load %arg10[%get3A_52, %get3A_53] : memref<128x128xf32, #tpu.memory_space<vmem>>, vector<128x128xf32>
    %dot_general3A_55 = arith.constant dense<0.000000e+00> : vector<2000x128xf32>
    %dot_general3A_56 = tpu.matmul %add3A_51, %get3A_54, %dot_general3A_55 {dimension_numbers = #tpu.dot_dimension_numbers<[1], [0], [0], [1], [0, 0, 1, 1], [], []>, transpose_lhs_hint = false} : vector<2000x128xf32>, vector<128x128xf32>, vector<2000x128xf32> -> vector<2000x128xf32>
    %get3A_57 = arith.constant 0 : index
    %get3A_58 = vector.load %arg11[%get3A_57] : memref<128xf32, #tpu.memory_space<vmem>>, vector<128xf32>
    %broadcast_in_dim3A_59 = vector.shape_cast %get3A_58 : vector<128xf32> to vector<1x128xf32>
    %add3A_60 = vector.broadcast %broadcast_in_dim3A_59 : vector<1x128xf32> to vector<2000x128xf32>
    %add3A_61 = arith.addf %dot_general3A_56, %add3A_60 : vector<2000x128xf32>
    %logistic3A_62 = arith.negf %add3A_61 : vector<2000x128xf32>
    %logistic3A_63 = math.exp %logistic3A_62 : vector<2000x128xf32>
    %logistic3A_64 = arith.constant 1.000000e+00 : f32
    %logistic3A_65 = vector.broadcast %logistic3A_64 : f32 to vector<2000x128xf32>
    %logistic3A_66 = arith.addf %logistic3A_65, %logistic3A_63 : vector<2000x128xf32>
    %logistic3A_67 = arith.divf %logistic3A_65, %logistic3A_66 : vector<2000x128xf32>
    %mul3A_68 = arith.mulf %add3A_61, %logistic3A_67 : vector<2000x128xf32>
    %get3A_69 = arith.constant 0 : index
    %get3A_70 = arith.constant 0 : index
    %get3A_71 = vector.load %arg4[%get3A_69, %get3A_70] : memref<2000x128xf32, #tpu.memory_space<vmem>>, vector<2000x128xf32>
    %add3A_72 = arith.addf %mul3A_68, %get3A_71 : vector<2000x128xf32>
    %get3A_73 = arith.constant 0 : index
    %get3A_74 = arith.constant 0 : index
    %get3A_75 = vector.load %arg12[%get3A_73, %get3A_74] : memref<128x128xf32, #tpu.memory_space<vmem>>, vector<128x128xf32>
    %get3A_76 = arith.constant 0 : index
    %get3A_77 = vector.load %arg13[%get3A_76] : memref<128xf32, #tpu.memory_space<vmem>>, vector<128xf32>
    %get3A_78 = arith.constant 0 : index
    %get3A_79 = arith.constant 0 : index
    %get3A_80 = vector.load %arg14[%get3A_78, %get3A_79] : memref<128x128xf32, #tpu.memory_space<vmem>>, vector<128x128xf32>
    %get3A_81 = arith.constant 0 : index
    %get3A_82 = vector.load %arg15[%get3A_81] : memref<128xf32, #tpu.memory_space<vmem>>, vector<128xf32>
    %dot_general3A_83 = arith.constant dense<0.000000e+00> : vector<2000x128xf32>
    %dot_general3A_84 = tpu.matmul %add3A_72, %get3A_75, %dot_general3A_83 {dimension_numbers = #tpu.dot_dimension_numbers<[1], [0], [0], [1], [0, 0, 1, 1], [], []>, transpose_lhs_hint = false} : vector<2000x128xf32>, vector<128x128xf32>, vector<2000x128xf32> -> vector<2000x128xf32>
    %broadcast_in_dim3A_85 = vector.shape_cast %get3A_77 : vector<128xf32> to vector<1x128xf32>
    %add3A_86 = vector.broadcast %broadcast_in_dim3A_85 : vector<1x128xf32> to vector<2000x128xf32>
    %add3A_87 = arith.addf %dot_general3A_84, %add3A_86 : vector<2000x128xf32>
    %logistic3A_88 = arith.negf %add3A_87 : vector<2000x128xf32>
    %logistic3A_89 = math.exp %logistic3A_88 : vector<2000x128xf32>
    %logistic3A_90 = arith.constant 1.000000e+00 : f32
    %logistic3A_91 = vector.broadcast %logistic3A_90 : f32 to vector<2000x128xf32>
    %logistic3A_92 = arith.addf %logistic3A_91, %logistic3A_89 : vector<2000x128xf32>
    %logistic3A_93 = arith.divf %logistic3A_91, %logistic3A_92 : vector<2000x128xf32>
    %mul3A_94 = arith.mulf %add3A_87, %logistic3A_93 : vector<2000x128xf32>
    %dot_general3A_95 = arith.constant dense<0.000000e+00> : vector<2000x128xf32>
    %dot_general3A_96 = tpu.matmul %mul3A_94, %get3A_80, %dot_general3A_95 {dimension_numbers = #tpu.dot_dimension_numbers<[1], [0], [0], [1], [0, 0, 1, 1], [], []>, transpose_lhs_hint = false} : vector<2000x128xf32>, vector<128x128xf32>, vector<2000x128xf32> -> vector<2000x128xf32>
    %broadcast_in_dim3A_97 = vector.shape_cast %get3A_82 : vector<128xf32> to vector<1x128xf32>
    %add3A_98 = vector.broadcast %broadcast_in_dim3A_97 : vector<1x128xf32> to vector<2000x128xf32>
    %add3A_99 = arith.addf %dot_general3A_96, %add3A_98 : vector<2000x128xf32>
    %logistic3A_100 = arith.negf %add3A_99 : vector<2000x128xf32>
    %logistic3A_101 = math.exp %logistic3A_100 : vector<2000x128xf32>
    %logistic3A_102 = arith.constant 1.000000e+00 : f32
    %logistic3A_103 = vector.broadcast %logistic3A_102 : f32 to vector<2000x128xf32>
    %logistic3A_104 = arith.addf %logistic3A_103, %logistic3A_101 : vector<2000x128xf32>
    %logistic3A_105 = arith.divf %logistic3A_103, %logistic3A_104 : vector<2000x128xf32>
    %mul3A_106 = arith.mulf %add3A_99, %logistic3A_105 : vector<2000x128xf32>
    %add3A_107 = arith.addf %add3A_72, %mul3A_106 : vector<2000x128xf32>
    %get3A_108 = arith.constant 0 : index
    %get3A_109 = arith.constant 0 : index
    %get3A_110 = vector.load %arg16[%get3A_108, %get3A_109] : memref<128x128xf32, #tpu.memory_space<vmem>>, vector<128x128xf32>
    %get3A_111 = arith.constant 0 : index
    %get3A_112 = vector.load %arg17[%get3A_111] : memref<128xf32, #tpu.memory_space<vmem>>, vector<128xf32>
    %get3A_113 = arith.constant 0 : index
    %get3A_114 = arith.constant 0 : index
    %get3A_115 = vector.load %arg18[%get3A_113, %get3A_114] : memref<128x128xf32, #tpu.memory_space<vmem>>, vector<128x128xf32>
    %get3A_116 = arith.constant 0 : index
    %get3A_117 = vector.load %arg19[%get3A_116] : memref<128xf32, #tpu.memory_space<vmem>>, vector<128xf32>
    %dot_general3A_118 = arith.constant dense<0.000000e+00> : vector<2000x128xf32>
    %dot_general3A_119 = tpu.matmul %add3A_107, %get3A_110, %dot_general3A_118 {dimension_numbers = #tpu.dot_dimension_numbers<[1], [0], [0], [1], [0, 0, 1, 1], [], []>, transpose_lhs_hint = false} : vector<2000x128xf32>, vector<128x128xf32>, vector<2000x128xf32> -> vector<2000x128xf32>
    %broadcast_in_dim3A_120 = vector.shape_cast %get3A_112 : vector<128xf32> to vector<1x128xf32>
    %add3A_121 = vector.broadcast %broadcast_in_dim3A_120 : vector<1x128xf32> to vector<2000x128xf32>
    %add3A_122 = arith.addf %dot_general3A_119, %add3A_121 : vector<2000x128xf32>
    %logistic3A_123 = arith.negf %add3A_122 : vector<2000x128xf32>
    %logistic3A_124 = math.exp %logistic3A_123 : vector<2000x128xf32>
    %logistic3A_125 = arith.constant 1.000000e+00 : f32
    %logistic3A_126 = vector.broadcast %logistic3A_125 : f32 to vector<2000x128xf32>
    %logistic3A_127 = arith.addf %logistic3A_126, %logistic3A_124 : vector<2000x128xf32>
    %logistic3A_128 = arith.divf %logistic3A_126, %logistic3A_127 : vector<2000x128xf32>
    %mul3A_129 = arith.mulf %add3A_122, %logistic3A_128 : vector<2000x128xf32>
    %dot_general3A_130 = arith.constant dense<0.000000e+00> : vector<2000x128xf32>
    %dot_general3A_131 = tpu.matmul %mul3A_129, %get3A_115, %dot_general3A_130 {dimension_numbers = #tpu.dot_dimension_numbers<[1], [0], [0], [1], [0, 0, 1, 1], [], []>, transpose_lhs_hint = false} : vector<2000x128xf32>, vector<128x128xf32>, vector<2000x128xf32> -> vector<2000x128xf32>
    %broadcast_in_dim3A_132 = vector.shape_cast %get3A_117 : vector<128xf32> to vector<1x128xf32>
    %add3A_133 = vector.broadcast %broadcast_in_dim3A_132 : vector<1x128xf32> to vector<2000x128xf32>
    %add3A_134 = arith.addf %dot_general3A_131, %add3A_133 : vector<2000x128xf32>
    %logistic3A_135 = arith.negf %add3A_134 : vector<2000x128xf32>
    %logistic3A_136 = math.exp %logistic3A_135 : vector<2000x128xf32>
    %logistic3A_137 = arith.constant 1.000000e+00 : f32
    %logistic3A_138 = vector.broadcast %logistic3A_137 : f32 to vector<2000x128xf32>
    %logistic3A_139 = arith.addf %logistic3A_138, %logistic3A_136 : vector<2000x128xf32>
    %logistic3A_140 = arith.divf %logistic3A_138, %logistic3A_139 : vector<2000x128xf32>
    %mul3A_141 = arith.mulf %add3A_134, %logistic3A_140 : vector<2000x128xf32>
    %add3A_142 = arith.addf %add3A_107, %mul3A_141 : vector<2000x128xf32>
    %swap3A = arith.constant 0 : index
    %swap3A_143 = arith.constant 0 : index
    %swap3A_144 = vector.load %arg20[%swap3A, %swap3A_143] : memref<2000x128xf32, #tpu.memory_space<vmem>>, vector<2000x128xf32>
    tpu.vector_store %arg20[%swap3A, %swap3A_143], %add3A_142 {strides = array<i32>} : memref<2000x128xf32, #tpu.memory_space<vmem>>, vector<2000x128xf32>,
    return
  }
  func.func @transform_0(%arg0: i32) -> (i32, i32) {
    %c0_i32 = arith.constant 0 : i32
    %c0_i32_0 = arith.constant 0 : i32
    return %arg0, %c0_i32 : i32, i32
  }
  func.func @transform_1(%arg0: i32) -> (i32, i32) {
    %c0_i32 = arith.constant 0 : i32
    %c0_i32_0 = arith.constant 0 : i32
    return %arg0, %c0_i32 : i32, i32
  }
  func.func @transform_2(%arg0: i32) -> (i32, i32) {
    %c0_i32 = arith.constant 0 : i32
    %c0_i32_0 = arith.constant 0 : i32
    return %arg0, %c0_i32 : i32, i32
  }
  func.func @transform_3(%arg0: i32) -> (i32, i32) {
    %c0_i32 = arith.constant 0 : i32
    %c0_i32_0 = arith.constant 0 : i32
    return %arg0, %c0_i32 : i32, i32
  }
  func.func @transform_4(%arg0: i32) -> (i32, i32) {
    %c0_i32 = arith.constant 0 : i32
    %c0_i32_0 = arith.constant 0 : i32
    %c0_i32_1 = arith.constant 0 : i32
    return %c0_i32, %c0_i32_0 : i32, i32
  }
  func.func @transform_5(%arg0: i32) -> (i32, i32) {
    %c0_i32 = arith.constant 0 : i32
    %c0_i32_0 = arith.constant 0 : i32
    %c0_i32_1 = arith.constant 0 : i32
    return %c0_i32, %c0_i32_0 : i32, i32
  }
  func.func @transform_6(%arg0: i32) -> i32 {
    %c0_i32 = arith.constant 0 : i32
    %c0_i32_0 = arith.constant 0 : i32
    return %c0_i32 : i32
  }
  func.func @transform_7(%arg0: i32) -> (i32, i32) {
    %c0_i32 = arith.constant 0 : i32
    %c0_i32_0 = arith.constant 0 : i32
    %c0_i32_1 = arith.constant 0 : i32
    return %c0_i32, %c0_i32_0 : i32, i32
  }
  func.func @transform_8(%arg0: i32) -> i32 {
    %c0_i32 = arith.constant 0 : i32
    %c0_i32_0 = arith.constant 0 : i32
    return %c0_i32 : i32
  }
  func.func @transform_9(%arg0: i32) -> (i32, i32) {
    %c0_i32 = arith.constant 0 : i32
    %c0_i32_0 = arith.constant 0 : i32
    %c0_i32_1 = arith.constant 0 : i32
    return %c0_i32, %c0_i32_0 : i32, i32
  }
  func.func @transform_10(%arg0: i32) -> i32 {
    %c0_i32 = arith.constant 0 : i32
    %c0_i32_0 = arith.constant 0 : i32
    return %c0_i32 : i32
  }
  func.func @transform_11(%arg0: i32) -> (i32, i32) {
    %c0_i32 = arith.constant 0 : i32
    %c0_i32_0 = arith.constant 0 : i32
    %c0_i32_1 = arith.constant 0 : i32
    return %c0_i32, %c0_i32_0 : i32, i32
  }
  func.func @transform_12(%arg0: i32) -> i32 {
    %c0_i32 = arith.constant 0 : i32
    %c0_i32_0 = arith.constant 0 : i32
    return %c0_i32 : i32
  }
  func.func @transform_13(%arg0: i32) -> (i32, i32) {
    %c0_i32 = arith.constant 0 : i32
    %c0_i32_0 = arith.constant 0 : i32
    %c0_i32_1 = arith.constant 0 : i32
    return %c0_i32, %c0_i32_0 : i32, i32
  }
  func.func @transform_14(%arg0: i32) -> i32 {
    %c0_i32 = arith.constant 0 : i32
    %c0_i32_0 = arith.constant 0 : i32
    return %c0_i32 : i32
  }
  func.func @transform_15(%arg0: i32) -> (i32, i32) {
    %c0_i32 = arith.constant 0 : i32
    %c0_i32_0 = arith.constant 0 : i32
    %c0_i32_1 = arith.constant 0 : i32
    return %c0_i32, %c0_i32_0 : i32, i32
  }
  func.func @transform_16(%arg0: i32) -> i32 {
    %c0_i32 = arith.constant 0 : i32
    %c0_i32_0 = arith.constant 0 : i32
    return %c0_i32 : i32
  }
  func.func @transform_17(%arg0: i32) -> (i32, i32) {
    %c0_i32 = arith.constant 0 : i32
    %c0_i32_0 = arith.constant 0 : i32
    %c0_i32_1 = arith.constant 0 : i32
    return %c0_i32, %c0_i32_0 : i32, i32
  }
  func.func @transform_18(%arg0: i32) -> i32 {
    %c0_i32 = arith.constant 0 : i32
    %c0_i32_0 = arith.constant 0 : i32
    return %c0_i32 : i32
  }
  func.func @transform_19(%arg0: i32) -> (i32, i32) {
    %c0_i32 = arith.constant 0 : i32
    %c0_i32_0 = arith.constant 0 : i32
    return %arg0, %c0_i32 : i32, i32
  }
}

</mosaic_0001>

<sc_bundles>
// kernel: kernel.6.cloned.1.call-start
scs
__scs_entry_jumppad:
0x0: {  	(pc) =	sbr.rel $0x88, $3  }
0x1: {  	(tag) =	ssettag $0x0;
	lr =	simm.s32 $0x1  }
0x2: {  	[smem:$0x3F84] =	sst lr;
	_ =	strace $0xD0000000  }
0x3: {  	_ = 	snop  }
0x4: {  	_ = 	snop  }
0x5: {  	_ = 	snop  }
0x6: {  	_ = 	snop  }
0x7: {  	_ = 	snop  }
__scs_overlays_trampoline_lowered:
0x8: {  	[smem:$0x3F93] =	sst s0  }
0x9: {  	[smem:$0x3F94] =	sst s1  }
0xa: {  	[smem:$0x3F95] =	sst s2  }
0xb: {  	[smem:$0x3F96] =	sst s3  }
0xc: {  	[smem:$0x3F97] =	sst s4  }
0xd: {  	[smem:$0x3F98] =	sst s5  }
0xe: {  	[smem:$0x3F99] =	sst s6  }
0xf: {  	[smem:$0x3F9A] =	sst s7  }
0x10: {  	[smem:$0x3F9B] =	sst s8  }
0x11: {  	[smem:$0x3F9C] =	sst s9;
	s0 =	simm.s32 @!p0 $0x0  }
0x12: {  	s1 =	sld [smem:$0x3F82];
	s0 =	simm.s32 @p0 $0x1  }
0x13: {  	[smem:$0x3F9D] =	sst s0;
	s0 =	simm.s32 @!p1 $0x0  }
0x14: {  	s2 =	sld [smem:$0x3F81];
	s0 =	simm.s32 @p1 $0x1  }
0x15: {  	[smem:$0x3F9E] =	sst s0;
	s0 =	simm.s32 @!p2 $0x0  }
0x16: {  	s3 =	sld [smem:$0x3FDB];
	s0 =	simm.s32 @p2 $0x1  }
0x17: {  	s4 =	simm.s32 $0x1BF5;
	[smem:$0x3FA0] =	sst s0  }
0x18: {  	s0 =	sld [smem:$0x3F83];
	_ =	swait.ge [sflag:s4], $0x0  }
0x19: {  	s7 =	sld [smem:$0x3F84]  }
0x1a: {  	s8 =	sadd.s32 $0xFFFFE003, lr  }
0x1b: {  	s9 =	sadd.s32 $0xFFFFFEF7, lr;
	s5 =	simm.s32 $0xFFFFFFFF;
	p2 =	slt.u32 s8, $0xFFFFF086  }
0x1c: {  	p1 =	slt.u32 s9, $0xF7A;
	s5 =	simm.s32 @!p2 $0x0  }
0x1d: {  	s5 =	simm.s32 @p1 $0x1;
	p0 =	seq.s32 s7, s2  }
0x1e: {  	s7 =	smul.u32 @!p0 $0xF7A, s2;
	p2 =	seq.s32 @!p0 s5, $0x0  }
0x1f: {  	s9 =	smul.u32 $0xF7A, s1;
	s8 =	simm.s32 @!p0 $0x1BF5;
	p2 =	por !p2, p0  }
0x20: {  	[sflag:s8] =	ssyncset.s32 @!p0 $0xFFFFF086;
	s6 =	sadd.s32 @!p0 s3, s7;
	s7 =	simm.s32 @!p0 $0x108  }
0x21: {  	s3 =	sadd.s32 s3, s9;
	s6 =	sadd.s32 @!p0 $0x88, s6;
	s7 =	simm.s32 @p2 $0x1082  }
0x22: {  	[simem:s7], [sflag:s8] =	dma.local @!p0 [hbm:s6], $0xF7A  }
0x23: {  	s9 =	sor.u32 $0xD0000000, s2;
	s6 =	simm.s32 $0x108;
	_ =	swait.ge @!p0 [sflag:s8], $0x0  }
0x24: {  	s3 =	sadd.s32 $0x88, s3;
	s6 =	simm.s32 @!p1 $0x1082;
	[sflag:s4] =	ssyncset.s32 $0xFFFFF086  }
0x25: {  	[simem:s6], [sflag:s4] =	dma.local [hbm:s3], $0xF7A  }
0x26: {  	[smem:$0x3F84] =	sst s1;
	(tag) =	ssettag s2;
	_ =	strace s9  }
0x27: {  	s1 =	sld [smem:$0x3F94]  }
0x28: {  	s2 =	sld [smem:$0x3F95]  }
0x29: {  	s4 =	sld [smem:$0x3F97]  }
0x2a: {  	p0 =	seq.s32 s5, $0x0;
	s5 =	sld [smem:$0x3F98]  }
0x2b: {  	s6 =	sld [smem:$0x3F99]  }
0x2c: {  	s7 =	sld [smem:$0x3F9A]  }
0x2d: {  	s3 =	simm.s32 $0x108;
	s8 =	sld [smem:$0x3F9B]  }
0x2e: {  	s3 =	simm.s32 @!p0 $0x1082;
	s9 =	sld [smem:$0x3F9C]  }
0x2f: {  	lr =	sadd.s32 s0, s3;
	s0 =	sld [smem:$0x3F93]  }
0x30: {  	s3 =	sld [smem:$0x3F96]  }
0x31: {  	[smem:$0x3F9F] =	sst s10  }
0x32: {  	s10 =	sld [smem:$0x3F9D];
	_ =	sdelay $0x3  }
0x33: {  	p0 =	seq.s32 s10, $0x1;
	s10 =	sld [smem:$0x3F9F];
	_ =	sdelay $0x3  }
0x34: {  	[smem:$0x3F9F] =	sst s10  }
0x35: {  	s10 =	sld [smem:$0x3F9E];
	_ =	sdelay $0x3  }
0x36: {  	p1 =	seq.s32 s10, $0x1;
	s10 =	sld [smem:$0x3F9F];
	_ =	sdelay $0x3  }
0x37: {  	[smem:$0x3F9F] =	sst s10  }
0x38: {  	s10 =	sld [smem:$0x3FA0]  }
0x39: {  	_ = 	snop;
	(pc) =	sbr.ind lr, $3  }
0x3a: {  	_ = 	snop  }
0x3b: {  	_ = 	snop  }
0x3c: {  	p2 =	seq.s32 s10, $0x1;
	s10 =	sld [smem:$0x3F9F]  }
0x3d: {  	_ =	shalt  }
0x3e: {  	_ =	shalt  }
0x3f: {  	_ =	shalt  }
0x40: {  	_ =	shalt  }
0x41: {  	_ =	shalt  }
0x42: {  	_ =	shalt  }
0x43: {  	_ =	shalt  }
0x44: {  	_ =	shalt  }
0x45: {  	_ =	shalt  }
0x46: {  	_ =	shalt  }
0x47: {  	_ =	shalt  }
0x48: {  	_ =	shalt  }
0x49: {  	_ =	shalt  }
0x4a: {  	_ =	shalt  }
0x4b: {  	_ =	shalt  }
0x4c: {  	_ =	shalt  }
0x4d: {  	_ =	shalt  }
0x4e: {  	_ =	shalt  }
0x4f: {  	_ =	shalt  }
0x50: {  	_ =	shalt  }
0x51: {  	_ =	shalt  }
0x52: {  	_ =	shalt  }
0x53: {  	_ =	shalt  }
0x54: {  	_ =	shalt  }
0x55: {  	_ =	shalt  }
0x56: {  	_ =	shalt  }
0x57: {  	_ =	shalt  }
0x58: {  	_ =	shalt  }
0x59: {  	_ =	shalt  }
0x5a: {  	_ =	shalt  }
0x5b: {  	_ =	shalt  }
0x5c: {  	_ =	shalt  }
0x5d: {  	_ =	shalt  }
0x5e: {  	_ =	shalt  }
0x5f: {  	_ =	shalt  }
0x60: {  	_ =	shalt  }
0x61: {  	_ =	shalt  }
0x62: {  	_ =	shalt  }
0x63: {  	_ =	shalt  }
0x64: {  	_ =	shalt  }
0x65: {  	_ =	shalt  }
0x66: {  	_ =	shalt  }
0x67: {  	_ =	shalt  }
0x68: {  	_ =	shalt  }
0x69: {  	_ =	shalt  }
0x6a: {  	_ =	shalt  }
0x6b: {  	_ =	shalt  }
0x6c: {  	_ =	shalt  }
0x6d: {  	_ =	shalt  }
0x6e: {  	_ =	shalt  }
0x6f: {  	_ =	shalt  }
0x70: {  	_ =	shalt  }
0x71: {  	_ =	shalt  }
0x72: {  	_ =	shalt  }
0x73: {  	_ =	shalt  }
0x74: {  	_ =	shalt  }
0x75: {  	_ =	shalt  }
0x76: {  	_ =	shalt  }
0x77: {  	_ =	shalt  }
0x78: {  	_ =	shalt  }
0x79: {  	_ =	shalt  }
0x7a: {  	_ =	shalt  }
0x7b: {  	_ =	shalt  }
0x7c: {  	_ =	shalt  }
0x7d: {  	_ =	shalt  }
0x7e: {  	_ =	shalt  }
0x7f: {  	_ =	shalt  }
0x80: {  	_ =	shalt  }
0x81: {  	_ =	shalt  }
0x82: {  	_ =	shalt  }
0x83: {  	_ =	shalt  }
0x84: {  	_ =	shalt  }
0x85: {  	_ =	shalt  }
0x86: {  	_ =	shalt  }
0x87: {  	_ =	shalt  }
.Lfunc_end0:
.L_simem_size_0:
called_computation_lowered:
.L_overlay_start_0:
0x88: {  	s2 =	sld [smem:$0x3FD9]  }
0x89: {  	s3 =	sld [smem:$0x3FFE];
	_ =	sdelay $0x1  }
0x8a: {  	s1 =	srdreg.scid  }
0x8b: {  	s0 =	sand.u32 $0x1, s1  }
0x8c: {  	s17 =	sshll.u32 s0, $0xA;
	s2 =	sadd.s32 s3, s2  }
0x8d: {  	s2 =	sadd.s32 s2, s17  }
0x8e: {  	[smem:$0x3FAB] =	sst s2  }
0x8f: {  	_ = 	snop  }
0x90: {  	s2 =	sld [smem:$0x3FC6]  }
0x91: {  	s18 =	sld [smem:$0x3FC5];
	(tm) =	ssettm $0x1  }
0x92: {  	s4 =	sld [smem:$0x3FFB];
	_ =	sdelay $0x3  }
0x93: {  	_ =	strace s4  }
0x94: {  	s4 =	sld [smem:$0x3FFC];
	_ =	sdelay $0x3  }
0x95: {  	_ =	strace s4  }
0x96: {  	s4 =	sld [smem:$0x3FFD];
	_ =	sdelay $0x3  }
0x97: {  	_ =	strace s4  }
0x98: {  	_ =	strace $0x8FFFFFFF  }
0x99: {  	s19 =	sld [smem:$0x3FDB];
	_ =	sdelay $0x1  }
0x9a: {  	s5 =	simm.s32 $_scs_section_size  }
0x9b: {  	s6 =	simm.s32 $_size__tile_overlayer_lowered;
	s7 =	simm.s32 $_tile_overlayer_lowered  }
0x9c: {  	s22 =	simm.s32 $0x1BFF;
	s21 =	sshll.u32 s7, $0x1;
	s4 =	sadd.s32 s5, s19  }
0x9d: {  	s8 =	simm.s32 $0x0;
	s20 =	sshll.u32 s6, $0x1;
	s6 =	sadd.s32 s21, s4  }
0x9e: {  	[timem:s8], [sflag:s22] =	dma.local [hbm:s6], s20  }
0x9f: {  	_ =	swait.ge [sflag:s22], s20  }
0xa0: {  	s5 =	ssub.s32 $0x0, s20;
	[sflag:s22] =	ssyncset.done $0x0  }
0xa1: {  	[sflag:s22] =	ssyncadd.s32 s5;
	_ =	sdelay $0x1  }
0xa2: {  	s23 =	simm.s32 $0x1B8B  }
0xa3: {  	_ =	swait.ge [sflag:s23], $0x1  }
0xa4: {  	[sflag:s23] =	ssyncset.done $0x0  }
0xa5: {  	s25 =	simm.s32 $0x1B8E;
	s24 =	sld [smem:$0x3FFE];
	[sflag:s23] =	ssyncadd.s32 $0xFFFFFFFF  }
0xa6: {  	s26 =	simm.s32 $execute0_lowered;
	[smem:$0x3FD2] =	sst s25  }
0xa7: {  	s6 =	sshll.u32 s26, $0x1;
	_ =	strace $0x80000046;
	[dreg:$0x1] =	wrdreg $0xFFFFFFFF  }
0xa8: {  	s28 =	simm.s32 $_size_execute0_lowered;
	s4 =	sadd.s32 s4, s6;
	[dreg:$0x0] =	wrdreg $0x0  }
0xa9: {  	s6 =	sshll.u32 s28, $0x1;
	[dreg:$0x2] =	wrdreg s4  }
0xaa: {  	[dreg:$0x3] =	wrdreg s6  }
0xab: {  	[dreg:$0x4] =	wrdreg $0xC0  }
0xac: {  	_ =	task [dreg:s8], $0x5FFFF  }
0xad: {  	[dreg:$0x1] =	wrdreg $0xFFFFFFFF  }
0xae: {  	[dreg:$0x0] =	wrdreg $0x60  }
0xaf: {  	[dreg:$0x2] =	wrdreg s24  }
0xb0: {  	[dreg:$0x3] =	wrdreg s2  }
0xb1: {  	[dreg:$0x4] =	wrdreg s18  }
0xb2: {  	[dreg:$0x5] =	wrdreg $0x1AD600  }
0xb3: {  	[dreg:$0x6] =	wrdreg $0x9  }
0xb4: {  	_ =	task.clear_ibuf [dreg:s8], $0x7FFFF;
	_ =	strace $0x90000046  }
0xb5: {  	s29 =	simm.s32 $0x9;
	_ =	strace $0x80000048  }
0xb6: {  	_ =	swait.ge [sflag:s29], $0x1  }
0xb7: {  	[sflag:s29] =	ssyncadd.s32 $0xFFFFFFFF  }
0xb8: {  	_ =	strace $0x90000048  }
0xb9: {  	_ =	sfence  }
0xba: {  	s30 =	sld [smem:$0x0];
	_ =	sdelay $0x2  }
0xbb: {  	s31 =	sshll.u32 s1, $0xD;
	s1 =	sshrl.u32 s1, $0x2  }
0xbc: {  	s3 =	sand.u32 $0x4000, s31;
	s1 =	sadd.s32 s1, s30  }
0xbd: {  	s0 =	sor.u32 s3, s0;
	s1 =	sshll.u32 s1, $0x11  }
0xbe: {  	s0 =	sor.u32 s1, s0  }
0xbf: {  	s0 =	sadd.s32 $0x8F2B, s0  }
0xc0: {  	[sflag:s0] =	ssyncadd.remote.s32 $0x1  }
0xc1: {  	_ =	sfence.sel $0xFFFF  }
0xc2: {  	[dreg:$0x0] =	wrdreg $0xFFFFFFFF;
	(pc) =	sbr.abs _section_cstart, $3  }
0xc3: {  	[dreg:$0x1] =	wrdreg $0xFFFFFFFF  }
0xc4: {  	_ =	task.clear_ibuf [dreg:s8], $0x2FFFF;
	_ =	strace $0x9FFFFFFF  }
0xc5: {  	(tm) =	ssettm $0x7FFFFFFF  }
tec
execute0_lowered:
.L_overlay_start_1:
0x0: {  	(tag) =	ssettag $0x1  }
0x1: {  	v4 =	vimm.s32 $0xECA86420;
	v2 =	vimm.f32 $0.0e+00  }
0x2: {  	v3 =	vimm.s32 $0x0;
	vm0 =	vcmask $0xB08;
	vm1 =	vcmask $0x1310  }
0x3: {  	v5 =	vimm.s32 $0xE40000;
	vm2 =	vcmask $0x1B18;
	vm4 =	vcmask $0x300  }
0x4: {  	vm5 =	vcmask $0x2320;
	vm6 =	vcmask $0x2B28;
	vm7 =	vcmask $0x3330  }
0x5: {  	vm9 =	vcmask $0x3B38;
	vm3 =	vmmov $0xff;
	v8 =	vimm.s32 $0x0  }
0x6: {  	vm10 =	vcmask $0x704;
	vm11 =	vcmask $0xF0C;
	vm12 =	vcmask $0x1714  }
0x7: {  	vm13 =	vcmask $0x1F1C;
	vm15 =	vcmask $0x3F30;
	vm14 =	vcmask $0x2724  }
0x8: {  	v9 =	vimm.s32 $0x65432100;
	v10 =	vimm.s32 $0xEDCBA987;
	v11 =	vimm.s32 $0x54321000  }
0x9: {  	v12 =	vimm.s32 $0xDCBA9876;
	v13 =	vimm.s32 $0xBA987654;
	v14 =	vimm.s32 $0x32100000  }
0xa: {  	vm8 =	vmmov $0x3;
	v26 =	vimm.s32 $0x0;
	v4 =	vunpack.c.l.s4.s8 v4  }
0xb: {  	v6 =	vunpack.c.l.s2.s4 v5;
	v5 =	vlaneseq.u32;
	v8 =	vsel vm3, $0xFFFFFFFF, v8  }
0xc: {  	vm3 =	vcmask $0x2F2C;
	v9 =	vunpack.c.l.s4.s8 v9;
	v10 =	vunpack.c.l.s4.s8 v10  }
0xd: {  	s5 =	stileid.u32;
	v12 =	vunpack.c.l.s4.s8 v12;
	v13 =	vunpack.c.l.s4.s8 v13;
	v11 =	vunpack.c.l.s4.s8 v11  }
0xe: {  	s2 =	sor.u32 $0xA00, s5;
	v14 =	vunpack.c.l.s4.s8 v14;
	v26 =	vsel vm8, $0xFFFFFFFF, v26;
	vm8 =	vmmov $0xf  }
0xf: {  	s0 =	srdreg.scid;
	s3 =	rddreg [dreg:$0x0];
	v1 =	vmov s2;
	[tilespmem:$0x1FFD0] =	vst v8;
	v8 =	vimm.s32 $0x7060504;
	v15 =	vor.u32 $0x30, v5  }
0x10: {  	s26 =	rddreg [dreg:$0x3];
	s28 =	simm.s32 $0x0;
	s31 =	simm.s32 $0xA480;
	v16 =	vor.u32 $0x40, v5;
	v17 =	vor.u32 $0x50, v5;
	v18 =	vor.u32 $0x60, v5  }
0x11: {  	s0 =	sand.u32 $0x1, s0;
	s1 =	sshll.u32 s5, $0x1;
	[smem:$0x7FF] =	sst s28;
	v19 =	vor.u32 $0x70, v5;
	v20 =	vor.u32 $0x80, v5;
	v21 =	vor.u32 $0x90, v5  }
0x12: {  	s13 =	sadd.s32 $0x3E00, s3;
	v22 =	vor.u32 $0xA0, v5;
	v23 =	vor.u32 $0xB0, v5;
	v24 =	vor.u32 $0xC0, v5;
	_ =	strace $0x80000047;
	[dreg:$0x7] =	wrdreg s31  }
0x13: {  	s4 =	smul.u32 $0x14000, s5;
	s14 =	sadd.s32 $0x138C800, s3;
	v25 =	vor.u32 $0xD0, v5;
	v4 =	vunpack.c.0.s8.s32 v4;
	v7 =	vunpack.c.l.s4.s8 v6;
	[dreg:$0x9] =	wrdreg s13  }
0x14: {  	s15 =	sadd.s32 $0x9C7E00, s3;
	s17 =	smul.u32 $0xA0, s5;
	v6 =	vmul.u32 $0x2, v5;
	v8 =	vunpack.c.0.s8.s32 v8;
	v10 =	vunpack.c.0.s8.s32 v10;
	[dreg:$0xa] =	wrdreg s14  }
0x15: {  	s1 =	sor.u32 s0, s1;
	s23 =	smul.u32 $0x2710000, s0;
	v9 =	vunpack.c.0.s8.s32 v9;
	v12 =	vunpack.c.0.s8.s32 v12;
	v13 =	vunpack.c.0.s8.s32 v13;
	[dreg:$0xb] =	wrdreg s15  }
0x16: {  	s9 =	ssub.s32 $0x2, s0;
	s19 =	smul.u32 $0x9C40, s1;
	v11 =	vunpack.c.0.s8.s32 v11;
	v14 =	vunpack.c.0.s8.s32 v14;
	[tilespmem:$0x1FFE0] =	vst v26;
	v26 =	vimm.s32 $0x0;
	[dreg:$0xc] =	wrdreg s17  }
0x17: {  	s29 =	sshrl.u32 s9, $0x1;
	s4 =	sshrl.u32 s4, $0x2;
	v26 =	vsel vm8, $0xFFFFFFFF, v26;
	[dreg:$0x11] =	wrdreg s23;
	v7 =	vunpack.c.0.s8.s32 v7;
	v10 =	vand.u32 $0xF, v10  }
0x18: {  	s3 =	ssub.s32 s9, s29;
	s18 =	sadd.s32 s4, s26;
	v0 =	vmov s19;
	[dreg:$0x8] =	wrdreg s19;
	v9 =	vcombine.low v9, v10;
	v10 =	vand.u32 $0xF, v12  }
.Ltmp0:
0x19: {  	s30 =	smax.u32 s3, $0x1;
	[dreg:$0xd] =	wrdreg s18;
	v12 =	vand.u32 $0xF, v13;
	v13 =	vor.u32 $0x10, v5;
	v7 =	vand.u32 $0x3, v7;
	(pc) =	sbr.rel .LBB2_1-.Ltmp0, $4  }
0x1a: {  	s20 =	sadd.s32 $0x1400, s18;
	[dreg:$0x12] =	wrdreg s30;
	v10 =	vcombine.low v11, v10;
	v11 =	vcombine.low v14, v12;
	v12 =	vmul.u32 $0x4000, v5  }
0x1b: {  	s21 =	sadd.s32 $0x2800, s18;
	[dreg:$0xe] =	wrdreg s20;
	v14 =	vor.u32 $0x20, v5;
	v7 =	vsel vm15, v8, v7;
	vm15 =	vmmov vm3  }
0x1c: {  	s22 =	sadd.s32 $0x3C00, s18;
	[dreg:$0xf] =	wrdreg s21;
	vm3 =	vmmov vm4;
	vm4 =	vmmov vm5;
	vm5 =	vmmov vm6  }
0x1d: {  	s1 =	simm.s32 $0x0;
	[tilespmem:$0x1FFF0] =	vst v26;
	[dreg:$0x10] =	wrdreg s22;
	vm6 =	vmmov vm7;
	vm7 =	vcmask $0x3734;
	v8 =	vimm.s32 $0x1  }
.LBB2_24:
0x1e: {  	s1 =	rddreg [dreg:$0x13]  }
0x1f: {  	s0 =	rddreg [dreg:$0x12];
	s1 =	sadd.s32 $0x1, s1  }
0x20: {  	p0 =	sne.s32 s1, s0  }
.Ltmp1:
0x21: {  	_ = 	snop;
	(pc) =	sbr.rel @!p0 .LBB2_25-.Ltmp1, $1  }
0x22: {  	_ =	sdelay $0x3  }
.LBB2_1:
0x23: {  	s3 =	simm.s32 $0x200;
	s0 =	simm.s32 $0x0  }
.LBB2_2:
0x24: {  	p0 =	sne.s32 s3, $0x4E00;
	[tilespmem:s0+$0x19990] =	vst v2;
	s4 =	smov.u32 s3;
	s3 =	sadd.s32 $0x200, s3  }
.Ltmp2:
0x25: {  	[tilespmem:s0+$0x19980] =	vst v2;
	(pc) =	sbr.rel @p0 .LBB2_2-.Ltmp2, $3  }
0x26: {  	[tilespmem:s0+$0x19960] =	vst v2  }
0x27: {  	[tilespmem:s0+$0x19970] =	vst v2;
	_ =	sdelay $0x1  }
0x28: {  	s0 =	sshra.s32 s4, $0x2  }
0x29: {  	[tilespmem:s0+$0x19990] =	vst v2  }
0x2a: {  	[tilespmem:s0+$0x19980] =	vst v2  }
0x2b: {  	[tilespmem:s0+$0x19960] =	vst v2  }
0x2c: {  	[tilespmem:s0+$0x19970] =	vst v2  }
0x2d: {  	[tilespmem:$0x9C40] =	vst v3  }
0x2e: {  	[tilespmem:$0x9C50] =	vst v3  }
0x2f: {  	[tilespmem:$0x9C60] =	vst v3  }
0x30: {  	[tilespmem:$0x9C70] =	vst v3  }
0x31: {  	[tilespmem:$0x9C80] =	vst v3  }
0x32: {  	[dreg:$0x13] =	wrdreg s1;
	[tilespmem:$0x9C90] =	vst v3  }
0x33: {  	s6 =	simm.s32 $0x0;
	s0 =	simm.s32 $0x40;
	s3 =	simm.s32 $0x0;
	[tilespmem:$0x9CA0] =	vst v3  }
.LBB2_4:
0x34: {  	p0 =	sne.s32 s0, $0x1F00;
	[tilespmem:s3+$0xA480] =	vst v3;
	s3 =	smov.u32 s0;
	s0 =	sadd.s32 $0x40, s0  }
.Ltmp3:
0x35: {  	(pc) =	sbr.rel @p0 .LBB2_4-.Ltmp3, $2  }
0x36: {  	_ =	sdelay $0x2  }
0x37: {  	s3 =	sshra.s32 s3, $0x2  }
0x38: {  	[tilespmem:s3+$0xA480] =	vst v3  }
.LBB2_6:
0x39: {  	s0 =	smul.u32 $0x7D0, s6;
	_ =	sdelay $0x1  }
0x3a: {  	s0 =	sadd.s32 s19, s0  }
0x3b: {  	s1 =	rddreg [dreg:$0x2];
	s16 =	simm.s32 $0x0;
	s0 =	sshrl.u32 s0, $0x3  }
0x3c: {  	s30 =	simm.s32 $0x9CB0;
	s31 =	simm.s32 $0x1;
	s0 =	sadd.s32 s1, s0  }
0x3d: {  	[tilespmem:s30], [sflag:$0x1] =	stream.linear.gather [hbm4b:s0+s16], $0x7D0, $0x38;
	[tilespmem:$0x1FDE0] =	vst v63  }
0x3e: {  	_ =	swait.ge [sflag:s31], $0x7D0  }
0x3f: {  	v26 =	vld [tilespmem:$0x1FFD0];
	_ =	sdelay $0x3  }
0x40: {  	[sflag:s31] =	ssyncset.done $0x0  }
0x41: {  	[sflag:s31] =	ssyncadd.s32 $0xFFFFF830;
	vm8 =	vnez.u8 v26  }
.LBB2_7:
0x42: {  	s0 =	sshra.s32 s16, $0x2  }
0x43: {  	v26 =	vld [tilespmem:s0+$0x9CB0];
	_ =	sdelay $0x4  }
0x44: {  	(v2sf) =	vpush v26, $0xD;
	_ =	sdelay $0x1  }
0x45: {  	(v2sf) =	vpush v26, $0xC;
	_ =	sdelay $0x1  }
0x46: {  	(v2sf) =	vpush v26, $0xE;
	_ =	sdelay $0x1  }
0x47: {  	(v2sf) =	vpush v26, $0xF;
	_ =	sdelay $0x1  }
0x48: {  	(v2sf) =	vpush v26, $0x9;
	_ =	sdelay $0x1  }
0x49: {  	(v2sf) =	vpush v26, $0x8;
	_ =	sdelay $0x1  }
0x4a: {  	(v2sf) =	vpush v26, $0xA;
	_ =	sdelay $0x1  }
0x4b: {  	(v2sf) =	vpush v26, $0xB  }
0x4c: {  	(v2sf) =	vpush v26, $0x0;
	s21 =	spop (v2sf)  }
0x4d: {  	s3 =	smulhi.u32 $0x66666667, s21;
	s0 =	sshra.s32 s21, $0x1F  }
0x4e: {  	(v2sf) =	vpush v26, $0x1;
	s9 =	spop (v2sf);
	s0 =	smul.u32 $0x66666667, s0  }
0x4f: {  	s12 =	smulhi.u32 $0x66666667, s9;
	s9 =	sshra.s32 s9, $0x1F  }
0x50: {  	(v2sf) =	vpush v26, $0x2;
	s10 =	spop (v2sf);
	s9 =	smul.u32 $0x66666667, s9  }
0x51: {  	s14 =	smulhi.u32 $0x66666667, s10;
	s10 =	sshra.s32 s10, $0x1F  }
0x52: {  	(v2sf) =	vpush v26, $0x3;
	s13 =	spop (v2sf);
	s17 =	smul.u32 $0x66666667, s10  }
0x53: {  	(v2sf) =	vpush v26, $0x4;
	s26 =	smulhi.u32 $0x66666667, s13;
	s13 =	sshra.s32 s13, $0x1F  }
0x54: {  	(v2sf) =	vpush v26, $0x5;
	s15 =	spop (v2sf);
	s13 =	smul.u32 $0x66666667, s13  }
0x55: {  	(v2sf) =	vpush v26, $0x6;
	s28 =	smulhi.u32 $0x66666667, s15;
	s15 =	sshra.s32 s15, $0x1F  }
0x56: {  	(v2sf) =	vpush v26, $0x7;
	s22 =	spop (v2sf);
	s15 =	smul.u32 $0x66666667, s15  }
0x57: {  	s31 =	smulhi.u32 $0x66666667, s22;
	s10 =	sshra.s32 s22, $0x1F  }
0x58: {  	s23 =	spop (v2sf);
	s11 =	smul.u32 $0x66666667, s10  }
0x59: {  	s18 =	smulhi.u32 $0x66666667, s23;
	s25 =	sshra.s32 s23, $0x1F  }
0x5a: {  	s24 =	spop (v2sf);
	s23 =	sadd.s32 s0, s3;
	s5 =	smul.u32 $0x66666667, s25  }
0x5b: {  	s0 =	sadd.s32 s13, s26;
	s29 =	spop (v2sf);
	s7 =	smulhi.u32 $0x66666667, s24  }
0x5c: {  	s24 =	sshra.s32 s24, $0x1F;
	s25 =	sadd.s32 s9, s12;
	s8 =	sshrl.u32 s23, $0x1F  }
0x5d: {  	s28 =	sadd.s32 s15, s28;
	s30 =	spop (v2sf);
	s3 =	smul.u32 $0x66666667, s24  }
0x5e: {  	s12 =	smulhi.u32 $0x66666667, s29;
	s29 =	sshra.s32 s29, $0x1F;
	s21 =	sshrl.u32 s25, $0x1F  }
0x5f: {  	s24 =	sadd.s32 s17, s14;
	s1 =	spop (v2sf);
	s4 =	smul.u32 $0x66666667, s29  }
0x60: {  	s14 =	smulhi.u32 $0x66666667, s30;
	s30 =	sshra.s32 s30, $0x1F;
	s17 =	sshrl.u32 s24, $0x1F  }
0x61: {  	s29 =	sadd.s32 s11, s31;
	s20 =	spop (v2sf);
	s13 =	smul.u32 $0x66666667, s30  }
0x62: {  	s15 =	smulhi.u32 $0x66666667, s1;
	s1 =	sshra.s32 s1, $0x1F;
	s2 =	spop (v2sf)  }
0x63: {  	s9 =	sadd.s32 s5, s18;
	s1 =	smul.u32 $0x66666667, s1;
	s22 =	spop (v2sf)  }
0x64: {  	s5 =	smulhi.u32 $0x66666667, s20;
	s20 =	sshra.s32 s20, $0x1F;
	s10 =	spop (v2sf)  }
0x65: {  	s3 =	sadd.s32 s3, s7;
	s7 =	smul.u32 $0x66666667, s20;
	s26 =	spop (v2sf)  }
0x66: {  	s18 =	sshrl.u32 s28, $0x1F;
	s31 =	smulhi.u32 $0x66666667, s26;
	s11 =	sshra.s32 s26, $0x1F  }
0x67: {  	s30 =	sshrl.u32 s0, $0x1F;
	s4 =	sadd.s32 s4, s12;
	s11 =	smul.u32 $0x66666667, s11  }
0x68: {  	s12 =	sshrl.u32 s3, $0x1F;
	s20 =	smulhi.u32 $0x66666667, s2;
	s2 =	sshra.s32 s2, $0x1F  }
0x69: {  	s13 =	sadd.s32 s13, s14;
	s2 =	smul.u32 $0x66666667, s2;
	s26 =	sadd.s32 s11, s31  }
0x6a: {  	v28 =	vmov s21;
	s1 =	sadd.s32 s1, s15;
	s15 =	sshrl.u32 s29, $0x1F;
	s31 =	sshra.s32 s26, $0x1F  }
0x6b: {  	v28 =	vsel vm0, s8, v28;
	s2 =	sadd.s32 s2, s20;
	s20 =	sshra.s32 s4, $0xA;
	s8 =	smulhi.u32 $0x66666667, s22;
	v27 =	vmov s31  }
0x6c: {  	s21 =	sshra.s32 s22, $0x1F;
	s31 =	sshrl.u32 s4, $0x1F;
	s4 =	sshra.s32 s4, $0x1F;
	v27 =	vsel vm3, s20, v27  }
0x6d: {  	v28 =	vsel vm1, s17, v28;
	s5 =	sadd.s32 s7, s5;
	s22 =	sshra.s32 s13, $0xA;
	s14 =	smul.u32 $0x66666667, s21;
	v29 =	vmov s31;
	v27 =	vsel vm10, s4, v27  }
0x6e: {  	v30 =	vmov s15;
	s17 =	smulhi.u32 $0x66666667, s10;
	s20 =	sshrl.u32 s13, $0x1F;
	s13 =	sshra.s32 s13, $0x1F;
	v29 =	vnsel vm3, $0x0, v29;
	v27 =	vsel vm0, s22, v27  }
0x6f: {  	v30 =	vsel vm0, s18, v30;
	s10 =	sshra.s32 s10, $0x1F;
	s11 =	sshrl.u32 s9, $0x1F;
	v29 =	vsel vm0, s20, v29;
	s20 =	sshra.s32 s1, $0xA;
	v27 =	vsel vm11, s13, v27  }
0x70: {  	s10 =	smul.u32 $0x66666667, s10;
	v30 =	vsel vm1, s11, v30;
	s31 =	sshrl.u32 s1, $0x1F;
	s1 =	sshra.s32 s1, $0x1F;
	v27 =	vsel vm1, s20, v27  }
0x71: {  	v28 =	vsel vm2, s30, v28;
	s30 =	sshra.s32 s5, $0xA;
	v30 =	vsel vm2, s12, v30;
	s4 =	sadd.s32 s14, s8;
	s14 =	sshra.s32 s29, $0xA;
	v27 =	vsel vm12, s1, v27  }
0x72: {  	s18 =	sshra.s32 s28, $0xA;
	s7 =	sadd.s32 s10, s17;
	s10 =	sshra.s32 s5, $0x1F;
	v28 =	vcombine.low v30, v28;
	v31 =	vmov s14;
	v27 =	vsel vm2, s30, v27  }
0x73: {  	s21 =	sshrl.u32 s5, $0x1F;
	s12 =	sshra.s32 s2, $0xA;
	v29 =	vsel vm1, s31, v29;
	s13 =	sshra.s32 s25, $0xA;
	v31 =	vsel vm0, s18, v31;
	v27 =	vsel vm13, s10, v27  }
0x74: {  	s15 =	sshra.s32 s2, $0x1F;
	s17 =	sshra.s32 s23, $0xA;
	s22 =	sshrl.u32 s2, $0x1F;
	v29 =	vsel vm2, s21, v29;
	v62 =	vmov s13;
	v27 =	vsel vm4, s12, v27  }
0x75: {  	s31 =	sshrl.u32 s4, $0x1F;
	s20 =	sshra.s32 s4, $0xA;
	s21 =	sshra.s32 s24, $0xA;
	v29 =	vsel vm4, s22, v29;
	v30 =	vsel vm0, s17, v62;
	v27 =	vsel vm14, s15, v27  }
0x76: {  	s11 =	sshrl.u32 s7, $0x1F;
	s23 =	sshra.s32 s4, $0x1F;
	s22 =	sshra.s32 s9, $0xA;
	v29 =	vsel vm5, s31, v29;
	v30 =	vsel vm1, s21, v30;
	v27 =	vsel vm5, s20, v27  }
0x77: {  	s0 =	sshra.s32 s0, $0xA;
	s25 =	sshra.s32 s7, $0xA;
	s24 =	sshra.s32 s3, $0xA;
	v31 =	vsel vm1, s22, v31;
	v29 =	vsel vm6, s11, v29;
	v27 =	vsel vm15, s23, v27  }
0x78: {  	s28 =	sshrl.u32 s26, $0x1F;
	s29 =	sshra.s32 s7, $0x1F;
	v30 =	vsel vm2, s0, v30;
	v31 =	vsel vm2, s24, v31;
	v27 =	vsel vm6, s25, v27  }
0x79: {  	s30 =	sshra.s32 s26, $0xA;
	v30 =	vcombine.low v31, v30;
	v29 =	vsel vm9, s28, v29;
	v27 =	vsel vm7, s29, v27  }
0x7a: {  	v28 =	vperm.xlane v28, v4;
	v29 =	vperm.xlane v29, v6;
	v27 =	vsel vm9, s30, v27  }
0x7b: {  	v30 =	vperm.xlane v30, v4;
	v27 =	vperm.xlane v27, v6  }
0x7c: {  	v63 =	vsub.s32 $0x0, v26;
	v28 =	vsel vm8, v29, v28  }
0x7d: {  	vm7 =	vmmov vm6;
	vm6 =	vmmov vm5;
	v27 =	vsel vm8, v27, v30  }
0x7e: {  	vm5 =	vmmov vm4;
	vm4 =	vmmov vm3;
	v27 =	vadd.s32 v28, v27  }
0x7f: {  	vm3 =	vmmov vm15;
	vm15 =	vmmov vm14;
	v28 =	vmul.u32 $0xFFFFF600, v27  }
0x80: {  	vm14 =	vmmov vm13;
	vm13 =	vmmov vm12;
	vm12 =	vmmov vm11  }
0x81: {  	vm11 =	vmmov vm10;
	vm9 =	vlt.s32 v26, $0x1;
	vm10 =	vne.s32 v28, v63  }
0x82: {  	vm9 =	vmand vm9, vm10  }
0x83: {  	v26 =	vsel vm9, $0xFFFFFFFF, v3  }
0x84: {  	v26 =	vadd.s32 v26, v27  }
0x85: {  	v26 =	vshll.u32 v26, $0x4  }
0x86: {  	p0 =	sne.s32 s16, $0x1F00;
	v26 =	vor.u32 v5, v26  }
.Ltmp4:
0x87: {  	_ = 	snop;
	(pc) =	sbr.rel @p0 .LBB2_7-.Ltmp4, $4  }
0x88: {  	vm10 =	vmmov vm11;
	vm11 =	vmmov vm12;
	vm12 =	vmmov vm13  }
0x89: {  	vm13 =	vmmov vm14;
	vm14 =	vmmov vm15;
	vm15 =	vmmov vm3  }
0x8a: {  	s31 =	rddreg [dreg:$0x7];
	vm3 =	vmmov vm4;
	vm4 =	vmmov vm5;
	vm5 =	vmmov vm6  }
0x8b: {  	s16 =	sadd.s32 $0x40, s16;
	vm6 =	vmmov vm7;
	vm7 =	vcmask $0x3734;
	vm9 =	vcmask $0x3B38;
	[tilespmem:v26+s31+$0x0] =	vst.idx.add.s32.msk $0xffff, v8  }
0x8c: {  	s6 =	sadd.s32 $0x1, s6  }
0x8d: {  	p0 =	sne.s32 s6, $0x14  }
.Ltmp5:
0x8e: {  	_ = 	snop;
	(pc) =	sbr.rel @p0 .LBB2_6-.Ltmp5, $1  }
0x8f: {  	_ =	sdelay $0x3  }
0x90: {  	s29 =	simm.s32 $0x0  }
0x91: {  	s26 =	simm.s32 $0x10;
	v30 =	vld [tilespmem:s29+$0xA480]  }
0x92: {  	v27 =	vld [tilespmem:s26+$0xA480];
	_ =	sdelay $0x1  }
0x93: {  	s16 =	simm.s32 $0x20  }
0x94: {  	v26 =	vld [tilespmem:s16+$0xA480]  }
0x95: {  	v33 =	vld [tilespmem:$0x1FFE0];
	v28 =	vperm.xlane v30, v9  }
0x96: {  	vm8 =	veq.s32 v5, $0x0;
	v29 =	vperm.xlane v27, v9  }
0x97: {  	v28 =	vsel vm8, $0x0, v28  }
0x98: {  	v29 =	vsel vm8, $0x0, v29;
	v31 =	vadd.s32 v30, v28  }
0x99: {  	v35 =	vld [tilespmem:$0x1FFF0];
	v32 =	vperm.xlane v26, v9;
	v29 =	vadd.s32 v27, v29;
	v28 =	vperm.xlane v31, v10  }
0x9a: {  	s4 =	simm.s32 $0x30;
	vm7 =	vnez.u8 v33;
	v34 =	vperm.xlane v29, v10  }
0x9b: {  	v32 =	vsel vm8, $0x0, v32;
	v33 =	vsel vm7, $0x0, v28;
	v28 =	vld [tilespmem:s4+$0xA480]  }
0x9c: {  	v32 =	vadd.s32 v26, v32;
	v34 =	vsel vm7, $0x0, v34;
	v31 =	vadd.s32 v33, v31  }
0x9d: {  	v38 =	vld [tilespmem:$0x1FFD0];
	v34 =	vadd.s32 v34, v29;
	v29 =	vperm.xlane v32, v10;
	v33 =	vperm.xlane v31, v11  }
0x9e: {  	vm9 =	vnez.u8 v35  }
0x9f: {  	v52 =	vperm.xlane v34, v11;
	v36 =	vsel vm7, $0x0, v29;
	v33 =	vsel vm9, $0x0, v33  }
0xa0: {  	v32 =	vadd.s32 v36, v32;
	v31 =	vadd.s32 v33, v31;
	v53 =	vperm.xlane v28, v9  }
0xa1: {  	vm8 =	veq.s32 v5, $0x0;
	v54 =	vperm.xlane v32, v11;
	v37 =	vperm.xlane v31, v7  }
0xa2: {  	v35 =	vsel vm9, $0x0, v52;
	v33 =	vsel vm8, $0x0, v53;
	vm8 =	vnez.u8 v38  }
0xa3: {  	v34 =	vadd.s32 v35, v34;
	v35 =	vsel vm9, $0x0, v54;
	v37 =	vsel vm8, $0x0, v37  }
0xa4: {  	v55 =	vperm.xlane v34, v7;
	v32 =	vadd.s32 v35, v32;
	v37 =	vadd.s32 v37, v31  }
0xa5: {  	v59 =	vperm.xlane v32, v7;
	(v2sf) =	vpush v37, $0xF  }
0xa6: {  	v31 =	vsel vm8, $0x0, v55  }
0xa7: {  	s30 =	simm.s32 $0x40;
	v31 =	vadd.s32 v31, v34;
	v62 =	vsel vm8, $0x0, v59  }
0xa8: {  	v29 =	vld [tilespmem:s30+$0xA480];
	(v2sf) =	vpush v31, $0xF;
	v32 =	vadd.s32 v62, v32  }
0xa9: {  	(v2sf) =	vpush v32, $0xF  }
0xaa: {  	v33 =	vadd.s32 v28, v33  }
0xab: {  	v56 =	vperm.xlane v33, v10;
	_ =	sdelay $0x1  }
0xac: {  	s0 =	simm.s32 $0x0;
	s31 =	simm.s32 $0x50;
	v57 =	vperm.xlane v29, v9;
	v58 =	vsel vm7, $0x0, v56  }
0xad: {  	vm11 =	veq.s32 v5, $0x0;
	v63 =	vsub.s32 s0, v30;
	v30 =	vld [tilespmem:s31+$0xA480];
	v33 =	vadd.s32 v58, v33  }
0xae: {  	v60 =	vsel vm11, $0x0, v57;
	v61 =	vperm.xlane v33, v11  }
0xaf: {  	v34 =	vadd.s32 v29, v60  }
0xb0: {  	v36 =	vperm.xlane v34, v10;
	v35 =	vsel vm9, $0x0, v61  }
0xb1: {  	vm10 =	veq.s32 v5, $0x0;
	s9 =	simm.s32 $0x180;
	s3 =	simm.s32 $0x0;
	[smem:s0] =	sst s0;
	v35 =	vadd.s32 v35, v33;
	v33 =	vadd.s32 v37, v63  }
.LBB2_10:
0xb2: {  	s1 =	sshra.s32 s9, $0x2;
	p0 =	sne.s32 s9, $0x1F00;
	s9 =	sadd.s32 $0x40, s9;
	v37 =	vperm.xlane v30, v9;
	v36 =	vsel vm7, $0x0, v36;
	v38 =	vperm.xlane v35, v7;
	[tilespmem:s29+$0xAC50] =	vst v33;
	v33 =	vmovc v30  }
.Ltmp6:
0xb3: {  	s29 =	smov.u32 s26;
	v30 =	vld [tilespmem:s1+$0xA480];
	v39 =	vadd.s32 v36, v34;
	s2 =	spop (v2sf);
	(pc) =	sbr.rel @p0 .LBB2_10-.Ltmp6, $4  }
0xb4: {  	s3 =	sadd.s32 $0x1, s3;
	s26 =	smov.u32 s16;
	v34 =	vsel vm10, $0x0, v37;
	v37 =	vperm.xlane v39, v11;
	v36 =	vsel vm8, $0x0, v38;
	s0 =	sadd.s32 s0, s2  }
0xb5: {  	s16 =	smov.u32 s4;
	s4 =	smov.u32 s30;
	v34 =	vadd.s32 v33, v34;
	v38 =	vadd.s32 v36, v35;
	v40 =	vsub.s32 s0, v27;
	[smem:s3] =	sst s0;
	v27 =	vmovc v26;
	v26 =	vmovc v28  }
0xb6: {  	s30 =	smov.u32 s31;
	s31 =	smov.u32 s1;
	v28 =	vmovc v29;
	v29 =	vmovc v33;
	v36 =	vperm.xlane v34, v10;
	v35 =	vsel vm9, $0x0, v37;
	(v2sf) =	vpush v38, $0xF  }
0xb7: {  	v33 =	vadd.s32 v31, v40;
	v31 =	vmovc v32;
	v32 =	vmov v38;
	v35 =	vadd.s32 v35, v39  }
0xb8: {  	v37 =	vperm.xlane v30, v9  }
0xb9: {  	vm10 =	vmmov vm8;
	vm8 =	vmmov vm9;
	vm9 =	veq.s32 v5, $0x0  }
0xba: {  	v37 =	vsel vm9, $0x0, v37  }
0xbb: {  	v37 =	vadd.s32 v30, v37  }
0xbc: {  	v36 =	vsel vm7, $0x0, v36;
	v38 =	vperm.xlane v37, v10  }
0xbd: {  	v34 =	vadd.s32 v36, v34  }
0xbe: {  	v58 =	vperm.xlane v34, v11;
	v57 =	vsel vm7, $0x0, v38  }
0xbf: {  	v36 =	vadd.s32 v57, v37  }
0xc0: {  	v38 =	vsel vm8, $0x0, v58;
	v37 =	vperm.xlane v36, v11  }
0xc1: {  	v39 =	vperm.xlane v35, v7;
	v34 =	vadd.s32 v38, v34  }
0xc2: {  	v60 =	vperm.xlane v34, v7;
	v37 =	vsel vm8, $0x0, v37  }
0xc3: {  	v59 =	vsel vm10, $0x0, v39;
	v36 =	vadd.s32 v37, v36  }
0xc4: {  	v61 =	vadd.s32 v59, v35;
	v37 =	vsel vm10, $0x0, v60;
	v62 =	vperm.xlane v36, v7  }
0xc5: {  	(v2sf) =	vpush v61, $0xF;
	v34 =	vadd.s32 v37, v34  }
0xc6: {  	(v2sf) =	vpush v34, $0xF;
	v63 =	vsel vm10, $0x0, v62  }
0xc7: {  	v36 =	vadd.s32 v63, v36  }
0xc8: {  	(v2sf) =	vpush v36, $0xF;
	_ =	sdelay $0x8  }
0xc9: {  	s1 =	spop (v2sf);
	s21 =	sadd.s32 $0x1, s3;
	s6 =	simm.s32 $0x0  }
0xca: {  	s2 =	spop (v2sf);
	s0 =	sadd.s32 s0, s1;
	s1 =	sadd.s32 $0x1, s21  }
0xcb: {  	[smem:s21] =	sst s0;
	s2 =	sadd.s32 s0, s2;
	v27 =	vsub.s32 s0, v27;
	s22 =	spop (v2sf)  }
0xcc: {  	[tilespmem:s29+$0xAC50] =	vst v33;
	[smem:s1] =	sst s2;
	v26 =	vsub.s32 s2, v26;
	v27 =	vadd.s32 v31, v27;
	s23 =	sadd.s32 s2, s22;
	s24 =	spop (v2sf)  }
0xcd: {  	s1 =	sadd.s32 $0x1, s1;
	[tilespmem:s26+$0xAC50] =	vst v27;
	v26 =	vadd.s32 v32, v26;
	v27 =	vsub.s32 s23, v28;
	s25 =	sadd.s32 s23, s24;
	s26 =	spop (v2sf)  }
0xce: {  	[tilespmem:s16+$0xAC50] =	vst v26;
	[smem:s1] =	sst s23;
	s1 =	sadd.s32 $0x1, s1;
	v26 =	vadd.s32 v61, v27;
	v27 =	vsub.s32 s25, v29;
	s0 =	sadd.s32 s25, s26  }
0xcf: {  	[tilespmem:s4+$0xAC50] =	vst v26;
	[smem:s1] =	sst s25;
	s1 =	sadd.s32 $0x1, s1;
	v26 =	vadd.s32 v34, v27;
	v27 =	vsub.s32 s0, v30;
	s28 =	spop (v2sf)  }
0xd0: {  	s29 =	simm.s32 $0x0;
	[tilespmem:s30+$0xAC50] =	vst v26;
	[smem:s1] =	sst s0;
	v26 =	vadd.s32 v36, v27;
	s0 =	sadd.s32 s0, s28  }
0xd1: {  	vm11 =	vcmask $0xF0C;
	vm7 =	vmmov vm10;
	vm10 =	vcmask $0x704;
	[tilespmem:s31+$0xAC50] =	vst v26;
	s31 =	simm.s32 $0xAC50;
	[smem:$0x7D] =	sst s0;
	s0 =	simm.s32 $0x0  }
.LBB2_12:
0xd2: {  	s10 =	smul.u32 $0x7D0, s0;
	_ =	sdelay $0x1  }
0xd3: {  	[dreg:$0x15] =	wrdreg s0;
	s0 =	sadd.s32 s19, s10  }
0xd4: {  	s1 =	rddreg [dreg:$0x2];
	s11 =	simm.s32 $0x9CB0;
	s0 =	sshrl.u32 s0, $0x3  }
0xd5: {  	s2 =	simm.s32 $0x0;
	s12 =	simm.s32 $0x1;
	s0 =	sadd.s32 s1, s0  }
0xd6: {  	[tilespmem:s11], [sflag:$0x1] =	stream.linear.gather [hbm4b:s0+s2], $0x7D0, $0x38;
	[tilespmem:$0x1FDE0] =	vst v63  }
0xd7: {  	_ =	swait.ge [sflag:s12], $0x7D0  }
0xd8: {  	[sflag:s12] =	ssyncset.done $0x0  }
0xd9: {  	s13 =	simm.s32 $0x0;
	[sflag:s12] =	ssyncadd.s32 $0xFFFFF830  }
0xda: {  	v26 =	vld [tilespmem:s13+$0x9CB0];
	_ =	sdelay $0x4  }
0xdb: {  	(v2sf) =	vpush v26, $0x2  }
0xdc: {  	(v2sf) =	vpush v26, $0x1;
	_ =	sdelay $0x2  }
0xdd: {  	(v2sf) =	vpush v26, $0x0  }
0xde: {  	(v2sf) =	vpush v26, $0x3;
	_ =	sdelay $0x2  }
0xdf: {  	(v2sf) =	vpush v26, $0x4  }
0xe0: {  	(v2sf) =	vpush v26, $0x7;
	_ =	sdelay $0x2  }
0xe1: {  	(v2sf) =	vpush v26, $0xC  }
0xe2: {  	(v2sf) =	vpush v26, $0xD;
	_ =	sdelay $0x1  }
0xe3: {  	(v2sf) =	vpush v26, $0xE;
	s14 =	spop (v2sf)  }
0xe4: {  	s15 =	spop (v2sf);
	s16 =	smulhi.u32 $0x66666667, s14  }
0xe5: {  	s0 =	sshra.s32 s14, $0x1F;
	s1 =	smulhi.u32 $0x66666667, s15  }
0xe6: {  	(v2sf) =	vpush v26, $0x8;
	s3 =	sshra.s32 s15, $0x1F;
	s0 =	smul.u32 $0x66666667, s0  }
0xe7: {  	s4 =	spop (v2sf);
	s3 =	smul.u32 $0x66666667, s3  }
0xe8: {  	s5 =	spop (v2sf);
	s11 =	sshra.s32 s4, $0x1F;
	s4 =	smulhi.u32 $0x66666667, s4  }
0xe9: {  	(v2sf) =	vpush v26, $0x9;
	s10 =	smulhi.u32 $0x66666667, s5  }
0xea: {  	(v2sf) =	vpush v26, $0xF;
	s5 =	sshra.s32 s5, $0x1F;
	s11 =	smul.u32 $0x66666667, s11  }
0xeb: {  	s7 =	spop (v2sf);
	s5 =	smul.u32 $0x66666667, s5  }
0xec: {  	(v2sf) =	vpush v26, $0xA;
	s8 =	spop (v2sf);
	s12 =	sshra.s32 s7, $0x1F;
	s7 =	smulhi.u32 $0x66666667, s7  }
0xed: {  	s0 =	sadd.s32 s0, s16;
	s9 =	smulhi.u32 $0x66666667, s8  }
0xee: {  	(v2sf) =	vpush v26, $0xB;
	s3 =	sadd.s32 s3, s1;
	s8 =	sshra.s32 s8, $0x1F;
	s14 =	smul.u32 $0x66666667, s12  }
0xef: {  	s13 =	spop (v2sf);
	s12 =	sshrl.u32 s0, $0x1F;
	s8 =	smul.u32 $0x66666667, s8  }
0xf0: {  	s4 =	sadd.s32 s11, s4;
	s17 =	spop (v2sf);
	s26 =	smulhi.u32 $0x66666667, s13  }
0xf1: {  	(v2sf) =	vpush v26, $0x5;
	s18 =	sshra.s32 s13, $0x1F;
	s5 =	sadd.s32 s5, s10;
	s19 =	smulhi.u32 $0x66666667, s17  }
0xf2: {  	s1 =	sshra.s32 s17, $0x1F;
	s15 =	spop (v2sf);
	s17 =	smul.u32 $0x66666667, s18  }
0xf3: {  	s10 =	sadd.s32 s14, s7;
	s14 =	sshrl.u32 s5, $0x1F;
	s16 =	sadd.s32 s8, s9  }
0xf4: {  	s9 =	sshra.s32 s0, $0xA;
	s1 =	smul.u32 $0x66666667, s1;
	s0 =	sshra.s32 s0, $0x1F  }
0xf5: {  	s13 =	sshra.s32 s15, $0x1F;
	s18 =	spop (v2sf);
	s15 =	smulhi.u32 $0x66666667, s15  }
0xf6: {  	s20 =	sshra.s32 s18, $0x1F;
	s25 =	sshra.s32 s16, $0x1F;
	s13 =	smul.u32 $0x66666667, s13  }
0xf7: {  	s8 =	sadd.s32 s17, s26;
	s1 =	sadd.s32 s1, s19;
	s20 =	smul.u32 $0x66666667, s20  }
0xf8: {  	s13 =	sadd.s32 s13, s15;
	s15 =	smulhi.u32 $0x66666667, s18;
	s21 =	spop (v2sf)  }
0xf9: {  	s22 =	sshra.s32 s21, $0x1F;
	s23 =	spop (v2sf);
	s21 =	smulhi.u32 $0x66666667, s21  }
0xfa: {  	s2 =	sshrl.u32 s8, $0x1F;
	(v2sf) =	vpush v26, $0x6;
	s24 =	sshra.s32 s23, $0x1F;
	s23 =	smulhi.u32 $0x66666667, s23  }
0xfb: {  	s8 =	sshra.s32 s8, $0xA;
	s17 =	spop (v2sf);
	s22 =	smul.u32 $0x66666667, s22  }
0xfc: {  	s30 =	sshra.s32 s1, $0xA;
	s28 =	sshra.s32 s17, $0x1F;
	s17 =	smulhi.u32 $0x66666667, s17  }
0xfd: {  	s1 =	sshrl.u32 s1, $0x1F;
	v30 =	vmov s2;
	s26 =	spop (v2sf);
	s24 =	smul.u32 $0x66666667, s24  }
0xfe: {  	v29 =	vmov s25;
	s25 =	sshrl.u32 s3, $0x1F;
	v30 =	vsel vm0, s1, v30;
	s1 =	sshra.s32 s10, $0xA;
	s7 =	smulhi.u32 $0x66666667, s26  }
0xff: {  	s19 =	sshra.s32 s26, $0x1F;
	s21 =	sadd.s32 s22, s21;
	s26 =	smul.u32 $0x66666667, s28  }
0x100: {  	s28 =	spop (v2sf);
	s11 =	smul.u32 $0x66666667, s19;
	s19 =	sshrl.u32 s4, $0x1F  }
0x101: {  	vm9 =	vcmask $0x3B38;
	s17 =	sadd.s32 s26, s17;
	s26 =	sshra.s32 s4, $0x1F;
	s4 =	sshra.s32 s4, $0xA  }
0x102: {  	vm8 =	vcmask $0x3734;
	s22 =	sshra.s32 s5, $0xA;
	s2 =	sadd.s32 s24, s23;
	v28 =	vmov s19;
	s19 =	sshra.s32 s28, $0x1F;
	v29 =	vsel vm3, s4, v29  }
0x103: {  	v27 =	vmov s8;
	v28 =	vnsel vm3, $0x0, v28;
	s4 =	sadd.s32 s20, s15;
	s8 =	smul.u32 $0x66666667, s19;
	s15 =	sshra.s32 s3, $0xA;
	v29 =	vsel vm10, s26, v29  }
0x104: {  	v27 =	vsel vm0, s30, v27;
	s19 =	sshrl.u32 s13, $0x1F;
	s3 =	sshra.s32 s3, $0x1F;
	s20 =	sshra.s32 s13, $0xA;
	v28 =	vsel vm0, s25, v28;
	v29 =	vsel vm0, s15, v29  }
0x105: {  	s5 =	sshra.s32 s5, $0x1F;
	s18 =	smulhi.u32 $0x66666667, s28;
	v30 =	vsel vm1, s19, v30;
	v27 =	vsel vm1, s20, v27;
	s26 =	sshra.s32 s2, $0xA;
	v29 =	vsel vm11, s3, v29  }
0x106: {  	s25 =	sshrl.u32 s4, $0x1F;
	s4 =	sshra.s32 s4, $0xA;
	s2 =	sshrl.u32 s2, $0x1F;
	v28 =	vsel vm1, s12, v28;
	v31 =	vsel vm2, s26, v27;
	v29 =	vsel vm1, s9, v29  }
0x107: {  	s23 =	sshrl.u32 s10, $0x1F;
	s7 =	sadd.s32 s11, s7;
	s13 =	sshrl.u32 s21, $0x1F;
	v32 =	vmov s4;
	v33 =	vsel vm2, s2, v30;
	v27 =	vsel vm12, s0, v29  }
0x108: {  	s19 =	sshra.s32 s17, $0xA;
	s20 =	sshra.s32 s10, $0x1F;
	s12 =	sshra.s32 s21, $0xA;
	v30 =	vmov s6;
	v28 =	vsel vm2, s14, v28;
	v27 =	vsel vm2, s22, v27  }
0x109: {  	s8 =	sadd.s32 s8, s18;
	s15 =	sshrl.u32 s17, $0x1F;
	v32 =	vsel vm0, s12, v32;
	v28 =	vsel vm4, s23, v28;
	v27 =	vsel vm13, s5, v27;
	s24 =	spop (v2sf)  }
0x10a: {  	s18 =	sshrl.u32 s8, $0x1F;
	v32 =	vsel vm1, s19, v32;
	v29 =	vmov s25;
	v27 =	vsel vm4, s1, v27;
	s14 =	smulhi.u32 $0x66666667, s24;
	s3 =	sshra.s32 s24, $0x1F  }
0x10b: {  	s21 =	sshra.s32 s7, $0xA;
	s23 =	sshra.s32 s8, $0xA;
	v28 =	vsel vm5, s18, v28;
	v29 =	vsel vm0, s13, v29;
	v27 =	vsel vm14, s20, v27;
	s3 =	smul.u32 $0x66666667, s3  }
0x10c: {  	v32 =	vsel vm2, s21, v32;
	s22 =	sshrl.u32 s7, $0x1F;
	v29 =	vsel vm1, s15, v29;
	s24 =	sshra.s32 s8, $0x1F;
	v34 =	vsel vm5, s23, v27  }
0x10d: {  	v29 =	vsel vm2, s22, v29;
	v27 =	vshll.u32 v30, $0xE;
	v34 =	vsel vm15, s24, v34;
	s3 =	sadd.s32 s3, s14  }
0x10e: {  	[dreg:$0x14] =	wrdreg s6;
	vm15 =	vmmov vm14;
	vm14 =	vmmov vm13;
	vm13 =	vmmov vm12;
	s25 =	sshrl.u32 s3, $0x1F  }
0x10f: {  	s30 =	simm.s32 $0x40;
	s28 =	sshra.s32 s16, $0xA;
	vm12 =	vmmov vm11;
	vm11 =	vmmov vm10;
	s26 =	sshra.s32 s3, $0xA;
	v30 =	vsel vm6, s25, v28  }
0x110: {  	s23 =	smov.u32 s6;
	s24 =	sshrl.u32 s16, $0x1F;
	s0 =	sshra.s32 s3, $0x1F;
	v28 =	vcombine.low v29, v33;
	v29 =	vcombine.low v32, v31;
	v31 =	vsel vm6, s26, v34  }
.LBB2_13:
0x111: {  	v30 =	vsel vm9, s24, v30;
	v31 =	vsel vm8, s0, v31  }
0x112: {  	v28 =	vperm.xlane v28, v4;
	v29 =	vperm.xlane v29, v4;
	v31 =	vsel vm9, s28, v31  }
0x113: {  	v30 =	vperm.xlane v30, v6;
	v31 =	vperm.xlane v31, v6;
	_ =	sdelay $0x1  }
0x114: {  	v28 =	vsel vm7, v30, v28;
	v29 =	vsel vm7, v31, v29  }
0x115: {  	v28 =	vadd.s32 v28, v29  }
0x116: {  	v29 =	vmul.u32 $0xFFFFF600, v28  }
0x117: {  	v30 =	vsub.s32 $0x0, v26  }
0x118: {  	vm9 =	vlt.s32 v26, $0x1;
	vm10 =	vne.s32 v29, v30  }
0x119: {  	vm9 =	vmand vm9, vm10  }
0x11a: {  	v29 =	vsel vm9, $0xFFFFFFFF, v3  }
0x11b: {  	v28 =	vadd.s32 v29, v28  }
0x11c: {  	v29 =	vshll.u32 v28, $0x4  }
0x11d: {  	v29 =	vor.u32 v5, v29;
	_ =	sdelay $0x2  }
0x11e: {  	v28 =	vmul.u32 $0xFFFFF600, v28;
	_ =	sdelay $0x1  }
0x11f: {  	v26 =	vadd.s32 v26, v28;
	v28 =	vld.idx.msk [tilespmem:v29+s31+$0x0], $0xffff;
	_ =	sdelay $0x5  }
0x120: {  	v30 =	vor.u32 v12, v27;
	v31 =	vadd.s32 $0x1, v28  }
0x121: {  	s1 =	smov.u32 s30;
	v26 =	vor.u32 v30, v26;
	[tilespmem:v29+s31+$0x0] =	vst.idx.msk $0xffff, v31  }
0x122: {  	s18 =	sshra.s32 s1, $0x2;
	[tilespmem:v28+s29+$0x0] =	vst.idx.msk $0xffff, v26  }
0x123: {  	v26 =	vld [tilespmem:s18+$0x9CB0];
	_ =	sdelay $0x4  }
0x124: {  	(v2sf) =	vpush v26, $0x2  }
0x125: {  	(v2sf) =	vpush v26, $0x1;
	_ =	sdelay $0x1  }
0x126: {  	(v2sf) =	vpush v26, $0x0  }
0x127: {  	(v2sf) =	vpush v26, $0x3;
	_ =	sdelay $0x1  }
0x128: {  	(v2sf) =	vpush v26, $0x4  }
0x129: {  	(v2sf) =	vpush v26, $0x7;
	_ =	sdelay $0x2  }
0x12a: {  	(v2sf) =	vpush v26, $0xC  }
0x12b: {  	(v2sf) =	vpush v26, $0xD;
	_ =	sdelay $0x2  }
0x12c: {  	(v2sf) =	vpush v26, $0xE  }
0x12d: {  	s19 =	spop (v2sf)  }
0x12e: {  	(v2sf) =	vpush v26, $0x8;
	s20 =	smulhi.u32 $0x66666667, s19;
	s2 =	spop (v2sf)  }
0x12f: {  	s0 =	sshra.s32 s19, $0x1F;
	s4 =	sshra.s32 s2, $0x1F;
	s2 =	smulhi.u32 $0x66666667, s2  }
0x130: {  	(v2sf) =	vpush v26, $0x9;
	s5 =	spop (v2sf);
	s10 =	smul.u32 $0x66666667, s0  }
0x131: {  	s4 =	smul.u32 $0x66666667, s4;
	s7 =	spop (v2sf)  }
0x132: {  	s3 =	sshra.s32 s5, $0x1F;
	s5 =	smulhi.u32 $0x66666667, s5;
	s8 =	sshra.s32 s7, $0x1F  }
0x133: {  	(v2sf) =	vpush v26, $0xF;
	s9 =	spop (v2sf);
	s0 =	sadd.s32 s4, s2;
	s2 =	smulhi.u32 $0x66666667, s7  }
0x134: {  	s21 =	spop (v2sf);
	s8 =	smul.u32 $0x66666667, s8  }
0x135: {  	s11 =	sshra.s32 s9, $0x1F;
	s12 =	smulhi.u32 $0x66666667, s21  }
0x136: {  	s1 =	sadd.s32 s10, s20;
	s13 =	sshra.s32 s21, $0x1F;
	s11 =	smul.u32 $0x66666667, s11  }
0x137: {  	s6 =	sshra.s32 s1, $0xA;
	s14 =	spop (v2sf);
	s25 =	smul.u32 $0x66666667, s13  }
0x138: {  	s22 =	spop (v2sf);
	s24 =	sshra.s32 s14, $0x1F;
	s14 =	smulhi.u32 $0x66666667, s14  }
0x139: {  	s23 =	sadd.s32 $0x10, s23;
	[dreg:$0x6] =	wrdreg s6;
	s6 =	smulhi.u32 $0x66666667, s22  }
0x13a: {  	s2 =	sadd.s32 s8, s2;
	s26 =	sshra.s32 s22, $0x1F;
	s16 =	smul.u32 $0x66666667, s24  }
0x13b: {  	(v2sf) =	vpush v26, $0xA;
	s15 =	spop (v2sf);
	s10 =	sadd.s32 s25, s12;
	s18 =	smul.u32 $0x66666667, s26  }
0x13c: {  	s25 =	sshrl.u32 s1, $0x1F;
	s1 =	sshra.s32 s1, $0x1F;
	s24 =	smulhi.u32 $0x66666667, s15  }
0x13d: {  	(v2sf) =	vpush v26, $0xB;
	s7 =	sshra.s32 s15, $0x1F;
	s4 =	spop (v2sf);
	s15 =	smulhi.u32 $0x66666667, s9  }
0x13e: {  	s26 =	smul.u32 $0x66666667, s3;
	s9 =	sshra.s32 s2, $0xA;
	s3 =	sshra.s32 s2, $0x1F  }
0x13f: {  	[dreg:$0x5] =	wrdreg s1;
	s13 =	sshra.s32 s4, $0x1F;
	s20 =	spop (v2sf);
	(v2sf) =	vpush v26, $0x5  }
0x140: {  	s17 =	sshra.s32 s10, $0x1F;
	s1 =	sadd.s32 s16, s14;
	s7 =	smul.u32 $0x66666667, s7  }
0x141: {  	s14 =	sshrl.u32 s2, $0x1F;
	s4 =	smulhi.u32 $0x66666667, s4;
	s21 =	sshra.s32 s20, $0x1F  }
0x142: {  	s22 =	spop (v2sf);
	s12 =	sadd.s32 s18, s6;
	s18 =	sshrl.u32 s1, $0x1F  }
0x143: {  	s1 =	sshra.s32 s1, $0xA;
	s5 =	sadd.s32 s26, s5;
	s13 =	smul.u32 $0x66666667, s13  }
0x144: {  	(v2sf) =	vpush v26, $0x6;
	s11 =	sadd.s32 s11, s15;
	s29 =	sshra.s32 s22, $0x1F;
	v28 =	vmov s1;
	s1 =	smulhi.u32 $0x66666667, s20  }
0x145: {  	s19 =	sshra.s32 s12, $0xA;
	s6 =	sshrl.u32 s12, $0x1F;
	s22 =	smulhi.u32 $0x66666667, s22  }
0x146: {  	s16 =	smul.u32 $0x66666667, s21;
	s20 =	sshrl.u32 s5, $0x1F;
	s2 =	sshra.s32 s5, $0x1F  }
0x147: {  	s7 =	sadd.s32 s7, s24;
	s24 =	sshrl.u32 s10, $0x1F;
	s12 =	sshra.s32 s11, $0xA  }
0x148: {  	v31 =	vmov s17;
	v30 =	vmov s18;
	s5 =	sshra.s32 s5, $0xA;
	s21 =	sshrl.u32 s7, $0x1F;
	s7 =	sshra.s32 s7, $0xA  }
0x149: {  	s29 =	smul.u32 $0x66666667, s29;
	v30 =	vsel vm0, s6, v30;
	v31 =	vsel vm3, s5, v31;
	s15 =	sadd.s32 s16, s1;
	s16 =	sshra.s32 s0, $0xA  }
0x14a: {  	v30 =	vsel vm1, s21, v30;
	s21 =	sshrl.u32 s11, $0x1F;
	v31 =	vsel vm11, s2, v31;
	s2 =	sadd.s32 s13, s4;
	s28 =	spop (v2sf)  }
0x14b: {  	v29 =	vmov s20;
	s13 =	sshrl.u32 s2, $0x1F;
	s31 =	sshra.s32 s28, $0x1F;
	s20 =	smulhi.u32 $0x66666667, s28  }
0x14c: {  	s28 =	sshra.s32 s10, $0xA;
	s31 =	smul.u32 $0x66666667, s31;
	s8 =	spop (v2sf)  }
0x14d: {  	v28 =	vsel vm0, s19, v28;
	s10 =	sshra.s32 s11, $0x1F;
	s19 =	sshra.s32 s8, $0x1F;
	s8 =	smulhi.u32 $0x66666667, s8  }
0x14e: {  	s6 =	sadd.s32 s31, s20;
	s1 =	smul.u32 $0x66666667, s19;
	s19 =	spop (v2sf)  }
0x14f: {  	v32 =	vmov s23;
	v29 =	vnsel vm3, $0x0, v29;
	s20 =	sshrl.u32 s0, $0x1F;
	s18 =	sshra.s32 s19, $0x1F;
	s11 =	smulhi.u32 $0x66666667, s19  }
0x150: {  	v32 =	vshll.u32 v32, $0xE;
	v31 =	vsel vm0, s16, v31;
	s0 =	sshra.s32 s0, $0x1F;
	v29 =	vsel vm0, s20, v29;
	s20 =	rddreg [dreg:$0x6];
	s18 =	smul.u32 $0x66666667, s18  }
0x151: {  	vm10 =	vcmask $0x2F2C;
	s2 =	sshra.s32 s2, $0xA;
	v31 =	vsel vm12, s0, v31;
	v29 =	vsel vm1, s25, v29;
	s25 =	rddreg [dreg:$0x5];
	s19 =	sadd.s32 s29, s22  }
0x152: {  	vm9 =	vcmask $0x3B38;
	v28 =	vsel vm1, s7, v28;
	v31 =	vsel vm1, s20, v31;
	s1 =	sadd.s32 s1, s8;
	s8 =	sadd.s32 s18, s11;
	s11 =	sshra.s32 s19, $0xA  }
0x153: {  	p0 =	sne.s32 s30, $0x1F00;
	s7 =	sshra.s32 s15, $0xA;
	v33 =	vmov s2;
	s26 =	spop (v2sf);
	v62 =	vsel vm2, s11, v28;
	v28 =	vsel vm13, s25, v31  }
0x154: {  	s15 =	sshrl.u32 s15, $0x1F;
	v33 =	vsel vm0, s7, v33;
	v29 =	vsel vm2, s14, v29;
	s16 =	smulhi.u32 $0x66666667, s26;
	s17 =	sshra.s32 s26, $0x1F;
	v28 =	vsel vm2, s9, v28  }
0x155: {  	v29 =	vsel vm4, s21, v29;
	s22 =	sshra.s32 s6, $0xA;
	s0 =	sshrl.u32 s19, $0x1F;
	s19 =	smul.u32 $0x66666667, s17;
	v31 =	vmov s13;
	v28 =	vsel vm14, s3, v28  }
.Ltmp7:
0x156: {  	s4 =	sshra.s32 s1, $0xA;
	v33 =	vsel vm1, s22, v33;
	s18 =	sshrl.u32 s6, $0x1F;
	v31 =	vsel vm0, s15, v31;
	v28 =	vsel vm4, s12, v28;
	(pc) =	sbr.rel @p0 .LBB2_13-.Ltmp7, $4  }
0x157: {  	s1 =	sshrl.u32 s1, $0x1F;
	v30 =	vsel vm2, s0, v30;
	s21 =	sshrl.u32 s8, $0x1F;
	s20 =	sshra.s32 s8, $0xA;
	v31 =	vsel vm1, s18, v31;
	v28 =	vsel vm15, s10, v28  }
0x158: {  	s22 =	sshra.s32 s8, $0x1F;
	v34 =	vsel vm5, s21, v29;
	s21 =	sadd.s32 s19, s16;
	v31 =	vsel vm2, s1, v31;
	v63 =	vsel vm5, s20, v28  }
0x159: {  	s30 =	sadd.s32 $0x40, s30;
	v29 =	vsel vm2, s4, v33;
	s25 =	sshrl.u32 s21, $0x1F;
	s26 =	sshra.s32 s21, $0xA;
	v28 =	vcombine.low v31, v30;
	v31 =	vsel vm10, s22, v63  }
0x15a: {  	v27 =	vmovc v32;
	s31 =	simm.s32 $0xAC50;
	s29 =	simm.s32 $0x0;
	v29 =	vcombine.low v29, v62;
	s0 =	sshra.s32 s21, $0x1F;
	v30 =	vsel vm6, s25, v34;
	v31 =	vsel vm6, s26, v31  }
0x15b: {  	v30 =	vsel vm9, s24, v30;
	v31 =	vsel vm8, s0, v31  }
0x15c: {  	v28 =	vperm.xlane v28, v4;
	v29 =	vperm.xlane v29, v4;
	v31 =	vsel vm9, s28, v31  }
0x15d: {  	v30 =	vperm.xlane v30, v6;
	v31 =	vperm.xlane v31, v6;
	_ =	sdelay $0x1  }
0x15e: {  	v28 =	vsel vm7, v30, v28;
	v29 =	vsel vm7, v31, v29  }
0x15f: {  	v28 =	vadd.s32 v28, v29  }
0x160: {  	v29 =	vmul.u32 $0xFFFFF600, v28  }
0x161: {  	v60 =	vsub.s32 $0x0, v26  }
0x162: {  	vm9 =	vlt.s32 v26, $0x1;
	vm10 =	vne.s32 v29, v60  }
0x163: {  	vm9 =	vmand vm9, vm10  }
0x164: {  	v61 =	vsel vm9, $0xFFFFFFFF, v3  }
0x165: {  	v28 =	vadd.s32 v61, v28  }
0x166: {  	v29 =	vshll.u32 v28, $0x4  }
0x167: {  	v29 =	vor.u32 v5, v29;
	_ =	sdelay $0x4  }
0x168: {  	v62 =	vld.idx.msk [tilespmem:v29+s31+$0x0], $0xffff  }
0x169: {  	s30 =	rddreg [dreg:$0x15]  }
0x16a: {  	s0 =	sadd.s32 $0x1, s30  }
0x16b: {  	p0 =	seq.s32 s0, $0x14  }
.Ltmp8:
0x16c: {  	v28 =	vmul.u32 $0xFFFFF600, v28;
	(pc) =	sbr.rel @!p0 .LBB2_12-.Ltmp8, $4  }
0x16d: {  	v27 =	vor.u32 v12, v27  }
0x16e: {  	vm10 =	vmmov vm11;
	v26 =	vadd.s32 v26, v28;
	v63 =	vadd.s32 $0x1, v62  }
0x16f: {  	s6 =	rddreg [dreg:$0x14];
	vm11 =	vmmov vm12;
	vm12 =	vmmov vm13;
	v26 =	vor.u32 v27, v26;
	[tilespmem:v29+s31+$0x0] =	vst.idx.msk $0xffff, v63  }
0x170: {  	s19 =	rddreg [dreg:$0x8];
	s6 =	sadd.s32 $0x7D0, s6;
	vm13 =	vmmov vm14;
	vm14 =	vmmov vm15;
	vm15 =	vcmask $0x2F2C;
	[tilespmem:v62+s29+$0x0] =	vst.idx.msk $0xffff, v26  }
0x171: {  	s11 =	rddreg [dreg:$0x1]  }
0x172: {  	s12 =	rddreg [dreg:$0x3]  }
0x173: {  	s13 =	rddreg [dreg:$0x9]  }
0x174: {  	s14 =	rddreg [dreg:$0xa]  }
0x175: {  	s15 =	rddreg [dreg:$0xb]  }
0x176: {  	s17 =	rddreg [dreg:$0xc]  }
0x177: {  	s18 =	rddreg [dreg:$0xd]  }
.Ltmp9:
0x178: {  	s20 =	rddreg [dreg:$0xe];
	(pc) =	sbr.rel .LBB2_16-.Ltmp9, $4  }
0x179: {  	s21 =	rddreg [dreg:$0xf]  }
0x17a: {  	s22 =	rddreg [dreg:$0x10]  }
0x17b: {  	s4 =	simm.s32 $0x0;
	s10 =	stileid.u32;
	s23 =	rddreg [dreg:$0x11]  }
0x17c: {  	vm9 =	vcmask $0x3B38;
	vm7 =	vcmask $0x3734;
	s24 =	simm.s32 $0x19960;
	s25 =	simm.s32 $0xA;
	s28 =	simm.s32 $0x70  }
.LBB2_23:
0x17d: {  	s0 =	smul.u32 $0xA00, s4;
	_ =	sdelay $0x1  }
0x17e: {  	s0 =	sadd.s32 s17, s0  }
0x17f: {  	[bflag:$0x0] =	sbarrier.arrive $0xFFFF;
	s0 =	sshll.u32 s0, $0x7  }
0x180: {  	s1 =	sshll.u32 s10, $0x6;
	s4 =	sadd.s32 $0x1, s4;
	s0 =	sadd.s32 s23, s0  }
0x181: {  	s2 =	sshrl.u32 s18, $0x3;
	p0 =	sne.s32 s4, $0x7D;
	s0 =	sshrl.u32 s0, $0x3  }
.Ltmp10:
0x182: {  	s1 =	sor.u32 $0x1C0A, s1;
	s0 =	sadd.s32 s15, s0;
	(pc) =	sbr.rel @!p0 .LBB2_24-.Ltmp10, $4  }
0x183: {  	[hbm:s0], [sflag:s1] =	dma.local [spmem:s2], $0xA00  }
0x184: {  	_ =	swait.ge [sflag:s25], $0xA00  }
0x185: {  	[sflag:s25] =	ssyncset.done $0x0  }
0x186: {  	[sflag:s25] =	ssyncadd.s32 $0xFFFFF600  }
.LBB2_16:
0x187: {  	[spmem:s18] =	stream.linear.scatter [tilespmem:s24], [sflag:$0xA], $0x1400, $0x38;
	[tilespmem:$0x1FDE0] =	vst v63  }
0x188: {  	_ =	swait.ge [sflag:s25], $0x1400  }
0x189: {  	[sflag:s25] =	ssyncset.done $0x0  }
0x18a: {  	[sflag:s25] =	ssyncadd.s32 $0xFFFFEC00  }
0x18b: {  	[spmem:s20] =	stream.linear.scatter [tilespmem:s24], [sflag:$0xA], $0x1400, $0x38;
	[tilespmem:$0x1FDE0] =	vst v63  }
0x18c: {  	_ =	swait.ge [sflag:s25], $0x1400  }
0x18d: {  	[sflag:s25] =	ssyncset.done $0x0  }
0x18e: {  	[sflag:s25] =	ssyncadd.s32 $0xFFFFEC00  }
0x18f: {  	[spmem:s21] =	stream.linear.scatter [tilespmem:s24], [sflag:$0xA], $0x1400, $0x38;
	[tilespmem:$0x1FDE0] =	vst v63  }
0x190: {  	_ =	swait.ge [sflag:s25], $0x1400  }
0x191: {  	[sflag:s25] =	ssyncset.done $0x0  }
0x192: {  	[sflag:s25] =	ssyncadd.s32 $0xFFFFEC00  }
0x193: {  	[spmem:s22] =	stream.linear.scatter [tilespmem:s24], [sflag:$0xA], $0x1400, $0x38;
	[tilespmem:$0x1FDE0] =	vst v63  }
0x194: {  	_ =	swait.ge [sflag:s25], $0x1400  }
0x195: {  	[sflag:s25] =	ssyncset.done $0x0  }
0x196: {  	[sflag:s25] =	ssyncadd.s32 $0xFFFFEC00  }
0x197: {  	[bflag:$0x0] =	sbarrier.arrive $0xFFFF  }
0x198: {  	s16 =	sld [smem:s4+$0x0]  }
0x199: {  	s0 =	sld [smem:s4+$0x1];
	_ =	sdelay $0x2  }
0x19a: {  	s0 =	ssub.s32 s0, s16  }
0x19b: {  	s1 =	sadd.s32 $0x6F, s0  }
0x19c: {  	s2 =	smulhi.u32 $0x92492493, s1;
	s3 =	sshra.s32 s1, $0x1F  }
0x19d: {  	s5 =	ssub.s32 $0xFFFFFF91, s0;
	s3 =	smul.u32 $0x92492493, s3  }
0x19e: {  	s2 =	sadd.s32 s5, s2  }
0x19f: {  	s2 =	sadd.s32 s3, s2  }
0x1a0: {  	s2 =	sadd.s32 s1, s2  }
0x1a1: {  	s31 =	sshrl.u32 s2, $0x1F;
	s2 =	sshra.s32 s2, $0x6  }
0x1a2: {  	s2 =	sadd.s32 s31, s2  }
0x1a3: {  	s3 =	smul.u32 $0xFFFFFF90, s2;
	_ =	sdelay $0x1  }
0x1a4: {  	p0 =	slt.s32 s1, $0x1;
	p1 =	sne.s32 s3, s5  }
0x1a5: {  	p0 =	por !p0, !p1  }
0x1a6: {  	s1 =	simm.s32 $0x1;
	p0 =	por !p0, !p0  }
0x1a7: {  	s1 =	simm.s32 @!p0 $0x0  }
0x1a8: {  	s29 =	ssub.s32 s2, s1  }
0x1a9: {  	p0 =	slt.s32 s29, $0x1  }
.Ltmp11:
0x1aa: {  	_ = 	snop;
	(pc) =	sbr.rel @p0 .LBB2_23-.Ltmp11, $1  }
0x1ab: {  	_ =	sdelay $0x3  }
0x1ac: {  	v27 =	vld [tilespmem:s16+$0x0];
	_ =	sdelay $0x4  }
0x1ad: {  	v26 =	vmov s0;
	v28 =	vshra.s32 v27, $0xE  }
0x1ae: {  	vm9 =	vgt.s32 v26, v5;
	v27 =	vand.u32 $0x3FFF, v27;
	v28 =	vadd.s32 v0, v28  }
0x1af: {  	s0 =	sand.u32 $0xFFFFFFF8, s16;
	s30 =	sand.u32 $0x7, s16;
	v27 =	vsel vm9, v27, v1;
	[tilespmem:$0xB420] =	vst v28  }
0x1b0: {  	s1 =	sor.u32 s30, s0;
	[tilespmem:$0xB7A0] =	vst v27  }
0x1b1: {  	v27 =	vld [tilespmem:s1+$0x10];
	_ =	sdelay $0x4  }
0x1b2: {  	v28 =	vshra.s32 v27, $0xE  }
0x1b3: {  	vm9 =	vgt.s32 v26, v13;
	v27 =	vand.u32 $0x3FFF, v27;
	v28 =	vadd.s32 v0, v28  }
0x1b4: {  	v27 =	vsel vm9, v27, v1;
	[tilespmem:$0xB430] =	vst v28  }
0x1b5: {  	[tilespmem:$0xB7B0] =	vst v27  }
0x1b6: {  	v27 =	vld [tilespmem:s1+$0x20];
	_ =	sdelay $0x4  }
0x1b7: {  	v28 =	vshra.s32 v27, $0xE  }
0x1b8: {  	vm9 =	vgt.s32 v26, v14;
	v27 =	vand.u32 $0x3FFF, v27;
	v28 =	vadd.s32 v0, v28  }
0x1b9: {  	v27 =	vsel vm9, v27, v1;
	[tilespmem:$0xB440] =	vst v28  }
0x1ba: {  	[tilespmem:$0xB7C0] =	vst v27  }
0x1bb: {  	v27 =	vld [tilespmem:s1+$0x30];
	_ =	sdelay $0x4  }
0x1bc: {  	v28 =	vshra.s32 v27, $0xE  }
0x1bd: {  	vm9 =	vgt.s32 v26, v15;
	v27 =	vand.u32 $0x3FFF, v27;
	v28 =	vadd.s32 v0, v28  }
0x1be: {  	v27 =	vsel vm9, v27, v1;
	[tilespmem:$0xB450] =	vst v28  }
0x1bf: {  	[tilespmem:$0xB7D0] =	vst v27  }
0x1c0: {  	v27 =	vld [tilespmem:s1+$0x40];
	_ =	sdelay $0x4  }
0x1c1: {  	v28 =	vshra.s32 v27, $0xE  }
0x1c2: {  	vm9 =	vgt.s32 v26, v16;
	v27 =	vand.u32 $0x3FFF, v27;
	v28 =	vadd.s32 v0, v28  }
0x1c3: {  	v27 =	vsel vm9, v27, v1;
	[tilespmem:$0xB460] =	vst v28  }
0x1c4: {  	[tilespmem:$0xB7E0] =	vst v27  }
0x1c5: {  	v27 =	vld [tilespmem:s1+$0x50];
	_ =	sdelay $0x4  }
0x1c6: {  	v28 =	vshra.s32 v27, $0xE  }
0x1c7: {  	vm9 =	vgt.s32 v26, v17;
	v27 =	vand.u32 $0x3FFF, v27;
	v28 =	vadd.s32 v0, v28  }
0x1c8: {  	v27 =	vsel vm9, v27, v1;
	[tilespmem:$0xB470] =	vst v28  }
0x1c9: {  	[tilespmem:$0xB7F0] =	vst v27  }
0x1ca: {  	v27 =	vld [tilespmem:s1+$0x60];
	_ =	sdelay $0x4  }
0x1cb: {  	v28 =	vshra.s32 v27, $0xE  }
0x1cc: {  	vm9 =	vgt.s32 v26, v18;
	v27 =	vand.u32 $0x3FFF, v27;
	v28 =	vadd.s32 v0, v28  }
0x1cd: {  	v27 =	vsel vm9, v27, v1;
	[tilespmem:$0xB480] =	vst v28  }
0x1ce: {  	s8 =	simm.s32 $0xB420;
	s2 =	simm.s32 $0xB5E0;
	s3 =	simm.s32 $0x2;
	[tilespmem:$0xB800] =	vst v27  }
0x1cf: {  	[tilespmem:s2], [sflag:$0x2] =	stream.indirect.gather [hbm4b:s11+s28], $0x1, s8, s28, $0xb8;
	[tilespmem:$0x1FDE0] =	vst v63  }
0x1d0: {  	_ =	swait.ge [sflag:s3], $0x70  }
0x1d1: {  	[sflag:s3] =	ssyncset.done $0x0  }
0x1d2: {  	s9 =	simm.s32 $0xB960;
	p0 =	seq.s32 s29, $0x1;
	[sflag:s3] =	ssyncadd.s32 $0xFFFFFF90  }
0x1d3: {  	[tilespmem:s9], [sflag:$0x6] =	stream.indirect.gather [hbm4b:s13+s28], $0x80, s2, s28, $0xb8;
	[tilespmem:$0x1FDE0] =	vst v63  }
0x1d4: {  	s26 =	simm.s32 $0x12960;
	s0 =	sadd.s32 @!p0 s30, s0  }
0x1d5: {  	[tilespmem:s26], [sflag:$0x8] =	stream.indirect.gather [hbm4b:s14+s28], $0x80, s8, s28, $0xb8;
	[tilespmem:$0x1FDE0] =	vst v63  }
0x1d6: {  	v27 =	vld @!p0 [tilespmem:s0+$0x70];
	_ =	sdelay $0x4  }
0x1d7: {  	v28 =	vshra.s32 @!p0 v27, $0xE  }
0x1d8: {  	vm9 =	vgt.s32 @!p0 v26, v19;
	v27 =	vand.u32 @!p0 $0x3FFF, v27;
	v28 =	vadd.s32 @!p0 v0, v28  }
0x1d9: {  	v27 =	vsel @!p0 vm9, v27, v1;
	[tilespmem:$0xB490] =	vst @!p0 v28  }
0x1da: {  	[tilespmem:$0xB810] =	vst @!p0 v27  }
0x1db: {  	v27 =	vld @!p0 [tilespmem:s0+$0x80];
	_ =	sdelay $0x4  }
0x1dc: {  	v28 =	vshra.s32 @!p0 v27, $0xE  }
0x1dd: {  	vm9 =	vgt.s32 @!p0 v26, v20;
	v27 =	vand.u32 @!p0 $0x3FFF, v27;
	v28 =	vadd.s32 @!p0 v0, v28  }
0x1de: {  	v27 =	vsel @!p0 vm9, v27, v1;
	[tilespmem:$0xB4A0] =	vst @!p0 v28  }
0x1df: {  	[tilespmem:$0xB820] =	vst @!p0 v27  }
0x1e0: {  	v27 =	vld @!p0 [tilespmem:s0+$0x90];
	_ =	sdelay $0x4  }
0x1e1: {  	v28 =	vshra.s32 @!p0 v27, $0xE  }
0x1e2: {  	vm9 =	vgt.s32 @!p0 v26, v21;
	v27 =	vand.u32 @!p0 $0x3FFF, v27;
	v28 =	vadd.s32 @!p0 v0, v28  }
0x1e3: {  	v27 =	vsel @!p0 vm9, v27, v1;
	[tilespmem:$0xB4B0] =	vst @!p0 v28  }
0x1e4: {  	[tilespmem:$0xB830] =	vst @!p0 v27  }
0x1e5: {  	v27 =	vld @!p0 [tilespmem:s0+$0xA0];
	_ =	sdelay $0x4  }
0x1e6: {  	v28 =	vshra.s32 @!p0 v27, $0xE  }
0x1e7: {  	vm9 =	vgt.s32 @!p0 v26, v22;
	v27 =	vand.u32 @!p0 $0x3FFF, v27;
	v28 =	vadd.s32 @!p0 v0, v28  }
0x1e8: {  	v27 =	vsel @!p0 vm9, v27, v1;
	[tilespmem:$0xB4C0] =	vst @!p0 v28  }
0x1e9: {  	[tilespmem:$0xB840] =	vst @!p0 v27  }
0x1ea: {  	v27 =	vld @!p0 [tilespmem:s0+$0xB0];
	_ =	sdelay $0x4  }
0x1eb: {  	v28 =	vshra.s32 @!p0 v27, $0xE  }
0x1ec: {  	vm9 =	vgt.s32 @!p0 v26, v23;
	v27 =	vand.u32 @!p0 $0x3FFF, v27;
	v28 =	vadd.s32 @!p0 v0, v28  }
0x1ed: {  	v27 =	vsel @!p0 vm9, v27, v1;
	[tilespmem:$0xB4D0] =	vst @!p0 v28  }
0x1ee: {  	[tilespmem:$0xB850] =	vst @!p0 v27  }
0x1ef: {  	v27 =	vld @!p0 [tilespmem:s0+$0xC0];
	_ =	sdelay $0x4  }
0x1f0: {  	v28 =	vshra.s32 @!p0 v27, $0xE  }
0x1f1: {  	vm9 =	vgt.s32 @!p0 v26, v24;
	v27 =	vand.u32 @!p0 $0x3FFF, v27;
	v28 =	vadd.s32 @!p0 v0, v28  }
0x1f2: {  	v27 =	vsel @!p0 vm9, v27, v1;
	[tilespmem:$0xB4E0] =	vst @!p0 v28  }
0x1f3: {  	[tilespmem:$0xB860] =	vst @!p0 v27  }
0x1f4: {  	v27 =	vld @!p0 [tilespmem:s0+$0xD0];
	_ =	sdelay $0x4  }
0x1f5: {  	v28 =	vshra.s32 @!p0 v27, $0xE  }
0x1f6: {  	vm9 =	vgt.s32 @!p0 v26, v25;
	v27 =	vand.u32 @!p0 $0x3FFF, v27;
	v28 =	vadd.s32 @!p0 v0, v28  }
0x1f7: {  	v27 =	vsel @!p0 vm9, v27, v1;
	[tilespmem:$0xB4F0] =	vst @!p0 v28  }
0x1f8: {  	s1 =	simm.s32 @!p0 $0xB650;
	s0 =	simm.s32 @!p0 $0xB490;
	[tilespmem:$0xB870] =	vst @!p0 v27  }
0x1f9: {  	[tilespmem:s1], [sflag:$0x3] =	stream.indirect.gather @!p0 [hbm4b:s11+s28], $0x1, s0, s28, $0xb8;
	[tilespmem:$0x1FDE0] =	vst v63  }
0x1fa: {  	s31 =	simm.s32 $0x0;
	vm9 =	vcmask $0x3B38;
	v27 =	vmov s16;
	p0 =	por $0x0, $0x0  }
.LBB2_18:
0x1fb: {  	s26 =	sand.u32 $0x1, s31  }
0x1fc: {  	s0 =	sor.u32 $0x6, s26  }
0x1fd: {  	_ =	swait.ge [sflag:s0], $0x3800  }
0x1fe: {  	[sflag:s0] =	ssyncset.done $0x0  }
0x1ff: {  	[sflag:s0] =	ssyncadd.s32 $0xFFFFC800;
	s0 =	sadd.s32 $0x2, s31  }
0x200: {  	p1 =	sge.s32 s0, s29  }
.Ltmp12:
0x201: {  	_ = 	snop;
	(pc) =	sbr.rel @p1 .LBB2_20-.Ltmp12, $4  }
0x202: {  	s1 =	sor.u32 $0x8, s26  }
0x203: {  	_ =	swait.ge [sflag:s1], $0x3800  }
0x204: {  	[sflag:s1] =	ssyncset.done $0x0  }
0x205: {  	[sflag:s1] =	ssyncadd.s32 $0xFFFFC800  }
0x206: {  	_ =	sdelay $0x1  }
0x207: {  	s9 =	smul.u32 $0x70, s0;
	_ =	sdelay $0x1  }
0x208: {  	v28 =	vld.idx.msk [tilespmem:v27+s9+$0x0 ss:$0x1], $0xffff;
	_ =	sdelay $0x3  }
0x209: {  	s0 =	sand.u32 $0x3, s0  }
0x20a: {  	s3 =	smul.u32 $0x70, s0;
	v29 =	vor.u32 s9, v5;
	v30 =	vshra.s32 v28, $0xE  }
0x20b: {  	s1 =	sadd.s32 s16, s9;
	vm9 =	vlt.s32 v29, v26;
	v28 =	vand.u32 $0x3FFF, v28;
	v29 =	vadd.s32 v0, v30  }
0x20c: {  	s1 =	sand.u32 $0xFFFFFFF8, s1;
	v28 =	vsel vm9, v28, v1;
	[tilespmem:s3+$0xB420] =	vst v29  }
0x20d: {  	s1 =	sor.u32 s30, s1;
	[tilespmem:s3+$0xB7A0] =	vst v28  }
0x20e: {  	v28 =	vld [tilespmem:s1+$0x10];
	_ =	sdelay $0x3  }
0x20f: {  	s2 =	sadd.s32 $0x10, s9  }
0x210: {  	v29 =	vor.u32 s2, v5;
	v58 =	vshra.s32 v28, $0xE  }
0x211: {  	vm9 =	vlt.s32 v29, v26;
	v28 =	vand.u32 $0x3FFF, v28;
	v29 =	vadd.s32 v0, v58  }
0x212: {  	v28 =	vsel vm9, v28, v1;
	[tilespmem:s3+$0xB430] =	vst v29  }
0x213: {  	[tilespmem:s3+$0xB7B0] =	vst v28  }
0x214: {  	v28 =	vld [tilespmem:s1+$0x20];
	_ =	sdelay $0x3  }
0x215: {  	s7 =	sadd.s32 $0x20, s9  }
0x216: {  	v29 =	vor.u32 s7, v5;
	v59 =	vshra.s32 v28, $0xE  }
0x217: {  	vm9 =	vlt.s32 v29, v26;
	v28 =	vand.u32 $0x3FFF, v28;
	v29 =	vadd.s32 v0, v59  }
0x218: {  	v28 =	vsel vm9, v28, v1;
	[tilespmem:s3+$0xB440] =	vst v29  }
0x219: {  	[tilespmem:s3+$0xB7C0] =	vst v28  }
0x21a: {  	v28 =	vld [tilespmem:s1+$0x30];
	_ =	sdelay $0x3  }
0x21b: {  	s8 =	sadd.s32 $0x30, s9  }
0x21c: {  	v29 =	vor.u32 s8, v5;
	v60 =	vshra.s32 v28, $0xE  }
0x21d: {  	vm9 =	vlt.s32 v29, v26;
	v28 =	vand.u32 $0x3FFF, v28;
	v29 =	vadd.s32 v0, v60  }
0x21e: {  	v28 =	vsel vm9, v28, v1;
	[tilespmem:s3+$0xB450] =	vst v29  }
0x21f: {  	[tilespmem:s3+$0xB7D0] =	vst v28  }
0x220: {  	v28 =	vld [tilespmem:s1+$0x40];
	_ =	sdelay $0x3  }
0x221: {  	s5 =	sadd.s32 $0x40, s9  }
0x222: {  	v29 =	vor.u32 s5, v5;
	v61 =	vshra.s32 v28, $0xE  }
0x223: {  	vm9 =	vlt.s32 v29, v26;
	v28 =	vand.u32 $0x3FFF, v28;
	v29 =	vadd.s32 v0, v61  }
0x224: {  	v28 =	vsel vm9, v28, v1;
	[tilespmem:s3+$0xB460] =	vst v29  }
0x225: {  	[tilespmem:s3+$0xB7E0] =	vst v28  }
0x226: {  	v28 =	vld [tilespmem:s1+$0x50];
	_ =	sdelay $0x3  }
0x227: {  	s6 =	sadd.s32 $0x50, s9  }
0x228: {  	v29 =	vor.u32 s6, v5;
	v62 =	vshra.s32 v28, $0xE  }
0x229: {  	vm9 =	vlt.s32 v29, v26;
	v28 =	vand.u32 $0x3FFF, v28;
	v29 =	vadd.s32 v0, v62  }
0x22a: {  	v28 =	vsel vm9, v28, v1;
	[tilespmem:s3+$0xB470] =	vst v29  }
0x22b: {  	[tilespmem:s3+$0xB7F0] =	vst v28  }
0x22c: {  	v28 =	vld [tilespmem:s1+$0x60];
	_ =	sdelay $0x3  }
0x22d: {  	s7 =	sadd.s32 $0x60, s9  }
0x22e: {  	v29 =	vor.u32 s7, v5;
	v63 =	vshra.s32 v28, $0xE  }
0x22f: {  	vm9 =	vlt.s32 v29, v26;
	v28 =	vand.u32 $0x3FFF, v28;
	v29 =	vadd.s32 v0, v63  }
0x230: {  	v28 =	vsel vm9, v28, v1;
	[tilespmem:s3+$0xB480] =	vst v29  }
0x231: {  	s0 =	sadd.s32 $0x2, s0;
	s9 =	sadd.s32 $0xB5E0, s3;
	s8 =	sadd.s32 $0xB420, s3;
	[tilespmem:s3+$0xB800] =	vst v28  }
0x232: {  	vm9 =	vcmask $0x3B38;
	[tilespmem:s9], [sflag:s0] =	stream.indirect.gather [hbm4b:s11+s28], $0x1, s8, s28, $0xb8;
	[tilespmem:$0x1FDE0] =	vst v63  }
.LBB2_20:
0x233: {  	s0 =	simm.s32 $0x1  }
0x234: {  	s0 =	simm.s32 @!p0 $0x0  }
0x235: {  	s0 =	smul.u32 $0xE000, s0;
	_ =	sdelay $0x1  }
0x236: {  	s0 =	sshrl.u32 s0, $0x2  }
0x237: {  	s1 =	sadd.s32 $0xB980, s0  }
0x238: {  	s0 =	sadd.s32 $0x12990, s0;
	v28 =	vmov s1  }
0x239: {  	v29 =	vmov s0;
	_ =	sdelay $0x2  }
0x23a: {  	s3 =	simm.s32 $0x0  }
0x23b: {  	v30 =	vld.idx.msk [tilespmem:v28+s3+$0xFFFFFFE0 ss:$0x1], $0xffff  }
0x23c: {  	v31 =	vld.idx.msk [tilespmem:v29+s3+$0xFFFFFFD0 ss:$0x1], $0xffff;
	_ =	sdelay $0x4  }
0x23d: {  	v30 =	vmul.f32 v31, v30;
	_ =	sdelay $0x1  }
0x23e: {  	[tilespmem:v28+s3+$0xFFFFFFE0 ss:$0x1] =	vst.idx.msk $0xffff, v30  }
0x23f: {  	v30 =	vld.idx.msk [tilespmem:v28+s3+$0xFFFFFFF0 ss:$0x1], $0xffff  }
0x240: {  	v31 =	vld.idx.msk [tilespmem:v29+s3+$0xFFFFFFE0 ss:$0x1], $0xffff;
	_ =	sdelay $0x4  }
0x241: {  	v30 =	vmul.f32 v31, v30;
	_ =	sdelay $0x1  }
0x242: {  	[tilespmem:v28+s3+$0xFFFFFFF0 ss:$0x1] =	vst.idx.msk $0xffff, v30  }
0x243: {  	v30 =	vld.idx.msk [tilespmem:v28+s3+$0x0 ss:$0x1], $0xffff  }
0x244: {  	v31 =	vld.idx.msk [tilespmem:v29+s3+$0xFFFFFFF0 ss:$0x1], $0xffff;
	_ =	sdelay $0x4  }
0x245: {  	v30 =	vmul.f32 v31, v30;
	_ =	sdelay $0x1  }
0x246: {  	[tilespmem:v28+s3+$0x0 ss:$0x1] =	vst.idx.msk $0xffff, v30  }
0x247: {  	v30 =	vld.idx.msk [tilespmem:v28+s3+$0x10 ss:$0x1], $0xffff  }
0x248: {  	s9 =	simm.s32 $0x200;
	s0 =	sand.u32 $0x3, s31;
	v31 =	vld.idx.msk [tilespmem:v29+s3+$0x0 ss:$0x1], $0xffff  }
.LBB2_21:
0x249: {  	_ =	sdelay $0x1  }
0x24a: {  	p1 =	sne.s32 s9, $0xDE00;
	s1 =	smov.u32 s9;
	s9 =	sadd.s32 $0x200, s9  }
0x24b: {  	_ = 	snop  }
0x24c: {  	v30 =	vmul.f32 v31, v30;
	_ =	sdelay $0x1  }
0x24d: {  	[tilespmem:v28+s3+$0x10 ss:$0x1] =	vst.idx.msk $0xffff, v30;
	s3 =	sshra.s32 s1, $0x2  }
0x24e: {  	v30 =	vld.idx.msk [tilespmem:v28+s3+$0xFFFFFFE0 ss:$0x1], $0xffff  }
0x24f: {  	v31 =	vld.idx.msk [tilespmem:v29+s3+$0xFFFFFFD0 ss:$0x1], $0xffff;
	_ =	sdelay $0x5  }
0x250: {  	v30 =	vmul.f32 v31, v30;
	_ =	sdelay $0x1  }
0x251: {  	[tilespmem:v28+s3+$0xFFFFFFE0 ss:$0x1] =	vst.idx.msk $0xffff, v30  }
0x252: {  	v30 =	vld.idx.msk [tilespmem:v28+s3+$0xFFFFFFF0 ss:$0x1], $0xffff  }
0x253: {  	v31 =	vld.idx.msk [tilespmem:v29+s3+$0xFFFFFFE0 ss:$0x1], $0xffff;
	_ =	sdelay $0x5  }
0x254: {  	v30 =	vmul.f32 v31, v30;
	_ =	sdelay $0x1  }
0x255: {  	[tilespmem:v28+s3+$0xFFFFFFF0 ss:$0x1] =	vst.idx.msk $0xffff, v30  }
0x256: {  	v30 =	vld.idx.msk [tilespmem:v28+s3+$0x0 ss:$0x1], $0xffff  }
0x257: {  	v31 =	vld.idx.msk [tilespmem:v29+s3+$0xFFFFFFF0 ss:$0x1], $0xffff;
	_ =	sdelay $0x5  }
.Ltmp13:
0x258: {  	v30 =	vmul.f32 v31, v30;
	(pc) =	sbr.rel @p1 .LBB2_21-.Ltmp13, $4  }
0x259: {  	_ = 	snop  }
0x25a: {  	[tilespmem:v28+s3+$0x0 ss:$0x1] =	vst.idx.msk $0xffff, v30  }
0x25b: {  	v30 =	vld.idx.msk [tilespmem:v28+s3+$0x10 ss:$0x1], $0xffff  }
0x25c: {  	v31 =	vld.idx.msk [tilespmem:v29+s3+$0x0 ss:$0x1], $0xffff  }
0x25d: {  	_ =	sdelay $0x2  }
0x25e: {  	s31 =	sadd.s32 $0x1, s31  }
0x25f: {  	s9 =	smul.u32 $0xE000, s26;
	p1 =	sge.s32 s31, s29;
	v29 =	vmul.f32 v31, v30  }
0x260: {  	s0 =	smul.u32 $0x1C0, s0;
	s1 =	sand.u32 @!p1 $0x3, s31;
	s2 =	sand.u32 @!p1 $0x1, s31  }
0x261: {  	s8 =	simm.s32 @!p1 $0x70;
	s5 =	smul.u32 @!p1 $0x3800, s2;
	[tilespmem:v28+s3+$0x10 ss:$0x1] =	vst.idx.msk $0xffff, v29;
	s3 =	sadd.s32 @!p1 $0x2, s1  }
0x262: {  	s26 =	sshrl.u32 s9, $0x2;
	s1 =	smul.u32 @!p1 $0x70, s1;
	_ =	swait.ge @!p1 [sflag:s3], $0x70  }
0x263: {  	s0 =	sshrl.u32 s0, $0x2;
	s7 =	sor.u32 @!p1 $0x6, s2;
	[sflag:s3] =	ssyncset.done @!p1 $0x0  }
0x264: {  	s6 =	sadd.s32 @!p1 $0xB5E0, s1;
	[sflag:s3] =	ssyncadd.s32 @!p1 $0xFFFFFF90;
	s3 =	sadd.s32 @!p1 $0xB960, s5  }
0x265: {  	[tilespmem:s3], [sflag:s7] =	stream.indirect.gather @!p1 [hbm4b:s13+s8], $0x80, s6, s8, $0xb8;
	[tilespmem:$0x1FDE0] =	vst v63  }
0x266: {  	s2 =	sor.u32 @!p1 $0x8, s2;
	s1 =	sadd.s32 @!p1 $0xB420, s1;
	s3 =	sadd.s32 @!p1 $0x12960, s5  }
0x267: {  	[tilespmem:s3], [sflag:s2] =	stream.indirect.gather @!p1 [hbm4b:s14+s8], $0x80, s1, s8, $0xb8;
	[tilespmem:$0x1FDE0] =	vst v63  }
0x268: {  	s0 =	sadd.s32 $0xB7A0, s0;
	s1 =	sadd.s32 $0xB960, s26;
	p1 =	sne.s32 s31, s29  }
0x269: {  	[spmem:s12] =	stream.indirect.scatter.add.f32 [tilespmem:s1], [sflag:$0xA], $0x80, s0, s28, $0xb8;
	[tilespmem:$0x1FDE0] =	vst v63  }
.Ltmp14:
0x26a: {  	_ = 	snop;
	(pc) =	sbr.rel @p1 .LBB2_18-.Ltmp14, $4  }
.Ltmp15:
0x26b: {  	_ = 	snop;
	(pc) =	sbr.rel @!p1 .LBB2_23-.Ltmp15, $4  }
0x26c: {  	_ =	swait.ge [sflag:s25], $0x3800  }
0x26d: {  	[sflag:s25] =	ssyncset.done $0x0  }
0x26e: {  	p0 =	por !p0, !p0;
	[sflag:s25] =	ssyncadd.s32 $0xFFFFC800  }
0x26f: {  	_ = 	snop  }
.LBB2_25:
0x270: {  	_ =	sfence.sel $0x180000  }
0x271: {  	[bflag:$0x0] =	sbarrier.arrive $0xFFFF  }
0x272: {  	_ =	strace $0x90000047  }
0x273: {  	[bflag:$0x2] =	sbarrier.arrive $0xFFFF  }
0x274: {  	p0 =	sne.s32 s10, $0x0;
	s0 =	rddreg [dreg:$0x4]  }
0x275: {  	s0 =	sadd.s32 @!p0 $0x100000, s0  }
0x276: {  	[sflag:s0] =	ssyncadd.tile.s32 @!p0 $0x1;
	_ =	shalt  }
.Lfunc_end2:
_tile_overlayer_lowered:
.L_overlay_start_2:
0x277: {  	(tag) =	ssettag $0x2  }
0x278: {  	s0 =	rddreg [dreg:$0x0];
	s2 =	stileid.u32  }
0x279: {  	s1 =	rddreg [dreg:$0x1];
	p0 =	sne.s32 s2, $0x0  }
0x27a: {  	s3 =	rddreg [dreg:$0x2];
	[bflag:$0x3] =	sbarrier.arrive $0xFFFF;
	s2 =	simm.s32 @!p0 $0x1C0A  }
0x27b: {  	[timem:s3], [sflag:s2] =	dma.local @!p0 [hbm:s0], s1  }
0x27c: {  	s0 =	simm.s32 @!p0 $0xA  }
0x27d: {  	_ =	swait.ge @!p0 [sflag:s0], s1  }
0x27e: {  	s1 =	ssub.s32 @!p0 $0x0, s1;
	[sflag:s0] =	ssyncset.done @!p0 $0x0  }
0x27f: {  	[sflag:s0] =	ssyncadd.s32 @!p0 s1  }
0x280: {  	[bflag:$0x3] =	sbarrier.arrive $0xFFFF  }
0x281: {  	_ =	shalt  }

</sc_bundles>
